<compile_context>
chip_gen: v7x
topology: tpu7x:2x2x1
jax: 0.10.2.dev20260603
libtpu: 0.0.44.dev20260713+nightly
codegen_flags: <defaults>
</compile_context>

<pallas_src>
import functools

import jax
import jax.numpy as jnp
from jax import lax
from jax.experimental import pallas as pl
from jax.experimental.pallas import tpu as pltpu
from jax.experimental.pallas import tpu_sc as plsc

NF = 384
G = 6
NG = 192 // G


def kernel(x, indices):
    B, C, H, W = x.shape
    x3 = x.reshape(B * C, H, W)
    zplanes = jnp.zeros((32, G, H, W), x.dtype)

    mesh = plsc.VectorSubcoreMesh(core_axis_name="c", subcore_axis_name="s")

    @functools.partial(
        pl.kernel,
        out_type=jax.ShapeDtypeStruct((B * NF, H, W), x.dtype),
        mesh=mesh,
        scratch_types=[
            pltpu.VMEM((208,), jnp.int32),
            pltpu.VMEM((2, G, H, W), x.dtype),
            pltpu.VMEM((G, H, W), x.dtype),
            pltpu.SemaphoreType.DMA,
            pltpu.SemaphoreType.DMA,
            pltpu.SemaphoreType.DMA,
            pltpu.SemaphoreType.DMA,
        ],
        compiler_params=pltpu.CompilerParams(
            use_tc_tiling_on_sc=True, needs_layout_passes=False
        ),
    )
    def sc_gather(x_hbm, idx_hbm, z_hbm, out_hbm, idx_v, buf_v, zbank_v,
                  gsem0, gsem1, ssem0, ssem1):
        gsems = (gsem0, gsem1)
        ssems = (ssem0, ssem1)
        wid = lax.axis_index("c") * 16 + lax.axis_index("s")
        b = wid // 2
        i0 = (wid % 2) * 192
        bC = b * C
        ob = b * NF

        pltpu.sync_copy(idx_hbm.at[pl.ds(i0, 192)], idx_v.at[pl.ds(0, 192)])
        pltpu.sync_copy(z_hbm.at[wid], zbank_v)

        lanes = lax.iota(jnp.int32, 16) < G

        def drain6(sem):
            pltpu.make_async_copy(x_hbm.at[pl.ds(0, G)], buf_v.at[0],
                                  sem).wait()

        def fire_gathers(g, bank):
            iv = idx_v[pl.ds(g * G, 16)]
            valid = (iv < C) & lanes
            allpad = plsc.all_reduce_population_count(valid)[0] == 0

            @pl.when(jnp.logical_not(allpad))
            def _gather():
                for j in range(G):
                    v = iv[j]

                    @pl.when(v < C)
                    def _plane(j=j, v=v):
                        pltpu.async_copy(x_hbm.at[bC + v], buf_v.at[bank, j],
                                         gsems[bank])

                    @pl.when(v >= C)
                    def _fill(j=j):
                        pltpu.async_copy(z_hbm.at[wid, j], buf_v.at[bank, j],
                                         gsems[bank])

            return allpad

        def fire_store(g, bank, allpad):
            ch0 = i0 + g * G

            @pl.when(allpad)
            def _z():
                pltpu.async_copy(zbank_v, out_hbm.at[pl.ds(ob + ch0, G)],
                                 ssems[bank])

            @pl.when(jnp.logical_not(allpad))
            def _d():
                drain6(gsems[bank])
                pltpu.async_copy(buf_v.at[bank], out_hbm.at[pl.ds(ob + ch0, G)],
                                 ssems[bank])

        pad0 = fire_gathers(0, 0)
        pad1 = fire_gathers(1, 1)
        fire_store(0, 0, pad0)

        def pair(p, pad_prev):
            gA = 2 * p
            drain6(ssems[0])
            padA = fire_gathers(gA, 0)
            fire_store(gA - 1, 1, pad_prev)
            drain6(ssems[1])
            padB = fire_gathers(gA + 1, 1)
            fire_store(gA, 0, padA)
            return padB

        pad_last = lax.fori_loop(1, NG // 2, pair, pad1)
        fire_store(NG - 1, 1, pad_last)
        drain6(ssems[0])
        drain6(ssems[1])

    out = sc_gather(x3, indices, zplanes)
    return out.reshape(B, NF, H, W)

# --- scband reference (transcript-rebuilt; emitter-appended) ---
"""Pipeline reference for scband-feature-map-scatter-14465449853082 (READ-ONLY COPY).

The authoritative reference and input builder live on the scoring server;
editing this copy changes nothing except your own understanding.
"""

import jax, jax.numpy as jnp
import numpy as np

NUM_FEATURES = 384

def setup_inputs(seed: int = 0) -> dict:
    key = jax.random.key(seed)
    x = jax.random.normal(key, (16, 192, 56, 56), dtype=jnp.float32)
    # buffer from __init__: indices defaults to arange(num_features)
    indices = jnp.arange(NUM_FEATURES, dtype=jnp.int32)
    return {"x": x, "indices": indices}

def reference(x, indices):
    B, C, H, W = x.shape
    pad = jnp.zeros((B, NUM_FEATURES - C, H, W), dtype=x.dtype)
    xf = jnp.concatenate([x, pad], axis=1)
    # x[:, indices, :, :] -> gather along channel axis
    return jnp.take(xf, indices, axis=1)

if __name__ == "__main__":
    import jax
    _d = setup_inputs()
    print(jax.jit(kernel)(*tuple(_d.values())))

</pallas_src>

<mosaic_0001>
#map = affine_map<(d0, d1) -> (0, 0, 0)>
#map1 = affine_map<(d0, d1) -> (0)>
#map2 = affine_map<(d0, d1) -> (0, 0, 0, 0)>
module attributes {stable_mosaic.version = 14 : i64} {
  func.func @sc_gather(%arg0: i32, %arg1: i32, %arg2: memref<3072x56x56xf32, #tpu.memory_space<hbm>>, %arg3: memref<384xi32, #tpu.memory_space<hbm>>, %arg4: memref<32x6x56x56xf32, #tpu.memory_space<hbm>>, %arg5: memref<6144x56x56xf32, #tpu.memory_space<hbm>>, %arg6: memref<208xi32, #tpu.memory_space<vmem>>, %arg7: memref<2x6x56x56xf32, #tpu.memory_space<vmem>>, %arg8: memref<6x56x56xf32, #tpu.memory_space<vmem>>, %arg9: memref<!tpu.dma_semaphore, #tpu.memory_space<semaphore_mem>>, %arg10: memref<!tpu.dma_semaphore, #tpu.memory_space<semaphore_mem>>, %arg11: memref<!tpu.dma_semaphore, #tpu.memory_space<semaphore_mem>>, %arg12: memref<!tpu.dma_semaphore, #tpu.memory_space<semaphore_mem>>) attributes {dimension_semantics = [#tpu.dimension_semantics<core_parallel>, #tpu.dimension_semantics<subcore_parallel>], iteration_bounds = array<i64: 2, 16>, scalar_prefetch = 0 : i64, scratch_operands = 7 : i64, tpu.core_type = #tpu.core_type<sc_vector_subcore>, window_params = [{transform_indices = #map}, {transform_indices = #map1}, {transform_indices = #map2}, {transform_indices = #map}]} {
    %mul3A = arith.constant 16 : i32
    %mul3A_0 = arith.muli %arg0, %mul3A : i32
    %add3A = arith.addi %mul3A_0, %arg1 : i32
    %jit3A = arith.constant 2 : i32
    %div3A = arith.divsi %add3A, %jit3A : i32
    %sign3A = arith.constant 0 : i32
    %sign3A_1 = arith.cmpi sgt, %add3A, %sign3A : i32
    %sign3A_2 = arith.extui %sign3A_1 : i1 to i32
    %sign3A_3 = arith.constant 0 : i32
    %sign3A_4 = arith.cmpi slt, %add3A, %sign3A_3 : i32
    %sign3A_5 = arith.extui %sign3A_4 : i1 to i32
    %sign3A_6 = arith.subi %sign3A_2, %sign3A_5 : i32
    %sign3A_7 = arith.constant 0 : i32
    %sign3A_8 = arith.cmpi sgt, %jit3A, %sign3A_7 : i32
    %sign3A_9 = arith.extui %sign3A_8 : i1 to i32
    %sign3A_10 = arith.constant 0 : i32
    %sign3A_11 = arith.cmpi slt, %jit3A, %sign3A_10 : i32
    %sign3A_12 = arith.extui %sign3A_11 : i1 to i32
    %sign3A_13 = arith.subi %sign3A_9, %sign3A_12 : i32
    %ne3A = arith.cmpi ne, %sign3A_6, %sign3A_13 : i32
    %rem3A = arith.remsi %add3A, %jit3A : i32
    %ne3A_14 = arith.constant 0 : i32
    %ne3A_15 = arith.cmpi ne, %rem3A, %ne3A_14 : i32
    %and3A = arith.andi %ne3A, %ne3A_15 : i1
    %sub3A = arith.constant 1 : i32
    %sub3A_16 = arith.subi %div3A, %sub3A : i32
    %select_n3A = arith.select %and3A, %sub3A_16, %div3A : i32
    %jit3A_17 = arith.constant 2 : i32
    %eq3A = arith.constant 0 : i32
    %eq3A_18 = arith.cmpi eq, %jit3A_17, %eq3A : i32
    %jit3A_19 = arith.constant 1 : i32
    %select_n3A_20 = arith.select %eq3A_18, %jit3A_19, %jit3A_17 : i32
    %rem3A_21 = arith.remsi %add3A, %select_n3A_20 : i32
    %ne3A_22 = arith.constant 0 : i32
    %ne3A_23 = arith.cmpi ne, %rem3A_21, %ne3A_22 : i32
    %lt3A = arith.constant 0 : i32
    %lt3A_24 = arith.cmpi slt, %rem3A_21, %lt3A : i32
    %lt3A_25 = arith.constant 0 : i32
    %lt3A_26 = arith.cmpi slt, %select_n3A_20, %lt3A_25 : i32
    %ne3A_27 = arith.xori %lt3A_24, %lt3A_26 : i1
    %and3A_28 = arith.andi %ne3A_27, %ne3A_23 : i1
    %add3A_29 = arith.addi %rem3A_21, %select_n3A_20 : i32
    %select_n3A_30 = arith.select %and3A_28, %add3A_29, %rem3A_21 : i32
    %mul3A_31 = arith.constant 192 : i32
    %mul3A_32 = arith.muli %select_n3A_30, %mul3A_31 : i32
    %mul3A_33 = arith.constant 192 : i32
    %mul3A_34 = arith.muli %select_n3A, %mul3A_33 : i32
    %mul3A_35 = arith.constant 384 : i32
    %mul3A_36 = arith.muli %select_n3A, %mul3A_35 : i32
    "tpu.region"() ({
      %run_scoped3A = tpu.sem_alloc : memref<!tpu.dma_semaphore, #tpu.memory_space<semaphore_mem>>
      %dma_start3A = arith.constant 0 : i32
      %dma_start3A_127 = tpu.memref_slice %arg6[%dma_start3A] : memref<208xi32, #tpu.memory_space<vmem>> -> memref<192xi32, #tpu.memory_space<vmem>>
      %dma_start3A_128 = tpu.memref_slice %arg3[%mul3A_32] : memref<384xi32, #tpu.memory_space<hbm>> -> memref<192xi32, #tpu.memory_space<hbm>>
      %dma_start3A_129 = arith.constant 0 : i32
      %dma_start3A_130 = tpu.memref_slice %arg6[%dma_start3A_129] : memref<208xi32, #tpu.memory_space<vmem>> -> memref<192xi32, #tpu.memory_space<vmem>>
      %dma_start3A_131 = tpu.memref_slice %arg3[%mul3A_32] : memref<384xi32, #tpu.memory_space<hbm>> -> memref<192xi32, #tpu.memory_space<hbm>>
      tpu.enqueue_dma source(%dma_start3A_131 : memref<192xi32, #tpu.memory_space<hbm>>) target(%dma_start3A_130 : memref<192xi32, #tpu.memory_space<vmem>>) target_semaphore(%run_scoped3A : memref<!tpu.dma_semaphore, #tpu.memory_space<semaphore_mem>>)
      %dma_wait3A_132 = arith.constant 0 : i32
      %dma_wait3A_133 = tpu.memref_slice %arg6[%dma_wait3A_132] : memref<208xi32, #tpu.memory_space<vmem>> -> memref<192xi32, #tpu.memory_space<vmem>>
      %dma_wait3A_134 = tpu.memref_slice %arg3[%mul3A_32] : memref<384xi32, #tpu.memory_space<hbm>> -> memref<192xi32, #tpu.memory_space<hbm>>
      %dma_wait3A_135 = arith.constant 0 : i32
      %dma_wait3A_136 = tpu.memref_slice %arg6[%dma_wait3A_135] : memref<208xi32, #tpu.memory_space<vmem>> -> memref<192xi32, #tpu.memory_space<vmem>>
      %dma_wait3A_137 = tpu.memref_slice %arg3[%mul3A_32] : memref<384xi32, #tpu.memory_space<hbm>> -> memref<192xi32, #tpu.memory_space<hbm>>
      tpu.wait_dma2 semaphore(%run_scoped3A : memref<!tpu.dma_semaphore, #tpu.memory_space<semaphore_mem>>) src(%dma_wait3A_137 : memref<192xi32, #tpu.memory_space<hbm>>) dst(%dma_wait3A_136 : memref<192xi32, #tpu.memory_space<vmem>>)
      tpu.yield
    }) : () -> ()
    "tpu.region"() ({
      %run_scoped3A = tpu.sem_alloc : memref<!tpu.dma_semaphore, #tpu.memory_space<semaphore_mem>>
      %dma_start3A = arith.constant 0 : i32
      %dma_start3A_127 = arith.constant 0 : i32
      %dma_start3A_128 = arith.constant 0 : i32
      %dma_start3A_129 = tpu.memref_slice %arg4[%add3A, %dma_start3A, %dma_start3A_127, %dma_start3A_128] : memref<32x6x56x56xf32, #tpu.memory_space<hbm>> -> memref<1x6x56x56xf32, #tpu.memory_space<hbm>>
      %dma_start3A_130 = tpu.memref_squeeze %dma_start3A_129 : memref<1x6x56x56xf32, #tpu.memory_space<hbm>> -> memref<6x56x56xf32, #tpu.memory_space<hbm>>
      %dma_start3A_131 = arith.constant 0 : i32
      %dma_start3A_132 = arith.constant 0 : i32
      %dma_start3A_133 = arith.constant 0 : i32
      %dma_start3A_134 = tpu.memref_slice %arg4[%add3A, %dma_start3A_131, %dma_start3A_132, %dma_start3A_133] : memref<32x6x56x56xf32, #tpu.memory_space<hbm>> -> memref<1x6x56x56xf32, #tpu.memory_space<hbm>>
      %dma_start3A_135 = tpu.memref_squeeze %dma_start3A_134 : memref<1x6x56x56xf32, #tpu.memory_space<hbm>> -> memref<6x56x56xf32, #tpu.memory_space<hbm>>
      tpu.enqueue_dma source(%dma_start3A_135 : memref<6x56x56xf32, #tpu.memory_space<hbm>>) target(%arg8 : memref<6x56x56xf32, #tpu.memory_space<vmem>>) target_semaphore(%run_scoped3A : memref<!tpu.dma_semaphore, #tpu.memory_space<semaphore_mem>>)
      %dma_wait3A_136 = arith.constant 0 : i32
      %dma_wait3A_137 = arith.constant 0 : i32
      %dma_wait3A_138 = arith.constant 0 : i32
      %dma_wait3A_139 = tpu.memref_slice %arg4[%add3A, %dma_wait3A_136, %dma_wait3A_137, %dma_wait3A_138] : memref<32x6x56x56xf32, #tpu.memory_space<hbm>> -> memref<1x6x56x56xf32, #tpu.memory_space<hbm>>
      %dma_wait3A_140 = tpu.memref_squeeze %dma_wait3A_139 : memref<1x6x56x56xf32, #tpu.memory_space<hbm>> -> memref<6x56x56xf32, #tpu.memory_space<hbm>>
      %dma_wait3A_141 = arith.constant 0 : i32
      %dma_wait3A_142 = arith.constant 0 : i32
      %dma_wait3A_143 = arith.constant 0 : i32
      %dma_wait3A_144 = tpu.memref_slice %arg4[%add3A, %dma_wait3A_141, %dma_wait3A_142, %dma_wait3A_143] : memref<32x6x56x56xf32, #tpu.memory_space<hbm>> -> memref<1x6x56x56xf32, #tpu.memory_space<hbm>>
      %dma_wait3A_145 = tpu.memref_squeeze %dma_wait3A_144 : memref<1x6x56x56xf32, #tpu.memory_space<hbm>> -> memref<6x56x56xf32, #tpu.memory_space<hbm>>
      tpu.wait_dma2 semaphore(%run_scoped3A : memref<!tpu.dma_semaphore, #tpu.memory_space<semaphore_mem>>) src(%dma_wait3A_145 : memref<6x56x56xf32, #tpu.memory_space<hbm>>) dst(%arg8 : memref<6x56x56xf32, #tpu.memory_space<vmem>>)
      tpu.yield
    }) : () -> ()
    %iota3A = tpu.iota {dimensions = array<i32: 0>} : vector<16xi32>
    %lt3A_37 = arith.constant 6 : i32
    %lt3A_38 = vector.broadcast %lt3A_37 : i32 to vector<16xi32>
    %lt3A_39 = arith.cmpi slt, %iota3A, %lt3A_38 : vector<16xi32>
    %get3A = arith.constant 0 : index
    %get3A_40 = tpu.vector_load %arg6[%get3A] {strides = array<i32>} : memref<208xi32, #tpu.memory_space<vmem>>, vector<16xi32>,
    %lt3A_41 = arith.constant 192 : i32
    %lt3A_42 = vector.broadcast %lt3A_41 : i32 to vector<16xi32>
    %lt3A_43 = arith.cmpi slt, %get3A_40, %lt3A_42 : vector<16xi32>
    %and3A_44 = arith.andi %lt3A_43, %lt3A_39 : vector<16xi1>
    %all_reduce_population_count3A = tpu.all_reduce %and3A_44 {dim = 0 : i64, kind = #tpu.reduction_kind<sum>} : vector<16xi1> -> vector<16xi32>
    %slice3A = vector.extract_strided_slice %all_reduce_population_count3A {offsets = [0], sizes = [1], strides = [1]} : vector<16xi32> to vector<1xi32>
    %squeeze3A = vector.extract %slice3A[0] : i32 from vector<1xi32>
    %eq3A_45 = arith.constant 0 : i32
    %eq3A_46 = arith.cmpi eq, %squeeze3A, %eq3A_45 : i32
    %not3A = arith.constant true
    %not3A_47 = arith.xori %eq3A_46, %not3A : i1
    %convert_element_type3A = arith.extui %not3A_47 : i1 to i32
    %cond3A = arith.constant 0 : i32
    %cond3A_48 = arith.cmpi ne, %convert_element_type3A, %cond3A : i32
    scf.if %cond3A_48 {
      %slice3A_127 = vector.extract_strided_slice %get3A_40 {offsets = [0], sizes = [1], strides = [1]} : vector<16xi32> to vector<1xi32>
      %squeeze3A_128 = vector.extract %slice3A_127[0] : i32 from vector<1xi32>
      %lt3A_129 = arith.constant 192 : i32
      %lt3A_130 = arith.cmpi slt, %squeeze3A_128, %lt3A_129 : i32
      %convert_element_type3A_131 = arith.extui %lt3A_130 : i1 to i32
      %cond3A_132 = arith.constant 0 : i32
      %cond3A_133 = arith.cmpi ne, %convert_element_type3A_131, %cond3A_132 : i32
      scf.if %cond3A_133 {
        %add3A_198 = arith.addi %mul3A_34, %squeeze3A_128 : i32
        %dma_start3A = arith.constant 0 : i32
        %dma_start3A_199 = arith.constant 0 : i32
        %dma_start3A_200 = arith.constant 0 : i32
        %dma_start3A_201 = arith.constant 0 : i32
        %dma_start3A_202 = tpu.memref_slice %arg7[%dma_start3A, %dma_start3A_199, %dma_start3A_200, %dma_start3A_201] : memref<2x6x56x56xf32, #tpu.memory_space<vmem>> -> memref<1x1x56x56xf32, #tpu.memory_space<vmem>>
        %dma_start3A_203 = tpu.memref_squeeze %dma_start3A_202 : memref<1x1x56x56xf32, #tpu.memory_space<vmem>> -> memref<56x56xf32, #tpu.memory_space<vmem>>
        %dma_start3A_204 = arith.constant 0 : i32
        %dma_start3A_205 = arith.constant 0 : i32
        %dma_start3A_206 = tpu.memref_slice %arg2[%add3A_198, %dma_start3A_204, %dma_start3A_205] : memref<3072x56x56xf32, #tpu.memory_space<hbm>> -> memref<1x56x56xf32, #tpu.memory_space<hbm>>
        %dma_start3A_207 = tpu.memref_squeeze %dma_start3A_206 : memref<1x56x56xf32, #tpu.memory_space<hbm>> -> memref<56x56xf32, #tpu.memory_space<hbm>>
        %dma_start3A_208 = arith.constant 0 : i32
        %dma_start3A_209 = arith.constant 0 : i32
        %dma_start3A_210 = tpu.memref_slice %arg7[%dma_start3A, %dma_start3A_199, %dma_start3A_208, %dma_start3A_209] : memref<2x6x56x56xf32, #tpu.memory_space<vmem>> -> memref<1x1x56x56xf32, #tpu.memory_space<vmem>>
        %dma_start3A_211 = tpu.memref_squeeze %dma_start3A_210 : memref<1x1x56x56xf32, #tpu.memory_space<vmem>> -> memref<56x56xf32, #tpu.memory_space<vmem>>
        %dma_start3A_212 = arith.constant 0 : i32
        %dma_start3A_213 = arith.constant 0 : i32
        %dma_start3A_214 = tpu.memref_slice %arg2[%add3A_198, %dma_start3A_212, %dma_start3A_213] : memref<3072x56x56xf32, #tpu.memory_space<hbm>> -> memref<1x56x56xf32, #tpu.memory_space<hbm>>
        %dma_start3A_215 = tpu.memref_squeeze %dma_start3A_214 : memref<1x56x56xf32, #tpu.memory_space<hbm>> -> memref<56x56xf32, #tpu.memory_space<hbm>>
        tpu.enqueue_dma source(%dma_start3A_215 : memref<56x56xf32, #tpu.memory_space<hbm>>) target(%dma_start3A_211 : memref<56x56xf32, #tpu.memory_space<vmem>>) target_semaphore(%arg9 : memref<!tpu.dma_semaphore, #tpu.memory_space<semaphore_mem>>)
      } else {
      }
      %ge3A = arith.constant 192 : i32
      %ge3A_134 = arith.cmpi sge, %squeeze3A_128, %ge3A : i32
      %convert_element_type3A_135 = arith.extui %ge3A_134 : i1 to i32
      %cond3A_136 = arith.constant 0 : i32
      %cond3A_137 = arith.cmpi ne, %convert_element_type3A_135, %cond3A_136 : i32
      scf.if %cond3A_137 {
        %dma_start3A = arith.constant 0 : i32
        %dma_start3A_198 = arith.constant 0 : i32
        %dma_start3A_199 = arith.constant 0 : i32
        %dma_start3A_200 = arith.constant 0 : i32
        %dma_start3A_201 = arith.constant 0 : i32
        %dma_start3A_202 = tpu.memref_slice %arg7[%dma_start3A_198, %dma_start3A_199, %dma_start3A_200, %dma_start3A_201] : memref<2x6x56x56xf32, #tpu.memory_space<vmem>> -> memref<1x1x56x56xf32, #tpu.memory_space<vmem>>
        %dma_start3A_203 = tpu.memref_squeeze %dma_start3A_202 : memref<1x1x56x56xf32, #tpu.memory_space<vmem>> -> memref<56x56xf32, #tpu.memory_space<vmem>>
        %dma_start3A_204 = arith.constant 0 : i32
        %dma_start3A_205 = arith.constant 0 : i32
        %dma_start3A_206 = tpu.memref_slice %arg4[%add3A, %dma_start3A, %dma_start3A_204, %dma_start3A_205] : memref<32x6x56x56xf32, #tpu.memory_space<hbm>> -> memref<1x1x56x56xf32, #tpu.memory_space<hbm>>
        %dma_start3A_207 = tpu.memref_squeeze %dma_start3A_206 : memref<1x1x56x56xf32, #tpu.memory_space<hbm>> -> memref<56x56xf32, #tpu.memory_space<hbm>>
        %dma_start3A_208 = arith.constant 0 : i32
        %dma_start3A_209 = arith.constant 0 : i32
        %dma_start3A_210 = tpu.memref_slice %arg7[%dma_start3A_198, %dma_start3A_199, %dma_start3A_208, %dma_start3A_209] : memref<2x6x56x56xf32, #tpu.memory_space<vmem>> -> memref<1x1x56x56xf32, #tpu.memory_space<vmem>>
        %dma_start3A_211 = tpu.memref_squeeze %dma_start3A_210 : memref<1x1x56x56xf32, #tpu.memory_space<vmem>> -> memref<56x56xf32, #tpu.memory_space<vmem>>
        %dma_start3A_212 = arith.constant 0 : i32
        %dma_start3A_213 = arith.constant 0 : i32
        %dma_start3A_214 = tpu.memref_slice %arg4[%add3A, %dma_start3A, %dma_start3A_212, %dma_start3A_213] : memref<32x6x56x56xf32, #tpu.memory_space<hbm>> -> memref<1x1x56x56xf32, #tpu.memory_space<hbm>>
        %dma_start3A_215 = tpu.memref_squeeze %dma_start3A_214 : memref<1x1x56x56xf32, #tpu.memory_space<hbm>> -> memref<56x56xf32, #tpu.memory_space<hbm>>
        tpu.enqueue_dma source(%dma_start3A_215 : memref<56x56xf32, #tpu.memory_space<hbm>>) target(%dma_start3A_211 : memref<56x56xf32, #tpu.memory_space<vmem>>) target_semaphore(%arg9 : memref<!tpu.dma_semaphore, #tpu.memory_space<semaphore_mem>>)
      } else {
      }
      %slice3A_138 = vector.extract_strided_slice %get3A_40 {offsets = [1], sizes = [1], strides = [1]} : vector<16xi32> to vector<1xi32>
      %squeeze3A_139 = vector.extract %slice3A_138[0] : i32 from vector<1xi32>
      %lt3A_140 = arith.constant 192 : i32
      %lt3A_141 = arith.cmpi slt, %squeeze3A_139, %lt3A_140 : i32
      %convert_element_type3A_142 = arith.extui %lt3A_141 : i1 to i32
      %cond3A_143 = arith.constant 0 : i32
      %cond3A_144 = arith.cmpi ne, %convert_element_type3A_142, %cond3A_143 : i32
      scf.if %cond3A_144 {
        %add3A_198 = arith.addi %mul3A_34, %squeeze3A_139 : i32
        %dma_start3A = arith.constant 0 : i32
        %dma_start3A_199 = arith.constant 1 : i32
        %dma_start3A_200 = arith.constant 0 : i32
        %dma_start3A_201 = arith.constant 0 : i32
        %dma_start3A_202 = tpu.memref_slice %arg7[%dma_start3A, %dma_start3A_199, %dma_start3A_200, %dma_start3A_201] : memref<2x6x56x56xf32, #tpu.memory_space<vmem>> -> memref<1x1x56x56xf32, #tpu.memory_space<vmem>>
        %dma_start3A_203 = tpu.memref_squeeze %dma_start3A_202 : memref<1x1x56x56xf32, #tpu.memory_space<vmem>> -> memref<56x56xf32, #tpu.memory_space<vmem>>
        %dma_start3A_204 = arith.constant 0 : i32
        %dma_start3A_205 = arith.constant 0 : i32
        %dma_start3A_206 = tpu.memref_slice %arg2[%add3A_198, %dma_start3A_204, %dma_start3A_205] : memref<3072x56x56xf32, #tpu.memory_space<hbm>> -> memref<1x56x56xf32, #tpu.memory_space<hbm>>
        %dma_start3A_207 = tpu.memref_squeeze %dma_start3A_206 : memref<1x56x56xf32, #tpu.memory_space<hbm>> -> memref<56x56xf32, #tpu.memory_space<hbm>>
        %dma_start3A_208 = arith.constant 0 : i32
        %dma_start3A_209 = arith.constant 0 : i32
        %dma_start3A_210 = tpu.memref_slice %arg7[%dma_start3A, %dma_start3A_199, %dma_start3A_208, %dma_start3A_209] : memref<2x6x56x56xf32, #tpu.memory_space<vmem>> -> memref<1x1x56x56xf32, #tpu.memory_space<vmem>>
        %dma_start3A_211 = tpu.memref_squeeze %dma_start3A_210 : memref<1x1x56x56xf32, #tpu.memory_space<vmem>> -> memref<56x56xf32, #tpu.memory_space<vmem>>
        %dma_start3A_212 = arith.constant 0 : i32
        %dma_start3A_213 = arith.constant 0 : i32
        %dma_start3A_214 = tpu.memref_slice %arg2[%add3A_198, %dma_start3A_212, %dma_start3A_213] : memref<3072x56x56xf32, #tpu.memory_space<hbm>> -> memref<1x56x56xf32, #tpu.memory_space<hbm>>
        %dma_start3A_215 = tpu.memref_squeeze %dma_start3A_214 : memref<1x56x56xf32, #tpu.memory_space<hbm>> -> memref<56x56xf32, #tpu.memory_space<hbm>>
        tpu.enqueue_dma source(%dma_start3A_215 : memref<56x56xf32, #tpu.memory_space<hbm>>) target(%dma_start3A_211 : memref<56x56xf32, #tpu.memory_space<vmem>>) target_semaphore(%arg9 : memref<!tpu.dma_semaphore, #tpu.memory_space<semaphore_mem>>)
      } else {
      }
      %ge3A_145 = arith.constant 192 : i32
      %ge3A_146 = arith.cmpi sge, %squeeze3A_139, %ge3A_145 : i32
      %convert_element_type3A_147 = arith.extui %ge3A_146 : i1 to i32
      %cond3A_148 = arith.constant 0 : i32
      %cond3A_149 = arith.cmpi ne, %convert_element_type3A_147, %cond3A_148 : i32
      scf.if %cond3A_149 {
        %dma_start3A = arith.constant 1 : i32
        %dma_start3A_198 = arith.constant 0 : i32
        %dma_start3A_199 = arith.constant 1 : i32
        %dma_start3A_200 = arith.constant 0 : i32
        %dma_start3A_201 = arith.constant 0 : i32
        %dma_start3A_202 = tpu.memref_slice %arg7[%dma_start3A_198, %dma_start3A_199, %dma_start3A_200, %dma_start3A_201] : memref<2x6x56x56xf32, #tpu.memory_space<vmem>> -> memref<1x1x56x56xf32, #tpu.memory_space<vmem>>
        %dma_start3A_203 = tpu.memref_squeeze %dma_start3A_202 : memref<1x1x56x56xf32, #tpu.memory_space<vmem>> -> memref<56x56xf32, #tpu.memory_space<vmem>>
        %dma_start3A_204 = arith.constant 0 : i32
        %dma_start3A_205 = arith.constant 0 : i32
        %dma_start3A_206 = tpu.memref_slice %arg4[%add3A, %dma_start3A, %dma_start3A_204, %dma_start3A_205] : memref<32x6x56x56xf32, #tpu.memory_space<hbm>> -> memref<1x1x56x56xf32, #tpu.memory_space<hbm>>
        %dma_start3A_207 = tpu.memref_squeeze %dma_start3A_206 : memref<1x1x56x56xf32, #tpu.memory_space<hbm>> -> memref<56x56xf32, #tpu.memory_space<hbm>>
        %dma_start3A_208 = arith.constant 0 : i32
        %dma_start3A_209 = arith.constant 0 : i32
        %dma_start3A_210 = tpu.memref_slice %arg7[%dma_start3A_198, %dma_start3A_199, %dma_start3A_208, %dma_start3A_209] : memref<2x6x56x56xf32, #tpu.memory_space<vmem>> -> memref<1x1x56x56xf32, #tpu.memory_space<vmem>>
        %dma_start3A_211 = tpu.memref_squeeze %dma_start3A_210 : memref<1x1x56x56xf32, #tpu.memory_space<vmem>> -> memref<56x56xf32, #tpu.memory_space<vmem>>
        %dma_start3A_212 = arith.constant 0 : i32
        %dma_start3A_213 = arith.constant 0 : i32
        %dma_start3A_214 = tpu.memref_slice %arg4[%add3A, %dma_start3A, %dma_start3A_212, %dma_start3A_213] : memref<32x6x56x56xf32, #tpu.memory_space<hbm>> -> memref<1x1x56x56xf32, #tpu.memory_space<hbm>>
        %dma_start3A_215 = tpu.memref_squeeze %dma_start3A_214 : memref<1x1x56x56xf32, #tpu.memory_space<hbm>> -> memref<56x56xf32, #tpu.memory_space<hbm>>
        tpu.enqueue_dma source(%dma_start3A_215 : memref<56x56xf32, #tpu.memory_space<hbm>>) target(%dma_start3A_211 : memref<56x56xf32, #tpu.memory_space<vmem>>) target_semaphore(%arg9 : memref<!tpu.dma_semaphore, #tpu.memory_space<semaphore_mem>>)
      } else {
      }
      %slice3A_150 = vector.extract_strided_slice %get3A_40 {offsets = [2], sizes = [1], strides = [1]} : vector<16xi32> to vector<1xi32>
      %squeeze3A_151 = vector.extract %slice3A_150[0] : i32 from vector<1xi32>
      %lt3A_152 = arith.constant 192 : i32
      %lt3A_153 = arith.cmpi slt, %squeeze3A_151, %lt3A_152 : i32
      %convert_element_type3A_154 = arith.extui %lt3A_153 : i1 to i32
      %cond3A_155 = arith.constant 0 : i32
      %cond3A_156 = arith.cmpi ne, %convert_element_type3A_154, %cond3A_155 : i32
      scf.if %cond3A_156 {
        %add3A_198 = arith.addi %mul3A_34, %squeeze3A_151 : i32
        %dma_start3A = arith.constant 0 : i32
        %dma_start3A_199 = arith.constant 2 : i32
        %dma_start3A_200 = arith.constant 0 : i32
        %dma_start3A_201 = arith.constant 0 : i32
        %dma_start3A_202 = tpu.memref_slice %arg7[%dma_start3A, %dma_start3A_199, %dma_start3A_200, %dma_start3A_201] : memref<2x6x56x56xf32, #tpu.memory_space<vmem>> -> memref<1x1x56x56xf32, #tpu.memory_space<vmem>>
        %dma_start3A_203 = tpu.memref_squeeze %dma_start3A_202 : memref<1x1x56x56xf32, #tpu.memory_space<vmem>> -> memref<56x56xf32, #tpu.memory_space<vmem>>
        %dma_start3A_204 = arith.constant 0 : i32
        %dma_start3A_205 = arith.constant 0 : i32
        %dma_start3A_206 = tpu.memref_slice %arg2[%add3A_198, %dma_start3A_204, %dma_start3A_205] : memref<3072x56x56xf32, #tpu.memory_space<hbm>> -> memref<1x56x56xf32, #tpu.memory_space<hbm>>
        %dma_start3A_207 = tpu.memref_squeeze %dma_start3A_206 : memref<1x56x56xf32, #tpu.memory_space<hbm>> -> memref<56x56xf32, #tpu.memory_space<hbm>>
        %dma_start3A_208 = arith.constant 0 : i32
        %dma_start3A_209 = arith.constant 0 : i32
        %dma_start3A_210 = tpu.memref_slice %arg7[%dma_start3A, %dma_start3A_199, %dma_start3A_208, %dma_start3A_209] : memref<2x6x56x56xf32, #tpu.memory_space<vmem>> -> memref<1x1x56x56xf32, #tpu.memory_space<vmem>>
        %dma_start3A_211 = tpu.memref_squeeze %dma_start3A_210 : memref<1x1x56x56xf32, #tpu.memory_space<vmem>> -> memref<56x56xf32, #tpu.memory_space<vmem>>
        %dma_start3A_212 = arith.constant 0 : i32
        %dma_start3A_213 = arith.constant 0 : i32
        %dma_start3A_214 = tpu.memref_slice %arg2[%add3A_198, %dma_start3A_212, %dma_start3A_213] : memref<3072x56x56xf32, #tpu.memory_space<hbm>> -> memref<1x56x56xf32, #tpu.memory_space<hbm>>
        %dma_start3A_215 = tpu.memref_squeeze %dma_start3A_214 : memref<1x56x56xf32, #tpu.memory_space<hbm>> -> memref<56x56xf32, #tpu.memory_space<hbm>>
        tpu.enqueue_dma source(%dma_start3A_215 : memref<56x56xf32, #tpu.memory_space<hbm>>) target(%dma_start3A_211 : memref<56x56xf32, #tpu.memory_space<vmem>>) target_semaphore(%arg9 : memref<!tpu.dma_semaphore, #tpu.memory_space<semaphore_mem>>)
      } else {
      }
      %ge3A_157 = arith.constant 192 : i32
      %ge3A_158 = arith.cmpi sge, %squeeze3A_151, %ge3A_157 : i32
      %convert_element_type3A_159 = arith.extui %ge3A_158 : i1 to i32
      %cond3A_160 = arith.constant 0 : i32
      %cond3A_161 = arith.cmpi ne, %convert_element_type3A_159, %cond3A_160 : i32
      scf.if %cond3A_161 {
        %dma_start3A = arith.constant 2 : i32
        %dma_start3A_198 = arith.constant 0 : i32
        %dma_start3A_199 = arith.constant 2 : i32
        %dma_start3A_200 = arith.constant 0 : i32
        %dma_start3A_201 = arith.constant 0 : i32
        %dma_start3A_202 = tpu.memref_slice %arg7[%dma_start3A_198, %dma_start3A_199, %dma_start3A_200, %dma_start3A_201] : memref<2x6x56x56xf32, #tpu.memory_space<vmem>> -> memref<1x1x56x56xf32, #tpu.memory_space<vmem>>
        %dma_start3A_203 = tpu.memref_squeeze %dma_start3A_202 : memref<1x1x56x56xf32, #tpu.memory_space<vmem>> -> memref<56x56xf32, #tpu.memory_space<vmem>>
        %dma_start3A_204 = arith.constant 0 : i32
        %dma_start3A_205 = arith.constant 0 : i32
        %dma_start3A_206 = tpu.memref_slice %arg4[%add3A, %dma_start3A, %dma_start3A_204, %dma_start3A_205] : memref<32x6x56x56xf32, #tpu.memory_space<hbm>> -> memref<1x1x56x56xf32, #tpu.memory_space<hbm>>
        %dma_start3A_207 = tpu.memref_squeeze %dma_start3A_206 : memref<1x1x56x56xf32, #tpu.memory_space<hbm>> -> memref<56x56xf32, #tpu.memory_space<hbm>>
        %dma_start3A_208 = arith.constant 0 : i32
        %dma_start3A_209 = arith.constant 0 : i32
        %dma_start3A_210 = tpu.memref_slice %arg7[%dma_start3A_198, %dma_start3A_199, %dma_start3A_208, %dma_start3A_209] : memref<2x6x56x56xf32, #tpu.memory_space<vmem>> -> memref<1x1x56x56xf32, #tpu.memory_space<vmem>>
        %dma_start3A_211 = tpu.memref_squeeze %dma_start3A_210 : memref<1x1x56x56xf32, #tpu.memory_space<vmem>> -> memref<56x56xf32, #tpu.memory_space<vmem>>
        %dma_start3A_212 = arith.constant 0 : i32
        %dma_start3A_213 = arith.constant 0 : i32
        %dma_start3A_214 = tpu.memref_slice %arg4[%add3A, %dma_start3A, %dma_start3A_212, %dma_start3A_213] : memref<32x6x56x56xf32, #tpu.memory_space<hbm>> -> memref<1x1x56x56xf32, #tpu.memory_space<hbm>>
        %dma_start3A_215 = tpu.memref_squeeze %dma_start3A_214 : memref<1x1x56x56xf32, #tpu.memory_space<hbm>> -> memref<56x56xf32, #tpu.memory_space<hbm>>
        tpu.enqueue_dma source(%dma_start3A_215 : memref<56x56xf32, #tpu.memory_space<hbm>>) target(%dma_start3A_211 : memref<56x56xf32, #tpu.memory_space<vmem>>) target_semaphore(%arg9 : memref<!tpu.dma_semaphore, #tpu.memory_space<semaphore_mem>>)
      } else {
      }
      %slice3A_162 = vector.extract_strided_slice %get3A_40 {offsets = [3], sizes = [1], strides = [1]} : vector<16xi32> to vector<1xi32>
      %squeeze3A_163 = vector.extract %slice3A_162[0] : i32 from vector<1xi32>
      %lt3A_164 = arith.constant 192 : i32
      %lt3A_165 = arith.cmpi slt, %squeeze3A_163, %lt3A_164 : i32
      %convert_element_type3A_166 = arith.extui %lt3A_165 : i1 to i32
      %cond3A_167 = arith.constant 0 : i32
      %cond3A_168 = arith.cmpi ne, %convert_element_type3A_166, %cond3A_167 : i32
      scf.if %cond3A_168 {
        %add3A_198 = arith.addi %mul3A_34, %squeeze3A_163 : i32
        %dma_start3A = arith.constant 0 : i32
        %dma_start3A_199 = arith.constant 3 : i32
        %dma_start3A_200 = arith.constant 0 : i32
        %dma_start3A_201 = arith.constant 0 : i32
        %dma_start3A_202 = tpu.memref_slice %arg7[%dma_start3A, %dma_start3A_199, %dma_start3A_200, %dma_start3A_201] : memref<2x6x56x56xf32, #tpu.memory_space<vmem>> -> memref<1x1x56x56xf32, #tpu.memory_space<vmem>>
        %dma_start3A_203 = tpu.memref_squeeze %dma_start3A_202 : memref<1x1x56x56xf32, #tpu.memory_space<vmem>> -> memref<56x56xf32, #tpu.memory_space<vmem>>
        %dma_start3A_204 = arith.constant 0 : i32
        %dma_start3A_205 = arith.constant 0 : i32
        %dma_start3A_206 = tpu.memref_slice %arg2[%add3A_198, %dma_start3A_204, %dma_start3A_205] : memref<3072x56x56xf32, #tpu.memory_space<hbm>> -> memref<1x56x56xf32, #tpu.memory_space<hbm>>
        %dma_start3A_207 = tpu.memref_squeeze %dma_start3A_206 : memref<1x56x56xf32, #tpu.memory_space<hbm>> -> memref<56x56xf32, #tpu.memory_space<hbm>>
        %dma_start3A_208 = arith.constant 0 : i32
        %dma_start3A_209 = arith.constant 0 : i32
        %dma_start3A_210 = tpu.memref_slice %arg7[%dma_start3A, %dma_start3A_199, %dma_start3A_208, %dma_start3A_209] : memref<2x6x56x56xf32, #tpu.memory_space<vmem>> -> memref<1x1x56x56xf32, #tpu.memory_space<vmem>>
        %dma_start3A_211 = tpu.memref_squeeze %dma_start3A_210 : memref<1x1x56x56xf32, #tpu.memory_space<vmem>> -> memref<56x56xf32, #tpu.memory_space<vmem>>
        %dma_start3A_212 = arith.constant 0 : i32
        %dma_start3A_213 = arith.constant 0 : i32
        %dma_start3A_214 = tpu.memref_slice %arg2[%add3A_198, %dma_start3A_212, %dma_start3A_213] : memref<3072x56x56xf32, #tpu.memory_space<hbm>> -> memref<1x56x56xf32, #tpu.memory_space<hbm>>
        %dma_start3A_215 = tpu.memref_squeeze %dma_start3A_214 : memref<1x56x56xf32, #tpu.memory_space<hbm>> -> memref<56x56xf32, #tpu.memory_space<hbm>>
        tpu.enqueue_dma source(%dma_start3A_215 : memref<56x56xf32, #tpu.memory_space<hbm>>) target(%dma_start3A_211 : memref<56x56xf32, #tpu.memory_space<vmem>>) target_semaphore(%arg9 : memref<!tpu.dma_semaphore, #tpu.memory_space<semaphore_mem>>)
      } else {
      }
      %ge3A_169 = arith.constant 192 : i32
      %ge3A_170 = arith.cmpi sge, %squeeze3A_163, %ge3A_169 : i32
      %convert_element_type3A_171 = arith.extui %ge3A_170 : i1 to i32
      %cond3A_172 = arith.constant 0 : i32
      %cond3A_173 = arith.cmpi ne, %convert_element_type3A_171, %cond3A_172 : i32
      scf.if %cond3A_173 {
        %dma_start3A = arith.constant 3 : i32
        %dma_start3A_198 = arith.constant 0 : i32
        %dma_start3A_199 = arith.constant 3 : i32
        %dma_start3A_200 = arith.constant 0 : i32
        %dma_start3A_201 = arith.constant 0 : i32
        %dma_start3A_202 = tpu.memref_slice %arg7[%dma_start3A_198, %dma_start3A_199, %dma_start3A_200, %dma_start3A_201] : memref<2x6x56x56xf32, #tpu.memory_space<vmem>> -> memref<1x1x56x56xf32, #tpu.memory_space<vmem>>
        %dma_start3A_203 = tpu.memref_squeeze %dma_start3A_202 : memref<1x1x56x56xf32, #tpu.memory_space<vmem>> -> memref<56x56xf32, #tpu.memory_space<vmem>>
        %dma_start3A_204 = arith.constant 0 : i32
        %dma_start3A_205 = arith.constant 0 : i32
        %dma_start3A_206 = tpu.memref_slice %arg4[%add3A, %dma_start3A, %dma_start3A_204, %dma_start3A_205] : memref<32x6x56x56xf32, #tpu.memory_space<hbm>> -> memref<1x1x56x56xf32, #tpu.memory_space<hbm>>
        %dma_start3A_207 = tpu.memref_squeeze %dma_start3A_206 : memref<1x1x56x56xf32, #tpu.memory_space<hbm>> -> memref<56x56xf32, #tpu.memory_space<hbm>>
        %dma_start3A_208 = arith.constant 0 : i32
        %dma_start3A_209 = arith.constant 0 : i32
        %dma_start3A_210 = tpu.memref_slice %arg7[%dma_start3A_198, %dma_start3A_199, %dma_start3A_208, %dma_start3A_209] : memref<2x6x56x56xf32, #tpu.memory_space<vmem>> -> memref<1x1x56x56xf32, #tpu.memory_space<vmem>>
        %dma_start3A_211 = tpu.memref_squeeze %dma_start3A_210 : memref<1x1x56x56xf32, #tpu.memory_space<vmem>> -> memref<56x56xf32, #tpu.memory_space<vmem>>
        %dma_start3A_212 = arith.constant 0 : i32
        %dma_start3A_213 = arith.constant 0 : i32
        %dma_start3A_214 = tpu.memref_slice %arg4[%add3A, %dma_start3A, %dma_start3A_212, %dma_start3A_213] : memref<32x6x56x56xf32, #tpu.memory_space<hbm>> -> memref<1x1x56x56xf32, #tpu.memory_space<hbm>>
        %dma_start3A_215 = tpu.memref_squeeze %dma_start3A_214 : memref<1x1x56x56xf32, #tpu.memory_space<hbm>> -> memref<56x56xf32, #tpu.memory_space<hbm>>
        tpu.enqueue_dma source(%dma_start3A_215 : memref<56x56xf32, #tpu.memory_space<hbm>>) target(%dma_start3A_211 : memref<56x56xf32, #tpu.memory_space<vmem>>) target_semaphore(%arg9 : memref<!tpu.dma_semaphore, #tpu.memory_space<semaphore_mem>>)
      } else {
      }
      %slice3A_174 = vector.extract_strided_slice %get3A_40 {offsets = [4], sizes = [1], strides = [1]} : vector<16xi32> to vector<1xi32>
      %squeeze3A_175 = vector.extract %slice3A_174[0] : i32 from vector<1xi32>
      %lt3A_176 = arith.constant 192 : i32
      %lt3A_177 = arith.cmpi slt, %squeeze3A_175, %lt3A_176 : i32
      %convert_element_type3A_178 = arith.extui %lt3A_177 : i1 to i32
      %cond3A_179 = arith.constant 0 : i32
      %cond3A_180 = arith.cmpi ne, %convert_element_type3A_178, %cond3A_179 : i32
      scf.if %cond3A_180 {
        %add3A_198 = arith.addi %mul3A_34, %squeeze3A_175 : i32
        %dma_start3A = arith.constant 0 : i32
        %dma_start3A_199 = arith.constant 4 : i32
        %dma_start3A_200 = arith.constant 0 : i32
        %dma_start3A_201 = arith.constant 0 : i32
        %dma_start3A_202 = tpu.memref_slice %arg7[%dma_start3A, %dma_start3A_199, %dma_start3A_200, %dma_start3A_201] : memref<2x6x56x56xf32, #tpu.memory_space<vmem>> -> memref<1x1x56x56xf32, #tpu.memory_space<vmem>>
        %dma_start3A_203 = tpu.memref_squeeze %dma_start3A_202 : memref<1x1x56x56xf32, #tpu.memory_space<vmem>> -> memref<56x56xf32, #tpu.memory_space<vmem>>
        %dma_start3A_204 = arith.constant 0 : i32
        %dma_start3A_205 = arith.constant 0 : i32
        %dma_start3A_206 = tpu.memref_slice %arg2[%add3A_198, %dma_start3A_204, %dma_start3A_205] : memref<3072x56x56xf32, #tpu.memory_space<hbm>> -> memref<1x56x56xf32, #tpu.memory_space<hbm>>
        %dma_start3A_207 = tpu.memref_squeeze %dma_start3A_206 : memref<1x56x56xf32, #tpu.memory_space<hbm>> -> memref<56x56xf32, #tpu.memory_space<hbm>>
        %dma_start3A_208 = arith.constant 0 : i32
        %dma_start3A_209 = arith.constant 0 : i32
        %dma_start3A_210 = tpu.memref_slice %arg7[%dma_start3A, %dma_start3A_199, %dma_start3A_208, %dma_start3A_209] : memref<2x6x56x56xf32, #tpu.memory_space<vmem>> -> memref<1x1x56x56xf32, #tpu.memory_space<vmem>>
        %dma_start3A_211 = tpu.memref_squeeze %dma_start3A_210 : memref<1x1x56x56xf32, #tpu.memory_space<vmem>> -> memref<56x56xf32, #tpu.memory_space<vmem>>
        %dma_start3A_212 = arith.constant 0 : i32
        %dma_start3A_213 = arith.constant 0 : i32
        %dma_start3A_214 = tpu.memref_slice %arg2[%add3A_198, %dma_start3A_212, %dma_start3A_213] : memref<3072x56x56xf32, #tpu.memory_space<hbm>> -> memref<1x56x56xf32, #tpu.memory_space<hbm>>
        %dma_start3A_215 = tpu.memref_squeeze %dma_start3A_214 : memref<1x56x56xf32, #tpu.memory_space<hbm>> -> memref<56x56xf32, #tpu.memory_space<hbm>>
        tpu.enqueue_dma source(%dma_start3A_215 : memref<56x56xf32, #tpu.memory_space<hbm>>) target(%dma_start3A_211 : memref<56x56xf32, #tpu.memory_space<vmem>>) target_semaphore(%arg9 : memref<!tpu.dma_semaphore, #tpu.memory_space<semaphore_mem>>)
      } else {
      }
      %ge3A_181 = arith.constant 192 : i32
      %ge3A_182 = arith.cmpi sge, %squeeze3A_175, %ge3A_181 : i32
      %convert_element_type3A_183 = arith.extui %ge3A_182 : i1 to i32
      %cond3A_184 = arith.constant 0 : i32
      %cond3A_185 = arith.cmpi ne, %convert_element_type3A_183, %cond3A_184 : i32
      scf.if %cond3A_185 {
        %dma_start3A = arith.constant 4 : i32
        %dma_start3A_198 = arith.constant 0 : i32
        %dma_start3A_199 = arith.constant 4 : i32
        %dma_start3A_200 = arith.constant 0 : i32
        %dma_start3A_201 = arith.constant 0 : i32
        %dma_start3A_202 = tpu.memref_slice %arg7[%dma_start3A_198, %dma_start3A_199, %dma_start3A_200, %dma_start3A_201] : memref<2x6x56x56xf32, #tpu.memory_space<vmem>> -> memref<1x1x56x56xf32, #tpu.memory_space<vmem>>
        %dma_start3A_203 = tpu.memref_squeeze %dma_start3A_202 : memref<1x1x56x56xf32, #tpu.memory_space<vmem>> -> memref<56x56xf32, #tpu.memory_space<vmem>>
        %dma_start3A_204 = arith.constant 0 : i32
        %dma_start3A_205 = arith.constant 0 : i32
        %dma_start3A_206 = tpu.memref_slice %arg4[%add3A, %dma_start3A, %dma_start3A_204, %dma_start3A_205] : memref<32x6x56x56xf32, #tpu.memory_space<hbm>> -> memref<1x1x56x56xf32, #tpu.memory_space<hbm>>
        %dma_start3A_207 = tpu.memref_squeeze %dma_start3A_206 : memref<1x1x56x56xf32, #tpu.memory_space<hbm>> -> memref<56x56xf32, #tpu.memory_space<hbm>>
        %dma_start3A_208 = arith.constant 0 : i32
        %dma_start3A_209 = arith.constant 0 : i32
        %dma_start3A_210 = tpu.memref_slice %arg7[%dma_start3A_198, %dma_start3A_199, %dma_start3A_208, %dma_start3A_209] : memref<2x6x56x56xf32, #tpu.memory_space<vmem>> -> memref<1x1x56x56xf32, #tpu.memory_space<vmem>>
        %dma_start3A_211 = tpu.memref_squeeze %dma_start3A_210 : memref<1x1x56x56xf32, #tpu.memory_space<vmem>> -> memref<56x56xf32, #tpu.memory_space<vmem>>
        %dma_start3A_212 = arith.constant 0 : i32
        %dma_start3A_213 = arith.constant 0 : i32
        %dma_start3A_214 = tpu.memref_slice %arg4[%add3A, %dma_start3A, %dma_start3A_212, %dma_start3A_213] : memref<32x6x56x56xf32, #tpu.memory_space<hbm>> -> memref<1x1x56x56xf32, #tpu.memory_space<hbm>>
        %dma_start3A_215 = tpu.memref_squeeze %dma_start3A_214 : memref<1x1x56x56xf32, #tpu.memory_space<hbm>> -> memref<56x56xf32, #tpu.memory_space<hbm>>
        tpu.enqueue_dma source(%dma_start3A_215 : memref<56x56xf32, #tpu.memory_space<hbm>>) target(%dma_start3A_211 : memref<56x56xf32, #tpu.memory_space<vmem>>) target_semaphore(%arg9 : memref<!tpu.dma_semaphore, #tpu.memory_space<semaphore_mem>>)
      } else {
      }
      %slice3A_186 = vector.extract_strided_slice %get3A_40 {offsets = [5], sizes = [1], strides = [1]} : vector<16xi32> to vector<1xi32>
      %squeeze3A_187 = vector.extract %slice3A_186[0] : i32 from vector<1xi32>
      %lt3A_188 = arith.constant 192 : i32
      %lt3A_189 = arith.cmpi slt, %squeeze3A_187, %lt3A_188 : i32
      %convert_element_type3A_190 = arith.extui %lt3A_189 : i1 to i32
      %cond3A_191 = arith.constant 0 : i32
      %cond3A_192 = arith.cmpi ne, %convert_element_type3A_190, %cond3A_191 : i32
      scf.if %cond3A_192 {
        %add3A_198 = arith.addi %mul3A_34, %squeeze3A_187 : i32
        %dma_start3A = arith.constant 0 : i32
        %dma_start3A_199 = arith.constant 5 : i32
        %dma_start3A_200 = arith.constant 0 : i32
        %dma_start3A_201 = arith.constant 0 : i32
        %dma_start3A_202 = tpu.memref_slice %arg7[%dma_start3A, %dma_start3A_199, %dma_start3A_200, %dma_start3A_201] : memref<2x6x56x56xf32, #tpu.memory_space<vmem>> -> memref<1x1x56x56xf32, #tpu.memory_space<vmem>>
        %dma_start3A_203 = tpu.memref_squeeze %dma_start3A_202 : memref<1x1x56x56xf32, #tpu.memory_space<vmem>> -> memref<56x56xf32, #tpu.memory_space<vmem>>
        %dma_start3A_204 = arith.constant 0 : i32
        %dma_start3A_205 = arith.constant 0 : i32
        %dma_start3A_206 = tpu.memref_slice %arg2[%add3A_198, %dma_start3A_204, %dma_start3A_205] : memref<3072x56x56xf32, #tpu.memory_space<hbm>> -> memref<1x56x56xf32, #tpu.memory_space<hbm>>
        %dma_start3A_207 = tpu.memref_squeeze %dma_start3A_206 : memref<1x56x56xf32, #tpu.memory_space<hbm>> -> memref<56x56xf32, #tpu.memory_space<hbm>>
        %dma_start3A_208 = arith.constant 0 : i32
        %dma_start3A_209 = arith.constant 0 : i32
        %dma_start3A_210 = tpu.memref_slice %arg7[%dma_start3A, %dma_start3A_199, %dma_start3A_208, %dma_start3A_209] : memref<2x6x56x56xf32, #tpu.memory_space<vmem>> -> memref<1x1x56x56xf32, #tpu.memory_space<vmem>>
        %dma_start3A_211 = tpu.memref_squeeze %dma_start3A_210 : memref<1x1x56x56xf32, #tpu.memory_space<vmem>> -> memref<56x56xf32, #tpu.memory_space<vmem>>
        %dma_start3A_212 = arith.constant 0 : i32
        %dma_start3A_213 = arith.constant 0 : i32
        %dma_start3A_214 = tpu.memref_slice %arg2[%add3A_198, %dma_start3A_212, %dma_start3A_213] : memref<3072x56x56xf32, #tpu.memory_space<hbm>> -> memref<1x56x56xf32, #tpu.memory_space<hbm>>
        %dma_start3A_215 = tpu.memref_squeeze %dma_start3A_214 : memref<1x56x56xf32, #tpu.memory_space<hbm>> -> memref<56x56xf32, #tpu.memory_space<hbm>>
        tpu.enqueue_dma source(%dma_start3A_215 : memref<56x56xf32, #tpu.memory_space<hbm>>) target(%dma_start3A_211 : memref<56x56xf32, #tpu.memory_space<vmem>>) target_semaphore(%arg9 : memref<!tpu.dma_semaphore, #tpu.memory_space<semaphore_mem>>)
      } else {
      }
      %ge3A_193 = arith.constant 192 : i32
      %ge3A_194 = arith.cmpi sge, %squeeze3A_187, %ge3A_193 : i32
      %convert_element_type3A_195 = arith.extui %ge3A_194 : i1 to i32
      %cond3A_196 = arith.constant 0 : i32
      %cond3A_197 = arith.cmpi ne, %convert_element_type3A_195, %cond3A_196 : i32
      scf.if %cond3A_197 {
        %dma_start3A = arith.constant 5 : i32
        %dma_start3A_198 = arith.constant 0 : i32
        %dma_start3A_199 = arith.constant 5 : i32
        %dma_start3A_200 = arith.constant 0 : i32
        %dma_start3A_201 = arith.constant 0 : i32
        %dma_start3A_202 = tpu.memref_slice %arg7[%dma_start3A_198, %dma_start3A_199, %dma_start3A_200, %dma_start3A_201] : memref<2x6x56x56xf32, #tpu.memory_space<vmem>> -> memref<1x1x56x56xf32, #tpu.memory_space<vmem>>
        %dma_start3A_203 = tpu.memref_squeeze %dma_start3A_202 : memref<1x1x56x56xf32, #tpu.memory_space<vmem>> -> memref<56x56xf32, #tpu.memory_space<vmem>>
        %dma_start3A_204 = arith.constant 0 : i32
        %dma_start3A_205 = arith.constant 0 : i32
        %dma_start3A_206 = tpu.memref_slice %arg4[%add3A, %dma_start3A, %dma_start3A_204, %dma_start3A_205] : memref<32x6x56x56xf32, #tpu.memory_space<hbm>> -> memref<1x1x56x56xf32, #tpu.memory_space<hbm>>
        %dma_start3A_207 = tpu.memref_squeeze %dma_start3A_206 : memref<1x1x56x56xf32, #tpu.memory_space<hbm>> -> memref<56x56xf32, #tpu.memory_space<hbm>>
        %dma_start3A_208 = arith.constant 0 : i32
        %dma_start3A_209 = arith.constant 0 : i32
        %dma_start3A_210 = tpu.memref_slice %arg7[%dma_start3A_198, %dma_start3A_199, %dma_start3A_208, %dma_start3A_209] : memref<2x6x56x56xf32, #tpu.memory_space<vmem>> -> memref<1x1x56x56xf32, #tpu.memory_space<vmem>>
        %dma_start3A_211 = tpu.memref_squeeze %dma_start3A_210 : memref<1x1x56x56xf32, #tpu.memory_space<vmem>> -> memref<56x56xf32, #tpu.memory_space<vmem>>
        %dma_start3A_212 = arith.constant 0 : i32
        %dma_start3A_213 = arith.constant 0 : i32
        %dma_start3A_214 = tpu.memref_slice %arg4[%add3A, %dma_start3A, %dma_start3A_212, %dma_start3A_213] : memref<32x6x56x56xf32, #tpu.memory_space<hbm>> -> memref<1x1x56x56xf32, #tpu.memory_space<hbm>>
        %dma_start3A_215 = tpu.memref_squeeze %dma_start3A_214 : memref<1x1x56x56xf32, #tpu.memory_space<hbm>> -> memref<56x56xf32, #tpu.memory_space<hbm>>
        tpu.enqueue_dma source(%dma_start3A_215 : memref<56x56xf32, #tpu.memory_space<hbm>>) target(%dma_start3A_211 : memref<56x56xf32, #tpu.memory_space<vmem>>) target_semaphore(%arg9 : memref<!tpu.dma_semaphore, #tpu.memory_space<semaphore_mem>>)
      } else {
      }
    } else {
    }
    %get3A_49 = arith.constant 6 : index
    %get3A_50 = tpu.vector_load %arg6[%get3A_49] {strides = array<i32>} : memref<208xi32, #tpu.memory_space<vmem>>, vector<16xi32>,
    %lt3A_51 = arith.constant 192 : i32
    %lt3A_52 = vector.broadcast %lt3A_51 : i32 to vector<16xi32>
    %lt3A_53 = arith.cmpi slt, %get3A_50, %lt3A_52 : vector<16xi32>
    %and3A_54 = arith.andi %lt3A_53, %lt3A_39 : vector<16xi1>
    %all_reduce_population_count3A_55 = tpu.all_reduce %and3A_54 {dim = 0 : i64, kind = #tpu.reduction_kind<sum>} : vector<16xi1> -> vector<16xi32>
    %slice3A_56 = vector.extract_strided_slice %all_reduce_population_count3A_55 {offsets = [0], sizes = [1], strides = [1]} : vector<16xi32> to vector<1xi32>
    %squeeze3A_57 = vector.extract %slice3A_56[0] : i32 from vector<1xi32>
    %eq3A_58 = arith.constant 0 : i32
    %eq3A_59 = arith.cmpi eq, %squeeze3A_57, %eq3A_58 : i32
    %not3A_60 = arith.constant true
    %not3A_61 = arith.xori %eq3A_59, %not3A_60 : i1
    %convert_element_type3A_62 = arith.extui %not3A_61 : i1 to i32
    %cond3A_63 = arith.constant 0 : i32
    %cond3A_64 = arith.cmpi ne, %convert_element_type3A_62, %cond3A_63 : i32
    scf.if %cond3A_64 {
      %slice3A_127 = vector.extract_strided_slice %get3A_50 {offsets = [0], sizes = [1], strides = [1]} : vector<16xi32> to vector<1xi32>
      %squeeze3A_128 = vector.extract %slice3A_127[0] : i32 from vector<1xi32>
      %lt3A_129 = arith.constant 192 : i32
      %lt3A_130 = arith.cmpi slt, %squeeze3A_128, %lt3A_129 : i32
      %convert_element_type3A_131 = arith.extui %lt3A_130 : i1 to i32
      %cond3A_132 = arith.constant 0 : i32
      %cond3A_133 = arith.cmpi ne, %convert_element_type3A_131, %cond3A_132 : i32
      scf.if %cond3A_133 {
        %add3A_198 = arith.addi %mul3A_34, %squeeze3A_128 : i32
        %dma_start3A = arith.constant 1 : i32
        %dma_start3A_199 = arith.constant 0 : i32
        %dma_start3A_200 = arith.constant 0 : i32
        %dma_start3A_201 = arith.constant 0 : i32
        %dma_start3A_202 = tpu.memref_slice %arg7[%dma_start3A, %dma_start3A_199, %dma_start3A_200, %dma_start3A_201] : memref<2x6x56x56xf32, #tpu.memory_space<vmem>> -> memref<1x1x56x56xf32, #tpu.memory_space<vmem>>
        %dma_start3A_203 = tpu.memref_squeeze %dma_start3A_202 : memref<1x1x56x56xf32, #tpu.memory_space<vmem>> -> memref<56x56xf32, #tpu.memory_space<vmem>>
        %dma_start3A_204 = arith.constant 0 : i32
        %dma_start3A_205 = arith.constant 0 : i32
        %dma_start3A_206 = tpu.memref_slice %arg2[%add3A_198, %dma_start3A_204, %dma_start3A_205] : memref<3072x56x56xf32, #tpu.memory_space<hbm>> -> memref<1x56x56xf32, #tpu.memory_space<hbm>>
        %dma_start3A_207 = tpu.memref_squeeze %dma_start3A_206 : memref<1x56x56xf32, #tpu.memory_space<hbm>> -> memref<56x56xf32, #tpu.memory_space<hbm>>
        %dma_start3A_208 = arith.constant 0 : i32
        %dma_start3A_209 = arith.constant 0 : i32
        %dma_start3A_210 = tpu.memref_slice %arg7[%dma_start3A, %dma_start3A_199, %dma_start3A_208, %dma_start3A_209] : memref<2x6x56x56xf32, #tpu.memory_space<vmem>> -> memref<1x1x56x56xf32, #tpu.memory_space<vmem>>
        %dma_start3A_211 = tpu.memref_squeeze %dma_start3A_210 : memref<1x1x56x56xf32, #tpu.memory_space<vmem>> -> memref<56x56xf32, #tpu.memory_space<vmem>>
        %dma_start3A_212 = arith.constant 0 : i32
        %dma_start3A_213 = arith.constant 0 : i32
        %dma_start3A_214 = tpu.memref_slice %arg2[%add3A_198, %dma_start3A_212, %dma_start3A_213] : memref<3072x56x56xf32, #tpu.memory_space<hbm>> -> memref<1x56x56xf32, #tpu.memory_space<hbm>>
        %dma_start3A_215 = tpu.memref_squeeze %dma_start3A_214 : memref<1x56x56xf32, #tpu.memory_space<hbm>> -> memref<56x56xf32, #tpu.memory_space<hbm>>
        tpu.enqueue_dma source(%dma_start3A_215 : memref<56x56xf32, #tpu.memory_space<hbm>>) target(%dma_start3A_211 : memref<56x56xf32, #tpu.memory_space<vmem>>) target_semaphore(%arg10 : memref<!tpu.dma_semaphore, #tpu.memory_space<semaphore_mem>>)
      } else {
      }
      %ge3A = arith.constant 192 : i32
      %ge3A_134 = arith.cmpi sge, %squeeze3A_128, %ge3A : i32
      %convert_element_type3A_135 = arith.extui %ge3A_134 : i1 to i32
      %cond3A_136 = arith.constant 0 : i32
      %cond3A_137 = arith.cmpi ne, %convert_element_type3A_135, %cond3A_136 : i32
      scf.if %cond3A_137 {
        %dma_start3A = arith.constant 0 : i32
        %dma_start3A_198 = arith.constant 1 : i32
        %dma_start3A_199 = arith.constant 0 : i32
        %dma_start3A_200 = arith.constant 0 : i32
        %dma_start3A_201 = arith.constant 0 : i32
        %dma_start3A_202 = tpu.memref_slice %arg7[%dma_start3A_198, %dma_start3A_199, %dma_start3A_200, %dma_start3A_201] : memref<2x6x56x56xf32, #tpu.memory_space<vmem>> -> memref<1x1x56x56xf32, #tpu.memory_space<vmem>>
        %dma_start3A_203 = tpu.memref_squeeze %dma_start3A_202 : memref<1x1x56x56xf32, #tpu.memory_space<vmem>> -> memref<56x56xf32, #tpu.memory_space<vmem>>
        %dma_start3A_204 = arith.constant 0 : i32
        %dma_start3A_205 = arith.constant 0 : i32
        %dma_start3A_206 = tpu.memref_slice %arg4[%add3A, %dma_start3A, %dma_start3A_204, %dma_start3A_205] : memref<32x6x56x56xf32, #tpu.memory_space<hbm>> -> memref<1x1x56x56xf32, #tpu.memory_space<hbm>>
        %dma_start3A_207 = tpu.memref_squeeze %dma_start3A_206 : memref<1x1x56x56xf32, #tpu.memory_space<hbm>> -> memref<56x56xf32, #tpu.memory_space<hbm>>
        %dma_start3A_208 = arith.constant 0 : i32
        %dma_start3A_209 = arith.constant 0 : i32
        %dma_start3A_210 = tpu.memref_slice %arg7[%dma_start3A_198, %dma_start3A_199, %dma_start3A_208, %dma_start3A_209] : memref<2x6x56x56xf32, #tpu.memory_space<vmem>> -> memref<1x1x56x56xf32, #tpu.memory_space<vmem>>
        %dma_start3A_211 = tpu.memref_squeeze %dma_start3A_210 : memref<1x1x56x56xf32, #tpu.memory_space<vmem>> -> memref<56x56xf32, #tpu.memory_space<vmem>>
        %dma_start3A_212 = arith.constant 0 : i32
        %dma_start3A_213 = arith.constant 0 : i32
        %dma_start3A_214 = tpu.memref_slice %arg4[%add3A, %dma_start3A, %dma_start3A_212, %dma_start3A_213] : memref<32x6x56x56xf32, #tpu.memory_space<hbm>> -> memref<1x1x56x56xf32, #tpu.memory_space<hbm>>
        %dma_start3A_215 = tpu.memref_squeeze %dma_start3A_214 : memref<1x1x56x56xf32, #tpu.memory_space<hbm>> -> memref<56x56xf32, #tpu.memory_space<hbm>>
        tpu.enqueue_dma source(%dma_start3A_215 : memref<56x56xf32, #tpu.memory_space<hbm>>) target(%dma_start3A_211 : memref<56x56xf32, #tpu.memory_space<vmem>>) target_semaphore(%arg10 : memref<!tpu.dma_semaphore, #tpu.memory_space<semaphore_mem>>)
      } else {
      }
      %slice3A_138 = vector.extract_strided_slice %get3A_50 {offsets = [1], sizes = [1], strides = [1]} : vector<16xi32> to vector<1xi32>
      %squeeze3A_139 = vector.extract %slice3A_138[0] : i32 from vector<1xi32>
      %lt3A_140 = arith.constant 192 : i32
      %lt3A_141 = arith.cmpi slt, %squeeze3A_139, %lt3A_140 : i32
      %convert_element_type3A_142 = arith.extui %lt3A_141 : i1 to i32
      %cond3A_143 = arith.constant 0 : i32
      %cond3A_144 = arith.cmpi ne, %convert_element_type3A_142, %cond3A_143 : i32
      scf.if %cond3A_144 {
        %add3A_198 = arith.addi %mul3A_34, %squeeze3A_139 : i32
        %dma_start3A = arith.constant 1 : i32
        %dma_start3A_199 = arith.constant 1 : i32
        %dma_start3A_200 = arith.constant 0 : i32
        %dma_start3A_201 = arith.constant 0 : i32
        %dma_start3A_202 = tpu.memref_slice %arg7[%dma_start3A, %dma_start3A_199, %dma_start3A_200, %dma_start3A_201] : memref<2x6x56x56xf32, #tpu.memory_space<vmem>> -> memref<1x1x56x56xf32, #tpu.memory_space<vmem>>
        %dma_start3A_203 = tpu.memref_squeeze %dma_start3A_202 : memref<1x1x56x56xf32, #tpu.memory_space<vmem>> -> memref<56x56xf32, #tpu.memory_space<vmem>>
        %dma_start3A_204 = arith.constant 0 : i32
        %dma_start3A_205 = arith.constant 0 : i32
        %dma_start3A_206 = tpu.memref_slice %arg2[%add3A_198, %dma_start3A_204, %dma_start3A_205] : memref<3072x56x56xf32, #tpu.memory_space<hbm>> -> memref<1x56x56xf32, #tpu.memory_space<hbm>>
        %dma_start3A_207 = tpu.memref_squeeze %dma_start3A_206 : memref<1x56x56xf32, #tpu.memory_space<hbm>> -> memref<56x56xf32, #tpu.memory_space<hbm>>
        %dma_start3A_208 = arith.constant 0 : i32
        %dma_start3A_209 = arith.constant 0 : i32
        %dma_start3A_210 = tpu.memref_slice %arg7[%dma_start3A, %dma_start3A_199, %dma_start3A_208, %dma_start3A_209] : memref<2x6x56x56xf32, #tpu.memory_space<vmem>> -> memref<1x1x56x56xf32, #tpu.memory_space<vmem>>
        %dma_start3A_211 = tpu.memref_squeeze %dma_start3A_210 : memref<1x1x56x56xf32, #tpu.memory_space<vmem>> -> memref<56x56xf32, #tpu.memory_space<vmem>>
        %dma_start3A_212 = arith.constant 0 : i32
        %dma_start3A_213 = arith.constant 0 : i32
        %dma_start3A_214 = tpu.memref_slice %arg2[%add3A_198, %dma_start3A_212, %dma_start3A_213] : memref<3072x56x56xf32, #tpu.memory_space<hbm>> -> memref<1x56x56xf32, #tpu.memory_space<hbm>>
        %dma_start3A_215 = tpu.memref_squeeze %dma_start3A_214 : memref<1x56x56xf32, #tpu.memory_space<hbm>> -> memref<56x56xf32, #tpu.memory_space<hbm>>
        tpu.enqueue_dma source(%dma_start3A_215 : memref<56x56xf32, #tpu.memory_space<hbm>>) target(%dma_start3A_211 : memref<56x56xf32, #tpu.memory_space<vmem>>) target_semaphore(%arg10 : memref<!tpu.dma_semaphore, #tpu.memory_space<semaphore_mem>>)
      } else {
      }
      %ge3A_145 = arith.constant 192 : i32
      %ge3A_146 = arith.cmpi sge, %squeeze3A_139, %ge3A_145 : i32
      %convert_element_type3A_147 = arith.extui %ge3A_146 : i1 to i32
      %cond3A_148 = arith.constant 0 : i32
      %cond3A_149 = arith.cmpi ne, %convert_element_type3A_147, %cond3A_148 : i32
      scf.if %cond3A_149 {
        %dma_start3A = arith.constant 1 : i32
        %dma_start3A_198 = arith.constant 1 : i32
        %dma_start3A_199 = arith.constant 1 : i32
        %dma_start3A_200 = arith.constant 0 : i32
        %dma_start3A_201 = arith.constant 0 : i32
        %dma_start3A_202 = tpu.memref_slice %arg7[%dma_start3A_198, %dma_start3A_199, %dma_start3A_200, %dma_start3A_201] : memref<2x6x56x56xf32, #tpu.memory_space<vmem>> -> memref<1x1x56x56xf32, #tpu.memory_space<vmem>>
        %dma_start3A_203 = tpu.memref_squeeze %dma_start3A_202 : memref<1x1x56x56xf32, #tpu.memory_space<vmem>> -> memref<56x56xf32, #tpu.memory_space<vmem>>
        %dma_start3A_204 = arith.constant 0 : i32
        %dma_start3A_205 = arith.constant 0 : i32
        %dma_start3A_206 = tpu.memref_slice %arg4[%add3A, %dma_start3A, %dma_start3A_204, %dma_start3A_205] : memref<32x6x56x56xf32, #tpu.memory_space<hbm>> -> memref<1x1x56x56xf32, #tpu.memory_space<hbm>>
        %dma_start3A_207 = tpu.memref_squeeze %dma_start3A_206 : memref<1x1x56x56xf32, #tpu.memory_space<hbm>> -> memref<56x56xf32, #tpu.memory_space<hbm>>
        %dma_start3A_208 = arith.constant 0 : i32
        %dma_start3A_209 = arith.constant 0 : i32
        %dma_start3A_210 = tpu.memref_slice %arg7[%dma_start3A_198, %dma_start3A_199, %dma_start3A_208, %dma_start3A_209] : memref<2x6x56x56xf32, #tpu.memory_space<vmem>> -> memref<1x1x56x56xf32, #tpu.memory_space<vmem>>
        %dma_start3A_211 = tpu.memref_squeeze %dma_start3A_210 : memref<1x1x56x56xf32, #tpu.memory_space<vmem>> -> memref<56x56xf32, #tpu.memory_space<vmem>>
        %dma_start3A_212 = arith.constant 0 : i32
        %dma_start3A_213 = arith.constant 0 : i32
        %dma_start3A_214 = tpu.memref_slice %arg4[%add3A, %dma_start3A, %dma_start3A_212, %dma_start3A_213] : memref<32x6x56x56xf32, #tpu.memory_space<hbm>> -> memref<1x1x56x56xf32, #tpu.memory_space<hbm>>
        %dma_start3A_215 = tpu.memref_squeeze %dma_start3A_214 : memref<1x1x56x56xf32, #tpu.memory_space<hbm>> -> memref<56x56xf32, #tpu.memory_space<hbm>>
        tpu.enqueue_dma source(%dma_start3A_215 : memref<56x56xf32, #tpu.memory_space<hbm>>) target(%dma_start3A_211 : memref<56x56xf32, #tpu.memory_space<vmem>>) target_semaphore(%arg10 : memref<!tpu.dma_semaphore, #tpu.memory_space<semaphore_mem>>)
      } else {
      }
      %slice3A_150 = vector.extract_strided_slice %get3A_50 {offsets = [2], sizes = [1], strides = [1]} : vector<16xi32> to vector<1xi32>
      %squeeze3A_151 = vector.extract %slice3A_150[0] : i32 from vector<1xi32>
      %lt3A_152 = arith.constant 192 : i32
      %lt3A_153 = arith.cmpi slt, %squeeze3A_151, %lt3A_152 : i32
      %convert_element_type3A_154 = arith.extui %lt3A_153 : i1 to i32
      %cond3A_155 = arith.constant 0 : i32
      %cond3A_156 = arith.cmpi ne, %convert_element_type3A_154, %cond3A_155 : i32
      scf.if %cond3A_156 {
        %add3A_198 = arith.addi %mul3A_34, %squeeze3A_151 : i32
        %dma_start3A = arith.constant 1 : i32
        %dma_start3A_199 = arith.constant 2 : i32
        %dma_start3A_200 = arith.constant 0 : i32
        %dma_start3A_201 = arith.constant 0 : i32
        %dma_start3A_202 = tpu.memref_slice %arg7[%dma_start3A, %dma_start3A_199, %dma_start3A_200, %dma_start3A_201] : memref<2x6x56x56xf32, #tpu.memory_space<vmem>> -> memref<1x1x56x56xf32, #tpu.memory_space<vmem>>
        %dma_start3A_203 = tpu.memref_squeeze %dma_start3A_202 : memref<1x1x56x56xf32, #tpu.memory_space<vmem>> -> memref<56x56xf32, #tpu.memory_space<vmem>>
        %dma_start3A_204 = arith.constant 0 : i32
        %dma_start3A_205 = arith.constant 0 : i32
        %dma_start3A_206 = tpu.memref_slice %arg2[%add3A_198, %dma_start3A_204, %dma_start3A_205] : memref<3072x56x56xf32, #tpu.memory_space<hbm>> -> memref<1x56x56xf32, #tpu.memory_space<hbm>>
        %dma_start3A_207 = tpu.memref_squeeze %dma_start3A_206 : memref<1x56x56xf32, #tpu.memory_space<hbm>> -> memref<56x56xf32, #tpu.memory_space<hbm>>
        %dma_start3A_208 = arith.constant 0 : i32
        %dma_start3A_209 = arith.constant 0 : i32
        %dma_start3A_210 = tpu.memref_slice %arg7[%dma_start3A, %dma_start3A_199, %dma_start3A_208, %dma_start3A_209] : memref<2x6x56x56xf32, #tpu.memory_space<vmem>> -> memref<1x1x56x56xf32, #tpu.memory_space<vmem>>
        %dma_start3A_211 = tpu.memref_squeeze %dma_start3A_210 : memref<1x1x56x56xf32, #tpu.memory_space<vmem>> -> memref<56x56xf32, #tpu.memory_space<vmem>>
        %dma_start3A_212 = arith.constant 0 : i32
        %dma_start3A_213 = arith.constant 0 : i32
        %dma_start3A_214 = tpu.memref_slice %arg2[%add3A_198, %dma_start3A_212, %dma_start3A_213] : memref<3072x56x56xf32, #tpu.memory_space<hbm>> -> memref<1x56x56xf32, #tpu.memory_space<hbm>>
        %dma_start3A_215 = tpu.memref_squeeze %dma_start3A_214 : memref<1x56x56xf32, #tpu.memory_space<hbm>> -> memref<56x56xf32, #tpu.memory_space<hbm>>
        tpu.enqueue_dma source(%dma_start3A_215 : memref<56x56xf32, #tpu.memory_space<hbm>>) target(%dma_start3A_211 : memref<56x56xf32, #tpu.memory_space<vmem>>) target_semaphore(%arg10 : memref<!tpu.dma_semaphore, #tpu.memory_space<semaphore_mem>>)
      } else {
      }
      %ge3A_157 = arith.constant 192 : i32
      %ge3A_158 = arith.cmpi sge, %squeeze3A_151, %ge3A_157 : i32
      %convert_element_type3A_159 = arith.extui %ge3A_158 : i1 to i32
      %cond3A_160 = arith.constant 0 : i32
      %cond3A_161 = arith.cmpi ne, %convert_element_type3A_159, %cond3A_160 : i32
      scf.if %cond3A_161 {
        %dma_start3A = arith.constant 2 : i32
        %dma_start3A_198 = arith.constant 1 : i32
        %dma_start3A_199 = arith.constant 2 : i32
        %dma_start3A_200 = arith.constant 0 : i32
        %dma_start3A_201 = arith.constant 0 : i32
        %dma_start3A_202 = tpu.memref_slice %arg7[%dma_start3A_198, %dma_start3A_199, %dma_start3A_200, %dma_start3A_201] : memref<2x6x56x56xf32, #tpu.memory_space<vmem>> -> memref<1x1x56x56xf32, #tpu.memory_space<vmem>>
        %dma_start3A_203 = tpu.memref_squeeze %dma_start3A_202 : memref<1x1x56x56xf32, #tpu.memory_space<vmem>> -> memref<56x56xf32, #tpu.memory_space<vmem>>
        %dma_start3A_204 = arith.constant 0 : i32
        %dma_start3A_205 = arith.constant 0 : i32
        %dma_start3A_206 = tpu.memref_slice %arg4[%add3A, %dma_start3A, %dma_start3A_204, %dma_start3A_205] : memref<32x6x56x56xf32, #tpu.memory_space<hbm>> -> memref<1x1x56x56xf32, #tpu.memory_space<hbm>>
        %dma_start3A_207 = tpu.memref_squeeze %dma_start3A_206 : memref<1x1x56x56xf32, #tpu.memory_space<hbm>> -> memref<56x56xf32, #tpu.memory_space<hbm>>
        %dma_start3A_208 = arith.constant 0 : i32
        %dma_start3A_209 = arith.constant 0 : i32
        %dma_start3A_210 = tpu.memref_slice %arg7[%dma_start3A_198, %dma_start3A_199, %dma_start3A_208, %dma_start3A_209] : memref<2x6x56x56xf32, #tpu.memory_space<vmem>> -> memref<1x1x56x56xf32, #tpu.memory_space<vmem>>
        %dma_start3A_211 = tpu.memref_squeeze %dma_start3A_210 : memref<1x1x56x56xf32, #tpu.memory_space<vmem>> -> memref<56x56xf32, #tpu.memory_space<vmem>>
        %dma_start3A_212 = arith.constant 0 : i32
        %dma_start3A_213 = arith.constant 0 : i32
        %dma_start3A_214 = tpu.memref_slice %arg4[%add3A, %dma_start3A, %dma_start3A_212, %dma_start3A_213] : memref<32x6x56x56xf32, #tpu.memory_space<hbm>> -> memref<1x1x56x56xf32, #tpu.memory_space<hbm>>
        %dma_start3A_215 = tpu.memref_squeeze %dma_start3A_214 : memref<1x1x56x56xf32, #tpu.memory_space<hbm>> -> memref<56x56xf32, #tpu.memory_space<hbm>>
        tpu.enqueue_dma source(%dma_start3A_215 : memref<56x56xf32, #tpu.memory_space<hbm>>) target(%dma_start3A_211 : memref<56x56xf32, #tpu.memory_space<vmem>>) target_semaphore(%arg10 : memref<!tpu.dma_semaphore, #tpu.memory_space<semaphore_mem>>)
      } else {
      }
      %slice3A_162 = vector.extract_strided_slice %get3A_50 {offsets = [3], sizes = [1], strides = [1]} : vector<16xi32> to vector<1xi32>
      %squeeze3A_163 = vector.extract %slice3A_162[0] : i32 from vector<1xi32>
      %lt3A_164 = arith.constant 192 : i32
      %lt3A_165 = arith.cmpi slt, %squeeze3A_163, %lt3A_164 : i32
      %convert_element_type3A_166 = arith.extui %lt3A_165 : i1 to i32
      %cond3A_167 = arith.constant 0 : i32
      %cond3A_168 = arith.cmpi ne, %convert_element_type3A_166, %cond3A_167 : i32
      scf.if %cond3A_168 {
        %add3A_198 = arith.addi %mul3A_34, %squeeze3A_163 : i32
        %dma_start3A = arith.constant 1 : i32
        %dma_start3A_199 = arith.constant 3 : i32
        %dma_start3A_200 = arith.constant 0 : i32
        %dma_start3A_201 = arith.constant 0 : i32
        %dma_start3A_202 = tpu.memref_slice %arg7[%dma_start3A, %dma_start3A_199, %dma_start3A_200, %dma_start3A_201] : memref<2x6x56x56xf32, #tpu.memory_space<vmem>> -> memref<1x1x56x56xf32, #tpu.memory_space<vmem>>
        %dma_start3A_203 = tpu.memref_squeeze %dma_start3A_202 : memref<1x1x56x56xf32, #tpu.memory_space<vmem>> -> memref<56x56xf32, #tpu.memory_space<vmem>>
        %dma_start3A_204 = arith.constant 0 : i32
        %dma_start3A_205 = arith.constant 0 : i32
        %dma_start3A_206 = tpu.memref_slice %arg2[%add3A_198, %dma_start3A_204, %dma_start3A_205] : memref<3072x56x56xf32, #tpu.memory_space<hbm>> -> memref<1x56x56xf32, #tpu.memory_space<hbm>>
        %dma_start3A_207 = tpu.memref_squeeze %dma_start3A_206 : memref<1x56x56xf32, #tpu.memory_space<hbm>> -> memref<56x56xf32, #tpu.memory_space<hbm>>
        %dma_start3A_208 = arith.constant 0 : i32
        %dma_start3A_209 = arith.constant 0 : i32
        %dma_start3A_210 = tpu.memref_slice %arg7[%dma_start3A, %dma_start3A_199, %dma_start3A_208, %dma_start3A_209] : memref<2x6x56x56xf32, #tpu.memory_space<vmem>> -> memref<1x1x56x56xf32, #tpu.memory_space<vmem>>
        %dma_start3A_211 = tpu.memref_squeeze %dma_start3A_210 : memref<1x1x56x56xf32, #tpu.memory_space<vmem>> -> memref<56x56xf32, #tpu.memory_space<vmem>>
        %dma_start3A_212 = arith.constant 0 : i32
        %dma_start3A_213 = arith.constant 0 : i32
        %dma_start3A_214 = tpu.memref_slice %arg2[%add3A_198, %dma_start3A_212, %dma_start3A_213] : memref<3072x56x56xf32, #tpu.memory_space<hbm>> -> memref<1x56x56xf32, #tpu.memory_space<hbm>>
        %dma_start3A_215 = tpu.memref_squeeze %dma_start3A_214 : memref<1x56x56xf32, #tpu.memory_space<hbm>> -> memref<56x56xf32, #tpu.memory_space<hbm>>
        tpu.enqueue_dma source(%dma_start3A_215 : memref<56x56xf32, #tpu.memory_space<hbm>>) target(%dma_start3A_211 : memref<56x56xf32, #tpu.memory_space<vmem>>) target_semaphore(%arg10 : memref<!tpu.dma_semaphore, #tpu.memory_space<semaphore_mem>>)
      } else {
      }
      %ge3A_169 = arith.constant 192 : i32
      %ge3A_170 = arith.cmpi sge, %squeeze3A_163, %ge3A_169 : i32
      %convert_element_type3A_171 = arith.extui %ge3A_170 : i1 to i32
      %cond3A_172 = arith.constant 0 : i32
      %cond3A_173 = arith.cmpi ne, %convert_element_type3A_171, %cond3A_172 : i32
      scf.if %cond3A_173 {
        %dma_start3A = arith.constant 3 : i32
        %dma_start3A_198 = arith.constant 1 : i32
        %dma_start3A_199 = arith.constant 3 : i32
        %dma_start3A_200 = arith.constant 0 : i32
        %dma_start3A_201 = arith.constant 0 : i32
        %dma_start3A_202 = tpu.memref_slice %arg7[%dma_start3A_198, %dma_start3A_199, %dma_start3A_200, %dma_start3A_201] : memref<2x6x56x56xf32, #tpu.memory_space<vmem>> -> memref<1x1x56x56xf32, #tpu.memory_space<vmem>>
        %dma_start3A_203 = tpu.memref_squeeze %dma_start3A_202 : memref<1x1x56x56xf32, #tpu.memory_space<vmem>> -> memref<56x56xf32, #tpu.memory_space<vmem>>
        %dma_start3A_204 = arith.constant 0 : i32
        %dma_start3A_205 = arith.constant 0 : i32
        %dma_start3A_206 = tpu.memref_slice %arg4[%add3A, %dma_start3A, %dma_start3A_204, %dma_start3A_205] : memref<32x6x56x56xf32, #tpu.memory_space<hbm>> -> memref<1x1x56x56xf32, #tpu.memory_space<hbm>>
        %dma_start3A_207 = tpu.memref_squeeze %dma_start3A_206 : memref<1x1x56x56xf32, #tpu.memory_space<hbm>> -> memref<56x56xf32, #tpu.memory_space<hbm>>
        %dma_start3A_208 = arith.constant 0 : i32
        %dma_start3A_209 = arith.constant 0 : i32
        %dma_start3A_210 = tpu.memref_slice %arg7[%dma_start3A_198, %dma_start3A_199, %dma_start3A_208, %dma_start3A_209] : memref<2x6x56x56xf32, #tpu.memory_space<vmem>> -> memref<1x1x56x56xf32, #tpu.memory_space<vmem>>
        %dma_start3A_211 = tpu.memref_squeeze %dma_start3A_210 : memref<1x1x56x56xf32, #tpu.memory_space<vmem>> -> memref<56x56xf32, #tpu.memory_space<vmem>>
        %dma_start3A_212 = arith.constant 0 : i32
        %dma_start3A_213 = arith.constant 0 : i32
        %dma_start3A_214 = tpu.memref_slice %arg4[%add3A, %dma_start3A, %dma_start3A_212, %dma_start3A_213] : memref<32x6x56x56xf32, #tpu.memory_space<hbm>> -> memref<1x1x56x56xf32, #tpu.memory_space<hbm>>
        %dma_start3A_215 = tpu.memref_squeeze %dma_start3A_214 : memref<1x1x56x56xf32, #tpu.memory_space<hbm>> -> memref<56x56xf32, #tpu.memory_space<hbm>>
        tpu.enqueue_dma source(%dma_start3A_215 : memref<56x56xf32, #tpu.memory_space<hbm>>) target(%dma_start3A_211 : memref<56x56xf32, #tpu.memory_space<vmem>>) target_semaphore(%arg10 : memref<!tpu.dma_semaphore, #tpu.memory_space<semaphore_mem>>)
      } else {
      }
      %slice3A_174 = vector.extract_strided_slice %get3A_50 {offsets = [4], sizes = [1], strides = [1]} : vector<16xi32> to vector<1xi32>
      %squeeze3A_175 = vector.extract %slice3A_174[0] : i32 from vector<1xi32>
      %lt3A_176 = arith.constant 192 : i32
      %lt3A_177 = arith.cmpi slt, %squeeze3A_175, %lt3A_176 : i32
      %convert_element_type3A_178 = arith.extui %lt3A_177 : i1 to i32
      %cond3A_179 = arith.constant 0 : i32
      %cond3A_180 = arith.cmpi ne, %convert_element_type3A_178, %cond3A_179 : i32
      scf.if %cond3A_180 {
        %add3A_198 = arith.addi %mul3A_34, %squeeze3A_175 : i32
        %dma_start3A = arith.constant 1 : i32
        %dma_start3A_199 = arith.constant 4 : i32
        %dma_start3A_200 = arith.constant 0 : i32
        %dma_start3A_201 = arith.constant 0 : i32
        %dma_start3A_202 = tpu.memref_slice %arg7[%dma_start3A, %dma_start3A_199, %dma_start3A_200, %dma_start3A_201] : memref<2x6x56x56xf32, #tpu.memory_space<vmem>> -> memref<1x1x56x56xf32, #tpu.memory_space<vmem>>
        %dma_start3A_203 = tpu.memref_squeeze %dma_start3A_202 : memref<1x1x56x56xf32, #tpu.memory_space<vmem>> -> memref<56x56xf32, #tpu.memory_space<vmem>>
        %dma_start3A_204 = arith.constant 0 : i32
        %dma_start3A_205 = arith.constant 0 : i32
        %dma_start3A_206 = tpu.memref_slice %arg2[%add3A_198, %dma_start3A_204, %dma_start3A_205] : memref<3072x56x56xf32, #tpu.memory_space<hbm>> -> memref<1x56x56xf32, #tpu.memory_space<hbm>>
        %dma_start3A_207 = tpu.memref_squeeze %dma_start3A_206 : memref<1x56x56xf32, #tpu.memory_space<hbm>> -> memref<56x56xf32, #tpu.memory_space<hbm>>
        %dma_start3A_208 = arith.constant 0 : i32
        %dma_start3A_209 = arith.constant 0 : i32
        %dma_start3A_210 = tpu.memref_slice %arg7[%dma_start3A, %dma_start3A_199, %dma_start3A_208, %dma_start3A_209] : memref<2x6x56x56xf32, #tpu.memory_space<vmem>> -> memref<1x1x56x56xf32, #tpu.memory_space<vmem>>
        %dma_start3A_211 = tpu.memref_squeeze %dma_start3A_210 : memref<1x1x56x56xf32, #tpu.memory_space<vmem>> -> memref<56x56xf32, #tpu.memory_space<vmem>>
        %dma_start3A_212 = arith.constant 0 : i32
        %dma_start3A_213 = arith.constant 0 : i32
        %dma_start3A_214 = tpu.memref_slice %arg2[%add3A_198, %dma_start3A_212, %dma_start3A_213] : memref<3072x56x56xf32, #tpu.memory_space<hbm>> -> memref<1x56x56xf32, #tpu.memory_space<hbm>>
        %dma_start3A_215 = tpu.memref_squeeze %dma_start3A_214 : memref<1x56x56xf32, #tpu.memory_space<hbm>> -> memref<56x56xf32, #tpu.memory_space<hbm>>
        tpu.enqueue_dma source(%dma_start3A_215 : memref<56x56xf32, #tpu.memory_space<hbm>>) target(%dma_start3A_211 : memref<56x56xf32, #tpu.memory_space<vmem>>) target_semaphore(%arg10 : memref<!tpu.dma_semaphore, #tpu.memory_space<semaphore_mem>>)
      } else {
      }
      %ge3A_181 = arith.constant 192 : i32
      %ge3A_182 = arith.cmpi sge, %squeeze3A_175, %ge3A_181 : i32
      %convert_element_type3A_183 = arith.extui %ge3A_182 : i1 to i32
      %cond3A_184 = arith.constant 0 : i32
      %cond3A_185 = arith.cmpi ne, %convert_element_type3A_183, %cond3A_184 : i32
      scf.if %cond3A_185 {
        %dma_start3A = arith.constant 4 : i32
        %dma_start3A_198 = arith.constant 1 : i32
        %dma_start3A_199 = arith.constant 4 : i32
        %dma_start3A_200 = arith.constant 0 : i32
        %dma_start3A_201 = arith.constant 0 : i32
        %dma_start3A_202 = tpu.memref_slice %arg7[%dma_start3A_198, %dma_start3A_199, %dma_start3A_200, %dma_start3A_201] : memref<2x6x56x56xf32, #tpu.memory_space<vmem>> -> memref<1x1x56x56xf32, #tpu.memory_space<vmem>>
        %dma_start3A_203 = tpu.memref_squeeze %dma_start3A_202 : memref<1x1x56x56xf32, #tpu.memory_space<vmem>> -> memref<56x56xf32, #tpu.memory_space<vmem>>
        %dma_start3A_204 = arith.constant 0 : i32
        %dma_start3A_205 = arith.constant 0 : i32
        %dma_start3A_206 = tpu.memref_slice %arg4[%add3A, %dma_start3A, %dma_start3A_204, %dma_start3A_205] : memref<32x6x56x56xf32, #tpu.memory_space<hbm>> -> memref<1x1x56x56xf32, #tpu.memory_space<hbm>>
        %dma_start3A_207 = tpu.memref_squeeze %dma_start3A_206 : memref<1x1x56x56xf32, #tpu.memory_space<hbm>> -> memref<56x56xf32, #tpu.memory_space<hbm>>
        %dma_start3A_208 = arith.constant 0 : i32
        %dma_start3A_209 = arith.constant 0 : i32
        %dma_start3A_210 = tpu.memref_slice %arg7[%dma_start3A_198, %dma_start3A_199, %dma_start3A_208, %dma_start3A_209] : memref<2x6x56x56xf32, #tpu.memory_space<vmem>> -> memref<1x1x56x56xf32, #tpu.memory_space<vmem>>
        %dma_start3A_211 = tpu.memref_squeeze %dma_start3A_210 : memref<1x1x56x56xf32, #tpu.memory_space<vmem>> -> memref<56x56xf32, #tpu.memory_space<vmem>>
        %dma_start3A_212 = arith.constant 0 : i32
        %dma_start3A_213 = arith.constant 0 : i32
        %dma_start3A_214 = tpu.memref_slice %arg4[%add3A, %dma_start3A, %dma_start3A_212, %dma_start3A_213] : memref<32x6x56x56xf32, #tpu.memory_space<hbm>> -> memref<1x1x56x56xf32, #tpu.memory_space<hbm>>
        %dma_start3A_215 = tpu.memref_squeeze %dma_start3A_214 : memref<1x1x56x56xf32, #tpu.memory_space<hbm>> -> memref<56x56xf32, #tpu.memory_space<hbm>>
        tpu.enqueue_dma source(%dma_start3A_215 : memref<56x56xf32, #tpu.memory_space<hbm>>) target(%dma_start3A_211 : memref<56x56xf32, #tpu.memory_space<vmem>>) target_semaphore(%arg10 : memref<!tpu.dma_semaphore, #tpu.memory_space<semaphore_mem>>)
      } else {
      }
      %slice3A_186 = vector.extract_strided_slice %get3A_50 {offsets = [5], sizes = [1], strides = [1]} : vector<16xi32> to vector<1xi32>
      %squeeze3A_187 = vector.extract %slice3A_186[0] : i32 from vector<1xi32>
      %lt3A_188 = arith.constant 192 : i32
      %lt3A_189 = arith.cmpi slt, %squeeze3A_187, %lt3A_188 : i32
      %convert_element_type3A_190 = arith.extui %lt3A_189 : i1 to i32
      %cond3A_191 = arith.constant 0 : i32
      %cond3A_192 = arith.cmpi ne, %convert_element_type3A_190, %cond3A_191 : i32
      scf.if %cond3A_192 {
        %add3A_198 = arith.addi %mul3A_34, %squeeze3A_187 : i32
        %dma_start3A = arith.constant 1 : i32
        %dma_start3A_199 = arith.constant 5 : i32
        %dma_start3A_200 = arith.constant 0 : i32
        %dma_start3A_201 = arith.constant 0 : i32
        %dma_start3A_202 = tpu.memref_slice %arg7[%dma_start3A, %dma_start3A_199, %dma_start3A_200, %dma_start3A_201] : memref<2x6x56x56xf32, #tpu.memory_space<vmem>> -> memref<1x1x56x56xf32, #tpu.memory_space<vmem>>
        %dma_start3A_203 = tpu.memref_squeeze %dma_start3A_202 : memref<1x1x56x56xf32, #tpu.memory_space<vmem>> -> memref<56x56xf32, #tpu.memory_space<vmem>>
        %dma_start3A_204 = arith.constant 0 : i32
        %dma_start3A_205 = arith.constant 0 : i32
        %dma_start3A_206 = tpu.memref_slice %arg2[%add3A_198, %dma_start3A_204, %dma_start3A_205] : memref<3072x56x56xf32, #tpu.memory_space<hbm>> -> memref<1x56x56xf32, #tpu.memory_space<hbm>>
        %dma_start3A_207 = tpu.memref_squeeze %dma_start3A_206 : memref<1x56x56xf32, #tpu.memory_space<hbm>> -> memref<56x56xf32, #tpu.memory_space<hbm>>
        %dma_start3A_208 = arith.constant 0 : i32
        %dma_start3A_209 = arith.constant 0 : i32
        %dma_start3A_210 = tpu.memref_slice %arg7[%dma_start3A, %dma_start3A_199, %dma_start3A_208, %dma_start3A_209] : memref<2x6x56x56xf32, #tpu.memory_space<vmem>> -> memref<1x1x56x56xf32, #tpu.memory_space<vmem>>
        %dma_start3A_211 = tpu.memref_squeeze %dma_start3A_210 : memref<1x1x56x56xf32, #tpu.memory_space<vmem>> -> memref<56x56xf32, #tpu.memory_space<vmem>>
        %dma_start3A_212 = arith.constant 0 : i32
        %dma_start3A_213 = arith.constant 0 : i32
        %dma_start3A_214 = tpu.memref_slice %arg2[%add3A_198, %dma_start3A_212, %dma_start3A_213] : memref<3072x56x56xf32, #tpu.memory_space<hbm>> -> memref<1x56x56xf32, #tpu.memory_space<hbm>>
        %dma_start3A_215 = tpu.memref_squeeze %dma_start3A_214 : memref<1x56x56xf32, #tpu.memory_space<hbm>> -> memref<56x56xf32, #tpu.memory_space<hbm>>
        tpu.enqueue_dma source(%dma_start3A_215 : memref<56x56xf32, #tpu.memory_space<hbm>>) target(%dma_start3A_211 : memref<56x56xf32, #tpu.memory_space<vmem>>) target_semaphore(%arg10 : memref<!tpu.dma_semaphore, #tpu.memory_space<semaphore_mem>>)
      } else {
      }
      %ge3A_193 = arith.constant 192 : i32
      %ge3A_194 = arith.cmpi sge, %squeeze3A_187, %ge3A_193 : i32
      %convert_element_type3A_195 = arith.extui %ge3A_194 : i1 to i32
      %cond3A_196 = arith.constant 0 : i32
      %cond3A_197 = arith.cmpi ne, %convert_element_type3A_195, %cond3A_196 : i32
      scf.if %cond3A_197 {
        %dma_start3A = arith.constant 5 : i32
        %dma_start3A_198 = arith.constant 1 : i32
        %dma_start3A_199 = arith.constant 5 : i32
        %dma_start3A_200 = arith.constant 0 : i32
        %dma_start3A_201 = arith.constant 0 : i32
        %dma_start3A_202 = tpu.memref_slice %arg7[%dma_start3A_198, %dma_start3A_199, %dma_start3A_200, %dma_start3A_201] : memref<2x6x56x56xf32, #tpu.memory_space<vmem>> -> memref<1x1x56x56xf32, #tpu.memory_space<vmem>>
        %dma_start3A_203 = tpu.memref_squeeze %dma_start3A_202 : memref<1x1x56x56xf32, #tpu.memory_space<vmem>> -> memref<56x56xf32, #tpu.memory_space<vmem>>
        %dma_start3A_204 = arith.constant 0 : i32
        %dma_start3A_205 = arith.constant 0 : i32
        %dma_start3A_206 = tpu.memref_slice %arg4[%add3A, %dma_start3A, %dma_start3A_204, %dma_start3A_205] : memref<32x6x56x56xf32, #tpu.memory_space<hbm>> -> memref<1x1x56x56xf32, #tpu.memory_space<hbm>>
        %dma_start3A_207 = tpu.memref_squeeze %dma_start3A_206 : memref<1x1x56x56xf32, #tpu.memory_space<hbm>> -> memref<56x56xf32, #tpu.memory_space<hbm>>
        %dma_start3A_208 = arith.constant 0 : i32
        %dma_start3A_209 = arith.constant 0 : i32
        %dma_start3A_210 = tpu.memref_slice %arg7[%dma_start3A_198, %dma_start3A_199, %dma_start3A_208, %dma_start3A_209] : memref<2x6x56x56xf32, #tpu.memory_space<vmem>> -> memref<1x1x56x56xf32, #tpu.memory_space<vmem>>
        %dma_start3A_211 = tpu.memref_squeeze %dma_start3A_210 : memref<1x1x56x56xf32, #tpu.memory_space<vmem>> -> memref<56x56xf32, #tpu.memory_space<vmem>>
        %dma_start3A_212 = arith.constant 0 : i32
        %dma_start3A_213 = arith.constant 0 : i32
        %dma_start3A_214 = tpu.memref_slice %arg4[%add3A, %dma_start3A, %dma_start3A_212, %dma_start3A_213] : memref<32x6x56x56xf32, #tpu.memory_space<hbm>> -> memref<1x1x56x56xf32, #tpu.memory_space<hbm>>
        %dma_start3A_215 = tpu.memref_squeeze %dma_start3A_214 : memref<1x1x56x56xf32, #tpu.memory_space<hbm>> -> memref<56x56xf32, #tpu.memory_space<hbm>>
        tpu.enqueue_dma source(%dma_start3A_215 : memref<56x56xf32, #tpu.memory_space<hbm>>) target(%dma_start3A_211 : memref<56x56xf32, #tpu.memory_space<vmem>>) target_semaphore(%arg10 : memref<!tpu.dma_semaphore, #tpu.memory_space<semaphore_mem>>)
      } else {
      }
    } else {
    }
    %add3A_65 = arith.constant 0 : i32
    %add3A_66 = arith.addi %mul3A_32, %add3A_65 : i32
    %convert_element_type3A_67 = arith.extui %eq3A_46 : i1 to i32
    %cond3A_68 = arith.constant 0 : i32
    %cond3A_69 = arith.cmpi ne, %convert_element_type3A_67, %cond3A_68 : i32
    scf.if %cond3A_69 {
      %add3A_127 = arith.addi %mul3A_36, %add3A_66 : i32
      %dma_start3A = arith.constant 0 : i32
      %dma_start3A_128 = arith.constant 0 : i32
      %dma_start3A_129 = tpu.memref_slice %arg5[%add3A_127, %dma_start3A, %dma_start3A_128] : memref<6144x56x56xf32, #tpu.memory_space<hbm>> -> memref<6x56x56xf32, #tpu.memory_space<hbm>>
      %dma_start3A_130 = arith.constant 0 : i32
      %dma_start3A_131 = arith.constant 0 : i32
      %dma_start3A_132 = tpu.memref_slice %arg5[%add3A_127, %dma_start3A_130, %dma_start3A_131] : memref<6144x56x56xf32, #tpu.memory_space<hbm>> -> memref<6x56x56xf32, #tpu.memory_space<hbm>>
      tpu.enqueue_dma source(%arg8 : memref<6x56x56xf32, #tpu.memory_space<vmem>>) target(%dma_start3A_132 : memref<6x56x56xf32, #tpu.memory_space<hbm>>) target_semaphore(%arg11 : memref<!tpu.dma_semaphore, #tpu.memory_space<semaphore_mem>>)
    } else {
    }
    %not3A_70 = arith.constant true
    %not3A_71 = arith.xori %eq3A_46, %not3A_70 : i1
    %convert_element_type3A_72 = arith.extui %not3A_71 : i1 to i32
    %cond3A_73 = arith.constant 0 : i32
    %cond3A_74 = arith.cmpi ne, %convert_element_type3A_72, %cond3A_73 : i32
    scf.if %cond3A_74 {
      %dma_wait3A_127 = arith.constant 0 : i32
      %dma_wait3A_128 = arith.constant 0 : i32
      %dma_wait3A_129 = arith.constant 0 : i32
      %dma_wait3A_130 = arith.constant 0 : i32
      %dma_wait3A_131 = tpu.memref_slice %arg7[%dma_wait3A_127, %dma_wait3A_128, %dma_wait3A_129, %dma_wait3A_130] : memref<2x6x56x56xf32, #tpu.memory_space<vmem>> -> memref<1x6x56x56xf32, #tpu.memory_space<vmem>>
      %dma_wait3A_132 = tpu.memref_squeeze %dma_wait3A_131 : memref<1x6x56x56xf32, #tpu.memory_space<vmem>> -> memref<6x56x56xf32, #tpu.memory_space<vmem>>
      %dma_wait3A_133 = arith.constant 0 : i32
      %dma_wait3A_134 = arith.constant 0 : i32
      %dma_wait3A_135 = arith.constant 0 : i32
      %dma_wait3A_136 = tpu.memref_slice %arg2[%dma_wait3A_133, %dma_wait3A_134, %dma_wait3A_135] : memref<3072x56x56xf32, #tpu.memory_space<hbm>> -> memref<6x56x56xf32, #tpu.memory_space<hbm>>
      %dma_wait3A_137 = arith.constant 0 : i32
      %dma_wait3A_138 = arith.constant 0 : i32
      %dma_wait3A_139 = arith.constant 0 : i32
      %dma_wait3A_140 = tpu.memref_slice %arg7[%dma_wait3A_127, %dma_wait3A_137, %dma_wait3A_138, %dma_wait3A_139] : memref<2x6x56x56xf32, #tpu.memory_space<vmem>> -> memref<1x6x56x56xf32, #tpu.memory_space<vmem>>
      %dma_wait3A_141 = tpu.memref_squeeze %dma_wait3A_140 : memref<1x6x56x56xf32, #tpu.memory_space<vmem>> -> memref<6x56x56xf32, #tpu.memory_space<vmem>>
      %dma_wait3A_142 = arith.constant 0 : i32
      %dma_wait3A_143 = arith.constant 0 : i32
      %dma_wait3A_144 = arith.constant 0 : i32
      %dma_wait3A_145 = tpu.memref_slice %arg2[%dma_wait3A_142, %dma_wait3A_143, %dma_wait3A_144] : memref<3072x56x56xf32, #tpu.memory_space<hbm>> -> memref<6x56x56xf32, #tpu.memory_space<hbm>>
      tpu.wait_dma2 semaphore(%arg9 : memref<!tpu.dma_semaphore, #tpu.memory_space<semaphore_mem>>) src(%dma_wait3A_145 : memref<6x56x56xf32, #tpu.memory_space<hbm>>) dst(%dma_wait3A_141 : memref<6x56x56xf32, #tpu.memory_space<vmem>>)
      %add3A_146 = arith.addi %mul3A_36, %add3A_66 : i32
      %dma_start3A = arith.constant 0 : i32
      %dma_start3A_147 = arith.constant 0 : i32
      %dma_start3A_148 = arith.constant 0 : i32
      %dma_start3A_149 = arith.constant 0 : i32
      %dma_start3A_150 = tpu.memref_slice %arg7[%dma_start3A, %dma_start3A_147, %dma_start3A_148, %dma_start3A_149] : memref<2x6x56x56xf32, #tpu.memory_space<vmem>> -> memref<1x6x56x56xf32, #tpu.memory_space<vmem>>
      %dma_start3A_151 = tpu.memref_squeeze %dma_start3A_150 : memref<1x6x56x56xf32, #tpu.memory_space<vmem>> -> memref<6x56x56xf32, #tpu.memory_space<vmem>>
      %dma_start3A_152 = arith.constant 0 : i32
      %dma_start3A_153 = arith.constant 0 : i32
      %dma_start3A_154 = tpu.memref_slice %arg5[%add3A_146, %dma_start3A_152, %dma_start3A_153] : memref<6144x56x56xf32, #tpu.memory_space<hbm>> -> memref<6x56x56xf32, #tpu.memory_space<hbm>>
      %dma_start3A_155 = arith.constant 0 : i32
      %dma_start3A_156 = arith.constant 0 : i32
      %dma_start3A_157 = tpu.memref_slice %arg5[%add3A_146, %dma_start3A_155, %dma_start3A_156] : memref<6144x56x56xf32, #tpu.memory_space<hbm>> -> memref<6x56x56xf32, #tpu.memory_space<hbm>>
      %dma_start3A_158 = arith.constant 0 : i32
      %dma_start3A_159 = arith.constant 0 : i32
      %dma_start3A_160 = arith.constant 0 : i32
      %dma_start3A_161 = tpu.memref_slice %arg7[%dma_start3A, %dma_start3A_158, %dma_start3A_159, %dma_start3A_160] : memref<2x6x56x56xf32, #tpu.memory_space<vmem>> -> memref<1x6x56x56xf32, #tpu.memory_space<vmem>>
      %dma_start3A_162 = tpu.memref_squeeze %dma_start3A_161 : memref<1x6x56x56xf32, #tpu.memory_space<vmem>> -> memref<6x56x56xf32, #tpu.memory_space<vmem>>
      tpu.enqueue_dma source(%dma_start3A_162 : memref<6x56x56xf32, #tpu.memory_space<vmem>>) target(%dma_start3A_157 : memref<6x56x56xf32, #tpu.memory_space<hbm>>) target_semaphore(%arg11 : memref<!tpu.dma_semaphore, #tpu.memory_space<semaphore_mem>>)
    } else {
    }
    %scan3A = arith.constant 1 : i32
    %scan3A_75 = arith.constant 15 : i32
    %scan3A_76 = arith.addi %scan3A, %scan3A_75 : i32
    %scan3A_77 = arith.constant 1 : i32
    %scan3A_78 = scf.for %scan3A_127 = %scan3A to %scan3A_76 step %scan3A_77 iter_args(%scan3A_128 = %eq3A_59) -> (i1)  : i32 {
      %mul3A_129 = arith.constant 2 : i32
      %mul3A_130 = arith.muli %mul3A_129, %scan3A_127 : i32
      %dma_wait3A_131 = arith.constant 0 : i32
      %dma_wait3A_132 = arith.constant 0 : i32
      %dma_wait3A_133 = arith.constant 0 : i32
      %dma_wait3A_134 = arith.constant 0 : i32
      %dma_wait3A_135 = tpu.memref_slice %arg7[%dma_wait3A_131, %dma_wait3A_132, %dma_wait3A_133, %dma_wait3A_134] : memref<2x6x56x56xf32, #tpu.memory_space<vmem>> -> memref<1x6x56x56xf32, #tpu.memory_space<vmem>>
      %dma_wait3A_136 = tpu.memref_squeeze %dma_wait3A_135 : memref<1x6x56x56xf32, #tpu.memory_space<vmem>> -> memref<6x56x56xf32, #tpu.memory_space<vmem>>
      %dma_wait3A_137 = arith.constant 0 : i32
      %dma_wait3A_138 = arith.constant 0 : i32
      %dma_wait3A_139 = arith.constant 0 : i32
      %dma_wait3A_140 = tpu.memref_slice %arg2[%dma_wait3A_137, %dma_wait3A_138, %dma_wait3A_139] : memref<3072x56x56xf32, #tpu.memory_space<hbm>> -> memref<6x56x56xf32, #tpu.memory_space<hbm>>
      %dma_wait3A_141 = arith.constant 0 : i32
      %dma_wait3A_142 = arith.constant 0 : i32
      %dma_wait3A_143 = arith.constant 0 : i32
      %dma_wait3A_144 = tpu.memref_slice %arg7[%dma_wait3A_131, %dma_wait3A_141, %dma_wait3A_142, %dma_wait3A_143] : memref<2x6x56x56xf32, #tpu.memory_space<vmem>> -> memref<1x6x56x56xf32, #tpu.memory_space<vmem>>
      %dma_wait3A_145 = tpu.memref_squeeze %dma_wait3A_144 : memref<1x6x56x56xf32, #tpu.memory_space<vmem>> -> memref<6x56x56xf32, #tpu.memory_space<vmem>>
      %dma_wait3A_146 = arith.constant 0 : i32
      %dma_wait3A_147 = arith.constant 0 : i32
      %dma_wait3A_148 = arith.constant 0 : i32
      %dma_wait3A_149 = tpu.memref_slice %arg2[%dma_wait3A_146, %dma_wait3A_147, %dma_wait3A_148] : memref<3072x56x56xf32, #tpu.memory_space<hbm>> -> memref<6x56x56xf32, #tpu.memory_space<hbm>>
      tpu.wait_dma2 semaphore(%arg11 : memref<!tpu.dma_semaphore, #tpu.memory_space<semaphore_mem>>) src(%dma_wait3A_149 : memref<6x56x56xf32, #tpu.memory_space<hbm>>) dst(%dma_wait3A_145 : memref<6x56x56xf32, #tpu.memory_space<vmem>>)
      %mul3A_150 = arith.constant 6 : i32
      %mul3A_151 = arith.muli %mul3A_130, %mul3A_150 : i32
      %get3A_152 = arith.index_cast %mul3A_151 : i32 to index
      %get3A_153 = tpu.vector_load %arg6[%get3A_152] {strides = array<i32>} : memref<208xi32, #tpu.memory_space<vmem>>, vector<16xi32>,
      %lt3A_154 = arith.constant 192 : i32
      %lt3A_155 = vector.broadcast %lt3A_154 : i32 to vector<16xi32>
      %lt3A_156 = arith.cmpi slt, %get3A_153, %lt3A_155 : vector<16xi32>
      %and3A_157 = arith.andi %lt3A_156, %lt3A_39 : vector<16xi1>
      %all_reduce_population_count3A_158 = tpu.all_reduce %and3A_157 {dim = 0 : i64, kind = #tpu.reduction_kind<sum>} : vector<16xi1> -> vector<16xi32>
      %slice3A_159 = vector.extract_strided_slice %all_reduce_population_count3A_158 {offsets = [0], sizes = [1], strides = [1]} : vector<16xi32> to vector<1xi32>
      %squeeze3A_160 = vector.extract %slice3A_159[0] : i32 from vector<1xi32>
      %eq3A_161 = arith.constant 0 : i32
      %eq3A_162 = arith.cmpi eq, %squeeze3A_160, %eq3A_161 : i32
      %not3A_163 = arith.constant true
      %not3A_164 = arith.xori %eq3A_162, %not3A_163 : i1
      %convert_element_type3A_165 = arith.extui %not3A_164 : i1 to i32
      %cond3A_166 = arith.constant 0 : i32
      %cond3A_167 = arith.cmpi ne, %convert_element_type3A_165, %cond3A_166 : i32
      scf.if %cond3A_167 {
        %slice3A_231 = vector.extract_strided_slice %get3A_153 {offsets = [0], sizes = [1], strides = [1]} : vector<16xi32> to vector<1xi32>
        %squeeze3A_232 = vector.extract %slice3A_231[0] : i32 from vector<1xi32>
        %lt3A_233 = arith.constant 192 : i32
        %lt3A_234 = arith.cmpi slt, %squeeze3A_232, %lt3A_233 : i32
        %convert_element_type3A_235 = arith.extui %lt3A_234 : i1 to i32
        %cond3A_236 = arith.constant 0 : i32
        %cond3A_237 = arith.cmpi ne, %convert_element_type3A_235, %cond3A_236 : i32
        scf.if %cond3A_237 {
          %add3A_302 = arith.addi %mul3A_34, %squeeze3A_232 : i32
          %dma_start3A = arith.constant 0 : i32
          %dma_start3A_303 = arith.constant 0 : i32
          %dma_start3A_304 = arith.constant 0 : i32
          %dma_start3A_305 = arith.constant 0 : i32
          %dma_start3A_306 = tpu.memref_slice %arg7[%dma_start3A, %dma_start3A_303, %dma_start3A_304, %dma_start3A_305] : memref<2x6x56x56xf32, #tpu.memory_space<vmem>> -> memref<1x1x56x56xf32, #tpu.memory_space<vmem>>
          %dma_start3A_307 = tpu.memref_squeeze %dma_start3A_306 : memref<1x1x56x56xf32, #tpu.memory_space<vmem>> -> memref<56x56xf32, #tpu.memory_space<vmem>>
          %dma_start3A_308 = arith.constant 0 : i32
          %dma_start3A_309 = arith.constant 0 : i32
          %dma_start3A_310 = tpu.memref_slice %arg2[%add3A_302, %dma_start3A_308, %dma_start3A_309] : memref<3072x56x56xf32, #tpu.memory_space<hbm>> -> memref<1x56x56xf32, #tpu.memory_space<hbm>>
          %dma_start3A_311 = tpu.memref_squeeze %dma_start3A_310 : memref<1x56x56xf32, #tpu.memory_space<hbm>> -> memref<56x56xf32, #tpu.memory_space<hbm>>
          %dma_start3A_312 = arith.constant 0 : i32
          %dma_start3A_313 = arith.constant 0 : i32
          %dma_start3A_314 = tpu.memref_slice %arg7[%dma_start3A, %dma_start3A_303, %dma_start3A_312, %dma_start3A_313] : memref<2x6x56x56xf32, #tpu.memory_space<vmem>> -> memref<1x1x56x56xf32, #tpu.memory_space<vmem>>
          %dma_start3A_315 = tpu.memref_squeeze %dma_start3A_314 : memref<1x1x56x56xf32, #tpu.memory_space<vmem>> -> memref<56x56xf32, #tpu.memory_space<vmem>>
          %dma_start3A_316 = arith.constant 0 : i32
          %dma_start3A_317 = arith.constant 0 : i32
          %dma_start3A_318 = tpu.memref_slice %arg2[%add3A_302, %dma_start3A_316, %dma_start3A_317] : memref<3072x56x56xf32, #tpu.memory_space<hbm>> -> memref<1x56x56xf32, #tpu.memory_space<hbm>>
          %dma_start3A_319 = tpu.memref_squeeze %dma_start3A_318 : memref<1x56x56xf32, #tpu.memory_space<hbm>> -> memref<56x56xf32, #tpu.memory_space<hbm>>
          tpu.enqueue_dma source(%dma_start3A_319 : memref<56x56xf32, #tpu.memory_space<hbm>>) target(%dma_start3A_315 : memref<56x56xf32, #tpu.memory_space<vmem>>) target_semaphore(%arg9 : memref<!tpu.dma_semaphore, #tpu.memory_space<semaphore_mem>>)
        } else {
        }
        %ge3A = arith.constant 192 : i32
        %ge3A_238 = arith.cmpi sge, %squeeze3A_232, %ge3A : i32
        %convert_element_type3A_239 = arith.extui %ge3A_238 : i1 to i32
        %cond3A_240 = arith.constant 0 : i32
        %cond3A_241 = arith.cmpi ne, %convert_element_type3A_239, %cond3A_240 : i32
        scf.if %cond3A_241 {
          %dma_start3A = arith.constant 0 : i32
          %dma_start3A_302 = arith.constant 0 : i32
          %dma_start3A_303 = arith.constant 0 : i32
          %dma_start3A_304 = arith.constant 0 : i32
          %dma_start3A_305 = arith.constant 0 : i32
          %dma_start3A_306 = tpu.memref_slice %arg7[%dma_start3A_302, %dma_start3A_303, %dma_start3A_304, %dma_start3A_305] : memref<2x6x56x56xf32, #tpu.memory_space<vmem>> -> memref<1x1x56x56xf32, #tpu.memory_space<vmem>>
          %dma_start3A_307 = tpu.memref_squeeze %dma_start3A_306 : memref<1x1x56x56xf32, #tpu.memory_space<vmem>> -> memref<56x56xf32, #tpu.memory_space<vmem>>
          %dma_start3A_308 = arith.constant 0 : i32
          %dma_start3A_309 = arith.constant 0 : i32
          %dma_start3A_310 = tpu.memref_slice %arg4[%add3A, %dma_start3A, %dma_start3A_308, %dma_start3A_309] : memref<32x6x56x56xf32, #tpu.memory_space<hbm>> -> memref<1x1x56x56xf32, #tpu.memory_space<hbm>>
          %dma_start3A_311 = tpu.memref_squeeze %dma_start3A_310 : memref<1x1x56x56xf32, #tpu.memory_space<hbm>> -> memref<56x56xf32, #tpu.memory_space<hbm>>
          %dma_start3A_312 = arith.constant 0 : i32
          %dma_start3A_313 = arith.constant 0 : i32
          %dma_start3A_314 = tpu.memref_slice %arg7[%dma_start3A_302, %dma_start3A_303, %dma_start3A_312, %dma_start3A_313] : memref<2x6x56x56xf32, #tpu.memory_space<vmem>> -> memref<1x1x56x56xf32, #tpu.memory_space<vmem>>
          %dma_start3A_315 = tpu.memref_squeeze %dma_start3A_314 : memref<1x1x56x56xf32, #tpu.memory_space<vmem>> -> memref<56x56xf32, #tpu.memory_space<vmem>>
          %dma_start3A_316 = arith.constant 0 : i32
          %dma_start3A_317 = arith.constant 0 : i32
          %dma_start3A_318 = tpu.memref_slice %arg4[%add3A, %dma_start3A, %dma_start3A_316, %dma_start3A_317] : memref<32x6x56x56xf32, #tpu.memory_space<hbm>> -> memref<1x1x56x56xf32, #tpu.memory_space<hbm>>
          %dma_start3A_319 = tpu.memref_squeeze %dma_start3A_318 : memref<1x1x56x56xf32, #tpu.memory_space<hbm>> -> memref<56x56xf32, #tpu.memory_space<hbm>>
          tpu.enqueue_dma source(%dma_start3A_319 : memref<56x56xf32, #tpu.memory_space<hbm>>) target(%dma_start3A_315 : memref<56x56xf32, #tpu.memory_space<vmem>>) target_semaphore(%arg9 : memref<!tpu.dma_semaphore, #tpu.memory_space<semaphore_mem>>)
        } else {
        }
        %slice3A_242 = vector.extract_strided_slice %get3A_153 {offsets = [1], sizes = [1], strides = [1]} : vector<16xi32> to vector<1xi32>
        %squeeze3A_243 = vector.extract %slice3A_242[0] : i32 from vector<1xi32>
        %lt3A_244 = arith.constant 192 : i32
        %lt3A_245 = arith.cmpi slt, %squeeze3A_243, %lt3A_244 : i32
        %convert_element_type3A_246 = arith.extui %lt3A_245 : i1 to i32
        %cond3A_247 = arith.constant 0 : i32
        %cond3A_248 = arith.cmpi ne, %convert_element_type3A_246, %cond3A_247 : i32
        scf.if %cond3A_248 {
          %add3A_302 = arith.addi %mul3A_34, %squeeze3A_243 : i32
          %dma_start3A = arith.constant 0 : i32
          %dma_start3A_303 = arith.constant 1 : i32
          %dma_start3A_304 = arith.constant 0 : i32
          %dma_start3A_305 = arith.constant 0 : i32
          %dma_start3A_306 = tpu.memref_slice %arg7[%dma_start3A, %dma_start3A_303, %dma_start3A_304, %dma_start3A_305] : memref<2x6x56x56xf32, #tpu.memory_space<vmem>> -> memref<1x1x56x56xf32, #tpu.memory_space<vmem>>
          %dma_start3A_307 = tpu.memref_squeeze %dma_start3A_306 : memref<1x1x56x56xf32, #tpu.memory_space<vmem>> -> memref<56x56xf32, #tpu.memory_space<vmem>>
          %dma_start3A_308 = arith.constant 0 : i32
          %dma_start3A_309 = arith.constant 0 : i32
          %dma_start3A_310 = tpu.memref_slice %arg2[%add3A_302, %dma_start3A_308, %dma_start3A_309] : memref<3072x56x56xf32, #tpu.memory_space<hbm>> -> memref<1x56x56xf32, #tpu.memory_space<hbm>>
          %dma_start3A_311 = tpu.memref_squeeze %dma_start3A_310 : memref<1x56x56xf32, #tpu.memory_space<hbm>> -> memref<56x56xf32, #tpu.memory_space<hbm>>
          %dma_start3A_312 = arith.constant 0 : i32
          %dma_start3A_313 = arith.constant 0 : i32
          %dma_start3A_314 = tpu.memref_slice %arg7[%dma_start3A, %dma_start3A_303, %dma_start3A_312, %dma_start3A_313] : memref<2x6x56x56xf32, #tpu.memory_space<vmem>> -> memref<1x1x56x56xf32, #tpu.memory_space<vmem>>
          %dma_start3A_315 = tpu.memref_squeeze %dma_start3A_314 : memref<1x1x56x56xf32, #tpu.memory_space<vmem>> -> memref<56x56xf32, #tpu.memory_space<vmem>>
          %dma_start3A_316 = arith.constant 0 : i32
          %dma_start3A_317 = arith.constant 0 : i32
          %dma_start3A_318 = tpu.memref_slice %arg2[%add3A_302, %dma_start3A_316, %dma_start3A_317] : memref<3072x56x56xf32, #tpu.memory_space<hbm>> -> memref<1x56x56xf32, #tpu.memory_space<hbm>>
          %dma_start3A_319 = tpu.memref_squeeze %dma_start3A_318 : memref<1x56x56xf32, #tpu.memory_space<hbm>> -> memref<56x56xf32, #tpu.memory_space<hbm>>
          tpu.enqueue_dma source(%dma_start3A_319 : memref<56x56xf32, #tpu.memory_space<hbm>>) target(%dma_start3A_315 : memref<56x56xf32, #tpu.memory_space<vmem>>) target_semaphore(%arg9 : memref<!tpu.dma_semaphore, #tpu.memory_space<semaphore_mem>>)
        } else {
        }
        %ge3A_249 = arith.constant 192 : i32
        %ge3A_250 = arith.cmpi sge, %squeeze3A_243, %ge3A_249 : i32
        %convert_element_type3A_251 = arith.extui %ge3A_250 : i1 to i32
        %cond3A_252 = arith.constant 0 : i32
        %cond3A_253 = arith.cmpi ne, %convert_element_type3A_251, %cond3A_252 : i32
        scf.if %cond3A_253 {
          %dma_start3A = arith.constant 1 : i32
          %dma_start3A_302 = arith.constant 0 : i32
          %dma_start3A_303 = arith.constant 1 : i32
          %dma_start3A_304 = arith.constant 0 : i32
          %dma_start3A_305 = arith.constant 0 : i32
          %dma_start3A_306 = tpu.memref_slice %arg7[%dma_start3A_302, %dma_start3A_303, %dma_start3A_304, %dma_start3A_305] : memref<2x6x56x56xf32, #tpu.memory_space<vmem>> -> memref<1x1x56x56xf32, #tpu.memory_space<vmem>>
          %dma_start3A_307 = tpu.memref_squeeze %dma_start3A_306 : memref<1x1x56x56xf32, #tpu.memory_space<vmem>> -> memref<56x56xf32, #tpu.memory_space<vmem>>
          %dma_start3A_308 = arith.constant 0 : i32
          %dma_start3A_309 = arith.constant 0 : i32
          %dma_start3A_310 = tpu.memref_slice %arg4[%add3A, %dma_start3A, %dma_start3A_308, %dma_start3A_309] : memref<32x6x56x56xf32, #tpu.memory_space<hbm>> -> memref<1x1x56x56xf32, #tpu.memory_space<hbm>>
          %dma_start3A_311 = tpu.memref_squeeze %dma_start3A_310 : memref<1x1x56x56xf32, #tpu.memory_space<hbm>> -> memref<56x56xf32, #tpu.memory_space<hbm>>
          %dma_start3A_312 = arith.constant 0 : i32
          %dma_start3A_313 = arith.constant 0 : i32
          %dma_start3A_314 = tpu.memref_slice %arg7[%dma_start3A_302, %dma_start3A_303, %dma_start3A_312, %dma_start3A_313] : memref<2x6x56x56xf32, #tpu.memory_space<vmem>> -> memref<1x1x56x56xf32, #tpu.memory_space<vmem>>
          %dma_start3A_315 = tpu.memref_squeeze %dma_start3A_314 : memref<1x1x56x56xf32, #tpu.memory_space<vmem>> -> memref<56x56xf32, #tpu.memory_space<vmem>>
          %dma_start3A_316 = arith.constant 0 : i32
          %dma_start3A_317 = arith.constant 0 : i32
          %dma_start3A_318 = tpu.memref_slice %arg4[%add3A, %dma_start3A, %dma_start3A_316, %dma_start3A_317] : memref<32x6x56x56xf32, #tpu.memory_space<hbm>> -> memref<1x1x56x56xf32, #tpu.memory_space<hbm>>
          %dma_start3A_319 = tpu.memref_squeeze %dma_start3A_318 : memref<1x1x56x56xf32, #tpu.memory_space<hbm>> -> memref<56x56xf32, #tpu.memory_space<hbm>>
          tpu.enqueue_dma source(%dma_start3A_319 : memref<56x56xf32, #tpu.memory_space<hbm>>) target(%dma_start3A_315 : memref<56x56xf32, #tpu.memory_space<vmem>>) target_semaphore(%arg9 : memref<!tpu.dma_semaphore, #tpu.memory_space<semaphore_mem>>)
        } else {
        }
        %slice3A_254 = vector.extract_strided_slice %get3A_153 {offsets = [2], sizes = [1], strides = [1]} : vector<16xi32> to vector<1xi32>
        %squeeze3A_255 = vector.extract %slice3A_254[0] : i32 from vector<1xi32>
        %lt3A_256 = arith.constant 192 : i32
        %lt3A_257 = arith.cmpi slt, %squeeze3A_255, %lt3A_256 : i32
        %convert_element_type3A_258 = arith.extui %lt3A_257 : i1 to i32
        %cond3A_259 = arith.constant 0 : i32
        %cond3A_260 = arith.cmpi ne, %convert_element_type3A_258, %cond3A_259 : i32
        scf.if %cond3A_260 {
          %add3A_302 = arith.addi %mul3A_34, %squeeze3A_255 : i32
          %dma_start3A = arith.constant 0 : i32
          %dma_start3A_303 = arith.constant 2 : i32
          %dma_start3A_304 = arith.constant 0 : i32
          %dma_start3A_305 = arith.constant 0 : i32
          %dma_start3A_306 = tpu.memref_slice %arg7[%dma_start3A, %dma_start3A_303, %dma_start3A_304, %dma_start3A_305] : memref<2x6x56x56xf32, #tpu.memory_space<vmem>> -> memref<1x1x56x56xf32, #tpu.memory_space<vmem>>
          %dma_start3A_307 = tpu.memref_squeeze %dma_start3A_306 : memref<1x1x56x56xf32, #tpu.memory_space<vmem>> -> memref<56x56xf32, #tpu.memory_space<vmem>>
          %dma_start3A_308 = arith.constant 0 : i32
          %dma_start3A_309 = arith.constant 0 : i32
          %dma_start3A_310 = tpu.memref_slice %arg2[%add3A_302, %dma_start3A_308, %dma_start3A_309] : memref<3072x56x56xf32, #tpu.memory_space<hbm>> -> memref<1x56x56xf32, #tpu.memory_space<hbm>>
          %dma_start3A_311 = tpu.memref_squeeze %dma_start3A_310 : memref<1x56x56xf32, #tpu.memory_space<hbm>> -> memref<56x56xf32, #tpu.memory_space<hbm>>
          %dma_start3A_312 = arith.constant 0 : i32
          %dma_start3A_313 = arith.constant 0 : i32
          %dma_start3A_314 = tpu.memref_slice %arg7[%dma_start3A, %dma_start3A_303, %dma_start3A_312, %dma_start3A_313] : memref<2x6x56x56xf32, #tpu.memory_space<vmem>> -> memref<1x1x56x56xf32, #tpu.memory_space<vmem>>
          %dma_start3A_315 = tpu.memref_squeeze %dma_start3A_314 : memref<1x1x56x56xf32, #tpu.memory_space<vmem>> -> memref<56x56xf32, #tpu.memory_space<vmem>>
          %dma_start3A_316 = arith.constant 0 : i32
          %dma_start3A_317 = arith.constant 0 : i32
          %dma_start3A_318 = tpu.memref_slice %arg2[%add3A_302, %dma_start3A_316, %dma_start3A_317] : memref<3072x56x56xf32, #tpu.memory_space<hbm>> -> memref<1x56x56xf32, #tpu.memory_space<hbm>>
          %dma_start3A_319 = tpu.memref_squeeze %dma_start3A_318 : memref<1x56x56xf32, #tpu.memory_space<hbm>> -> memref<56x56xf32, #tpu.memory_space<hbm>>
          tpu.enqueue_dma source(%dma_start3A_319 : memref<56x56xf32, #tpu.memory_space<hbm>>) target(%dma_start3A_315 : memref<56x56xf32, #tpu.memory_space<vmem>>) target_semaphore(%arg9 : memref<!tpu.dma_semaphore, #tpu.memory_space<semaphore_mem>>)
        } else {
        }
        %ge3A_261 = arith.constant 192 : i32
        %ge3A_262 = arith.cmpi sge, %squeeze3A_255, %ge3A_261 : i32
        %convert_element_type3A_263 = arith.extui %ge3A_262 : i1 to i32
        %cond3A_264 = arith.constant 0 : i32
        %cond3A_265 = arith.cmpi ne, %convert_element_type3A_263, %cond3A_264 : i32
        scf.if %cond3A_265 {
          %dma_start3A = arith.constant 2 : i32
          %dma_start3A_302 = arith.constant 0 : i32
          %dma_start3A_303 = arith.constant 2 : i32
          %dma_start3A_304 = arith.constant 0 : i32
          %dma_start3A_305 = arith.constant 0 : i32
          %dma_start3A_306 = tpu.memref_slice %arg7[%dma_start3A_302, %dma_start3A_303, %dma_start3A_304, %dma_start3A_305] : memref<2x6x56x56xf32, #tpu.memory_space<vmem>> -> memref<1x1x56x56xf32, #tpu.memory_space<vmem>>
          %dma_start3A_307 = tpu.memref_squeeze %dma_start3A_306 : memref<1x1x56x56xf32, #tpu.memory_space<vmem>> -> memref<56x56xf32, #tpu.memory_space<vmem>>
          %dma_start3A_308 = arith.constant 0 : i32
          %dma_start3A_309 = arith.constant 0 : i32
          %dma_start3A_310 = tpu.memref_slice %arg4[%add3A, %dma_start3A, %dma_start3A_308, %dma_start3A_309] : memref<32x6x56x56xf32, #tpu.memory_space<hbm>> -> memref<1x1x56x56xf32, #tpu.memory_space<hbm>>
          %dma_start3A_311 = tpu.memref_squeeze %dma_start3A_310 : memref<1x1x56x56xf32, #tpu.memory_space<hbm>> -> memref<56x56xf32, #tpu.memory_space<hbm>>
          %dma_start3A_312 = arith.constant 0 : i32
          %dma_start3A_313 = arith.constant 0 : i32
          %dma_start3A_314 = tpu.memref_slice %arg7[%dma_start3A_302, %dma_start3A_303, %dma_start3A_312, %dma_start3A_313] : memref<2x6x56x56xf32, #tpu.memory_space<vmem>> -> memref<1x1x56x56xf32, #tpu.memory_space<vmem>>
          %dma_start3A_315 = tpu.memref_squeeze %dma_start3A_314 : memref<1x1x56x56xf32, #tpu.memory_space<vmem>> -> memref<56x56xf32, #tpu.memory_space<vmem>>
          %dma_start3A_316 = arith.constant 0 : i32
          %dma_start3A_317 = arith.constant 0 : i32
          %dma_start3A_318 = tpu.memref_slice %arg4[%add3A, %dma_start3A, %dma_start3A_316, %dma_start3A_317] : memref<32x6x56x56xf32, #tpu.memory_space<hbm>> -> memref<1x1x56x56xf32, #tpu.memory_space<hbm>>
          %dma_start3A_319 = tpu.memref_squeeze %dma_start3A_318 : memref<1x1x56x56xf32, #tpu.memory_space<hbm>> -> memref<56x56xf32, #tpu.memory_space<hbm>>
          tpu.enqueue_dma source(%dma_start3A_319 : memref<56x56xf32, #tpu.memory_space<hbm>>) target(%dma_start3A_315 : memref<56x56xf32, #tpu.memory_space<vmem>>) target_semaphore(%arg9 : memref<!tpu.dma_semaphore, #tpu.memory_space<semaphore_mem>>)
        } else {
        }
        %slice3A_266 = vector.extract_strided_slice %get3A_153 {offsets = [3], sizes = [1], strides = [1]} : vector<16xi32> to vector<1xi32>
        %squeeze3A_267 = vector.extract %slice3A_266[0] : i32 from vector<1xi32>
        %lt3A_268 = arith.constant 192 : i32
        %lt3A_269 = arith.cmpi slt, %squeeze3A_267, %lt3A_268 : i32
        %convert_element_type3A_270 = arith.extui %lt3A_269 : i1 to i32
        %cond3A_271 = arith.constant 0 : i32
        %cond3A_272 = arith.cmpi ne, %convert_element_type3A_270, %cond3A_271 : i32
        scf.if %cond3A_272 {
          %add3A_302 = arith.addi %mul3A_34, %squeeze3A_267 : i32
          %dma_start3A = arith.constant 0 : i32
          %dma_start3A_303 = arith.constant 3 : i32
          %dma_start3A_304 = arith.constant 0 : i32
          %dma_start3A_305 = arith.constant 0 : i32
          %dma_start3A_306 = tpu.memref_slice %arg7[%dma_start3A, %dma_start3A_303, %dma_start3A_304, %dma_start3A_305] : memref<2x6x56x56xf32, #tpu.memory_space<vmem>> -> memref<1x1x56x56xf32, #tpu.memory_space<vmem>>
          %dma_start3A_307 = tpu.memref_squeeze %dma_start3A_306 : memref<1x1x56x56xf32, #tpu.memory_space<vmem>> -> memref<56x56xf32, #tpu.memory_space<vmem>>
          %dma_start3A_308 = arith.constant 0 : i32
          %dma_start3A_309 = arith.constant 0 : i32
          %dma_start3A_310 = tpu.memref_slice %arg2[%add3A_302, %dma_start3A_308, %dma_start3A_309] : memref<3072x56x56xf32, #tpu.memory_space<hbm>> -> memref<1x56x56xf32, #tpu.memory_space<hbm>>
          %dma_start3A_311 = tpu.memref_squeeze %dma_start3A_310 : memref<1x56x56xf32, #tpu.memory_space<hbm>> -> memref<56x56xf32, #tpu.memory_space<hbm>>
          %dma_start3A_312 = arith.constant 0 : i32
          %dma_start3A_313 = arith.constant 0 : i32
          %dma_start3A_314 = tpu.memref_slice %arg7[%dma_start3A, %dma_start3A_303, %dma_start3A_312, %dma_start3A_313] : memref<2x6x56x56xf32, #tpu.memory_space<vmem>> -> memref<1x1x56x56xf32, #tpu.memory_space<vmem>>
          %dma_start3A_315 = tpu.memref_squeeze %dma_start3A_314 : memref<1x1x56x56xf32, #tpu.memory_space<vmem>> -> memref<56x56xf32, #tpu.memory_space<vmem>>
          %dma_start3A_316 = arith.constant 0 : i32
          %dma_start3A_317 = arith.constant 0 : i32
          %dma_start3A_318 = tpu.memref_slice %arg2[%add3A_302, %dma_start3A_316, %dma_start3A_317] : memref<3072x56x56xf32, #tpu.memory_space<hbm>> -> memref<1x56x56xf32, #tpu.memory_space<hbm>>
          %dma_start3A_319 = tpu.memref_squeeze %dma_start3A_318 : memref<1x56x56xf32, #tpu.memory_space<hbm>> -> memref<56x56xf32, #tpu.memory_space<hbm>>
          tpu.enqueue_dma source(%dma_start3A_319 : memref<56x56xf32, #tpu.memory_space<hbm>>) target(%dma_start3A_315 : memref<56x56xf32, #tpu.memory_space<vmem>>) target_semaphore(%arg9 : memref<!tpu.dma_semaphore, #tpu.memory_space<semaphore_mem>>)
        } else {
        }
        %ge3A_273 = arith.constant 192 : i32
        %ge3A_274 = arith.cmpi sge, %squeeze3A_267, %ge3A_273 : i32
        %convert_element_type3A_275 = arith.extui %ge3A_274 : i1 to i32
        %cond3A_276 = arith.constant 0 : i32
        %cond3A_277 = arith.cmpi ne, %convert_element_type3A_275, %cond3A_276 : i32
        scf.if %cond3A_277 {
          %dma_start3A = arith.constant 3 : i32
          %dma_start3A_302 = arith.constant 0 : i32
          %dma_start3A_303 = arith.constant 3 : i32
          %dma_start3A_304 = arith.constant 0 : i32
          %dma_start3A_305 = arith.constant 0 : i32
          %dma_start3A_306 = tpu.memref_slice %arg7[%dma_start3A_302, %dma_start3A_303, %dma_start3A_304, %dma_start3A_305] : memref<2x6x56x56xf32, #tpu.memory_space<vmem>> -> memref<1x1x56x56xf32, #tpu.memory_space<vmem>>
          %dma_start3A_307 = tpu.memref_squeeze %dma_start3A_306 : memref<1x1x56x56xf32, #tpu.memory_space<vmem>> -> memref<56x56xf32, #tpu.memory_space<vmem>>
          %dma_start3A_308 = arith.constant 0 : i32
          %dma_start3A_309 = arith.constant 0 : i32
          %dma_start3A_310 = tpu.memref_slice %arg4[%add3A, %dma_start3A, %dma_start3A_308, %dma_start3A_309] : memref<32x6x56x56xf32, #tpu.memory_space<hbm>> -> memref<1x1x56x56xf32, #tpu.memory_space<hbm>>
          %dma_start3A_311 = tpu.memref_squeeze %dma_start3A_310 : memref<1x1x56x56xf32, #tpu.memory_space<hbm>> -> memref<56x56xf32, #tpu.memory_space<hbm>>
          %dma_start3A_312 = arith.constant 0 : i32
          %dma_start3A_313 = arith.constant 0 : i32
          %dma_start3A_314 = tpu.memref_slice %arg7[%dma_start3A_302, %dma_start3A_303, %dma_start3A_312, %dma_start3A_313] : memref<2x6x56x56xf32, #tpu.memory_space<vmem>> -> memref<1x1x56x56xf32, #tpu.memory_space<vmem>>
          %dma_start3A_315 = tpu.memref_squeeze %dma_start3A_314 : memref<1x1x56x56xf32, #tpu.memory_space<vmem>> -> memref<56x56xf32, #tpu.memory_space<vmem>>
          %dma_start3A_316 = arith.constant 0 : i32
          %dma_start3A_317 = arith.constant 0 : i32
          %dma_start3A_318 = tpu.memref_slice %arg4[%add3A, %dma_start3A, %dma_start3A_316, %dma_start3A_317] : memref<32x6x56x56xf32, #tpu.memory_space<hbm>> -> memref<1x1x56x56xf32, #tpu.memory_space<hbm>>
          %dma_start3A_319 = tpu.memref_squeeze %dma_start3A_318 : memref<1x1x56x56xf32, #tpu.memory_space<hbm>> -> memref<56x56xf32, #tpu.memory_space<hbm>>
          tpu.enqueue_dma source(%dma_start3A_319 : memref<56x56xf32, #tpu.memory_space<hbm>>) target(%dma_start3A_315 : memref<56x56xf32, #tpu.memory_space<vmem>>) target_semaphore(%arg9 : memref<!tpu.dma_semaphore, #tpu.memory_space<semaphore_mem>>)
        } else {
        }
        %slice3A_278 = vector.extract_strided_slice %get3A_153 {offsets = [4], sizes = [1], strides = [1]} : vector<16xi32> to vector<1xi32>
        %squeeze3A_279 = vector.extract %slice3A_278[0] : i32 from vector<1xi32>
        %lt3A_280 = arith.constant 192 : i32
        %lt3A_281 = arith.cmpi slt, %squeeze3A_279, %lt3A_280 : i32
        %convert_element_type3A_282 = arith.extui %lt3A_281 : i1 to i32
        %cond3A_283 = arith.constant 0 : i32
        %cond3A_284 = arith.cmpi ne, %convert_element_type3A_282, %cond3A_283 : i32
        scf.if %cond3A_284 {
          %add3A_302 = arith.addi %mul3A_34, %squeeze3A_279 : i32
          %dma_start3A = arith.constant 0 : i32
          %dma_start3A_303 = arith.constant 4 : i32
          %dma_start3A_304 = arith.constant 0 : i32
          %dma_start3A_305 = arith.constant 0 : i32
          %dma_start3A_306 = tpu.memref_slice %arg7[%dma_start3A, %dma_start3A_303, %dma_start3A_304, %dma_start3A_305] : memref<2x6x56x56xf32, #tpu.memory_space<vmem>> -> memref<1x1x56x56xf32, #tpu.memory_space<vmem>>
          %dma_start3A_307 = tpu.memref_squeeze %dma_start3A_306 : memref<1x1x56x56xf32, #tpu.memory_space<vmem>> -> memref<56x56xf32, #tpu.memory_space<vmem>>
          %dma_start3A_308 = arith.constant 0 : i32
          %dma_start3A_309 = arith.constant 0 : i32
          %dma_start3A_310 = tpu.memref_slice %arg2[%add3A_302, %dma_start3A_308, %dma_start3A_309] : memref<3072x56x56xf32, #tpu.memory_space<hbm>> -> memref<1x56x56xf32, #tpu.memory_space<hbm>>
          %dma_start3A_311 = tpu.memref_squeeze %dma_start3A_310 : memref<1x56x56xf32, #tpu.memory_space<hbm>> -> memref<56x56xf32, #tpu.memory_space<hbm>>
          %dma_start3A_312 = arith.constant 0 : i32
          %dma_start3A_313 = arith.constant 0 : i32
          %dma_start3A_314 = tpu.memref_slice %arg7[%dma_start3A, %dma_start3A_303, %dma_start3A_312, %dma_start3A_313] : memref<2x6x56x56xf32, #tpu.memory_space<vmem>> -> memref<1x1x56x56xf32, #tpu.memory_space<vmem>>
          %dma_start3A_315 = tpu.memref_squeeze %dma_start3A_314 : memref<1x1x56x56xf32, #tpu.memory_space<vmem>> -> memref<56x56xf32, #tpu.memory_space<vmem>>
          %dma_start3A_316 = arith.constant 0 : i32
          %dma_start3A_317 = arith.constant 0 : i32
          %dma_start3A_318 = tpu.memref_slice %arg2[%add3A_302, %dma_start3A_316, %dma_start3A_317] : memref<3072x56x56xf32, #tpu.memory_space<hbm>> -> memref<1x56x56xf32, #tpu.memory_space<hbm>>
          %dma_start3A_319 = tpu.memref_squeeze %dma_start3A_318 : memref<1x56x56xf32, #tpu.memory_space<hbm>> -> memref<56x56xf32, #tpu.memory_space<hbm>>
          tpu.enqueue_dma source(%dma_start3A_319 : memref<56x56xf32, #tpu.memory_space<hbm>>) target(%dma_start3A_315 : memref<56x56xf32, #tpu.memory_space<vmem>>) target_semaphore(%arg9 : memref<!tpu.dma_semaphore, #tpu.memory_space<semaphore_mem>>)
        } else {
        }
        %ge3A_285 = arith.constant 192 : i32
        %ge3A_286 = arith.cmpi sge, %squeeze3A_279, %ge3A_285 : i32
        %convert_element_type3A_287 = arith.extui %ge3A_286 : i1 to i32
        %cond3A_288 = arith.constant 0 : i32
        %cond3A_289 = arith.cmpi ne, %convert_element_type3A_287, %cond3A_288 : i32
        scf.if %cond3A_289 {
          %dma_start3A = arith.constant 4 : i32
          %dma_start3A_302 = arith.constant 0 : i32
          %dma_start3A_303 = arith.constant 4 : i32
          %dma_start3A_304 = arith.constant 0 : i32
          %dma_start3A_305 = arith.constant 0 : i32
          %dma_start3A_306 = tpu.memref_slice %arg7[%dma_start3A_302, %dma_start3A_303, %dma_start3A_304, %dma_start3A_305] : memref<2x6x56x56xf32, #tpu.memory_space<vmem>> -> memref<1x1x56x56xf32, #tpu.memory_space<vmem>>
          %dma_start3A_307 = tpu.memref_squeeze %dma_start3A_306 : memref<1x1x56x56xf32, #tpu.memory_space<vmem>> -> memref<56x56xf32, #tpu.memory_space<vmem>>
          %dma_start3A_308 = arith.constant 0 : i32
          %dma_start3A_309 = arith.constant 0 : i32
          %dma_start3A_310 = tpu.memref_slice %arg4[%add3A, %dma_start3A, %dma_start3A_308, %dma_start3A_309] : memref<32x6x56x56xf32, #tpu.memory_space<hbm>> -> memref<1x1x56x56xf32, #tpu.memory_space<hbm>>
          %dma_start3A_311 = tpu.memref_squeeze %dma_start3A_310 : memref<1x1x56x56xf32, #tpu.memory_space<hbm>> -> memref<56x56xf32, #tpu.memory_space<hbm>>
          %dma_start3A_312 = arith.constant 0 : i32
          %dma_start3A_313 = arith.constant 0 : i32
          %dma_start3A_314 = tpu.memref_slice %arg7[%dma_start3A_302, %dma_start3A_303, %dma_start3A_312, %dma_start3A_313] : memref<2x6x56x56xf32, #tpu.memory_space<vmem>> -> memref<1x1x56x56xf32, #tpu.memory_space<vmem>>
          %dma_start3A_315 = tpu.memref_squeeze %dma_start3A_314 : memref<1x1x56x56xf32, #tpu.memory_space<vmem>> -> memref<56x56xf32, #tpu.memory_space<vmem>>
          %dma_start3A_316 = arith.constant 0 : i32
          %dma_start3A_317 = arith.constant 0 : i32
          %dma_start3A_318 = tpu.memref_slice %arg4[%add3A, %dma_start3A, %dma_start3A_316, %dma_start3A_317] : memref<32x6x56x56xf32, #tpu.memory_space<hbm>> -> memref<1x1x56x56xf32, #tpu.memory_space<hbm>>
          %dma_start3A_319 = tpu.memref_squeeze %dma_start3A_318 : memref<1x1x56x56xf32, #tpu.memory_space<hbm>> -> memref<56x56xf32, #tpu.memory_space<hbm>>
          tpu.enqueue_dma source(%dma_start3A_319 : memref<56x56xf32, #tpu.memory_space<hbm>>) target(%dma_start3A_315 : memref<56x56xf32, #tpu.memory_space<vmem>>) target_semaphore(%arg9 : memref<!tpu.dma_semaphore, #tpu.memory_space<semaphore_mem>>)
        } else {
        }
        %slice3A_290 = vector.extract_strided_slice %get3A_153 {offsets = [5], sizes = [1], strides = [1]} : vector<16xi32> to vector<1xi32>
        %squeeze3A_291 = vector.extract %slice3A_290[0] : i32 from vector<1xi32>
        %lt3A_292 = arith.constant 192 : i32
        %lt3A_293 = arith.cmpi slt, %squeeze3A_291, %lt3A_292 : i32
        %convert_element_type3A_294 = arith.extui %lt3A_293 : i1 to i32
        %cond3A_295 = arith.constant 0 : i32
        %cond3A_296 = arith.cmpi ne, %convert_element_type3A_294, %cond3A_295 : i32
        scf.if %cond3A_296 {
          %add3A_302 = arith.addi %mul3A_34, %squeeze3A_291 : i32
          %dma_start3A = arith.constant 0 : i32
          %dma_start3A_303 = arith.constant 5 : i32
          %dma_start3A_304 = arith.constant 0 : i32
          %dma_start3A_305 = arith.constant 0 : i32
          %dma_start3A_306 = tpu.memref_slice %arg7[%dma_start3A, %dma_start3A_303, %dma_start3A_304, %dma_start3A_305] : memref<2x6x56x56xf32, #tpu.memory_space<vmem>> -> memref<1x1x56x56xf32, #tpu.memory_space<vmem>>
          %dma_start3A_307 = tpu.memref_squeeze %dma_start3A_306 : memref<1x1x56x56xf32, #tpu.memory_space<vmem>> -> memref<56x56xf32, #tpu.memory_space<vmem>>
          %dma_start3A_308 = arith.constant 0 : i32
          %dma_start3A_309 = arith.constant 0 : i32
          %dma_start3A_310 = tpu.memref_slice %arg2[%add3A_302, %dma_start3A_308, %dma_start3A_309] : memref<3072x56x56xf32, #tpu.memory_space<hbm>> -> memref<1x56x56xf32, #tpu.memory_space<hbm>>
          %dma_start3A_311 = tpu.memref_squeeze %dma_start3A_310 : memref<1x56x56xf32, #tpu.memory_space<hbm>> -> memref<56x56xf32, #tpu.memory_space<hbm>>
          %dma_start3A_312 = arith.constant 0 : i32
          %dma_start3A_313 = arith.constant 0 : i32
          %dma_start3A_314 = tpu.memref_slice %arg7[%dma_start3A, %dma_start3A_303, %dma_start3A_312, %dma_start3A_313] : memref<2x6x56x56xf32, #tpu.memory_space<vmem>> -> memref<1x1x56x56xf32, #tpu.memory_space<vmem>>
          %dma_start3A_315 = tpu.memref_squeeze %dma_start3A_314 : memref<1x1x56x56xf32, #tpu.memory_space<vmem>> -> memref<56x56xf32, #tpu.memory_space<vmem>>
          %dma_start3A_316 = arith.constant 0 : i32
          %dma_start3A_317 = arith.constant 0 : i32
          %dma_start3A_318 = tpu.memref_slice %arg2[%add3A_302, %dma_start3A_316, %dma_start3A_317] : memref<3072x56x56xf32, #tpu.memory_space<hbm>> -> memref<1x56x56xf32, #tpu.memory_space<hbm>>
          %dma_start3A_319 = tpu.memref_squeeze %dma_start3A_318 : memref<1x56x56xf32, #tpu.memory_space<hbm>> -> memref<56x56xf32, #tpu.memory_space<hbm>>
          tpu.enqueue_dma source(%dma_start3A_319 : memref<56x56xf32, #tpu.memory_space<hbm>>) target(%dma_start3A_315 : memref<56x56xf32, #tpu.memory_space<vmem>>) target_semaphore(%arg9 : memref<!tpu.dma_semaphore, #tpu.memory_space<semaphore_mem>>)
        } else {
        }
        %ge3A_297 = arith.constant 192 : i32
        %ge3A_298 = arith.cmpi sge, %squeeze3A_291, %ge3A_297 : i32
        %convert_element_type3A_299 = arith.extui %ge3A_298 : i1 to i32
        %cond3A_300 = arith.constant 0 : i32
        %cond3A_301 = arith.cmpi ne, %convert_element_type3A_299, %cond3A_300 : i32
        scf.if %cond3A_301 {
          %dma_start3A = arith.constant 5 : i32
          %dma_start3A_302 = arith.constant 0 : i32
          %dma_start3A_303 = arith.constant 5 : i32
          %dma_start3A_304 = arith.constant 0 : i32
          %dma_start3A_305 = arith.constant 0 : i32
          %dma_start3A_306 = tpu.memref_slice %arg7[%dma_start3A_302, %dma_start3A_303, %dma_start3A_304, %dma_start3A_305] : memref<2x6x56x56xf32, #tpu.memory_space<vmem>> -> memref<1x1x56x56xf32, #tpu.memory_space<vmem>>
          %dma_start3A_307 = tpu.memref_squeeze %dma_start3A_306 : memref<1x1x56x56xf32, #tpu.memory_space<vmem>> -> memref<56x56xf32, #tpu.memory_space<vmem>>
          %dma_start3A_308 = arith.constant 0 : i32
          %dma_start3A_309 = arith.constant 0 : i32
          %dma_start3A_310 = tpu.memref_slice %arg4[%add3A, %dma_start3A, %dma_start3A_308, %dma_start3A_309] : memref<32x6x56x56xf32, #tpu.memory_space<hbm>> -> memref<1x1x56x56xf32, #tpu.memory_space<hbm>>
          %dma_start3A_311 = tpu.memref_squeeze %dma_start3A_310 : memref<1x1x56x56xf32, #tpu.memory_space<hbm>> -> memref<56x56xf32, #tpu.memory_space<hbm>>
          %dma_start3A_312 = arith.constant 0 : i32
          %dma_start3A_313 = arith.constant 0 : i32
          %dma_start3A_314 = tpu.memref_slice %arg7[%dma_start3A_302, %dma_start3A_303, %dma_start3A_312, %dma_start3A_313] : memref<2x6x56x56xf32, #tpu.memory_space<vmem>> -> memref<1x1x56x56xf32, #tpu.memory_space<vmem>>
          %dma_start3A_315 = tpu.memref_squeeze %dma_start3A_314 : memref<1x1x56x56xf32, #tpu.memory_space<vmem>> -> memref<56x56xf32, #tpu.memory_space<vmem>>
          %dma_start3A_316 = arith.constant 0 : i32
          %dma_start3A_317 = arith.constant 0 : i32
          %dma_start3A_318 = tpu.memref_slice %arg4[%add3A, %dma_start3A, %dma_start3A_316, %dma_start3A_317] : memref<32x6x56x56xf32, #tpu.memory_space<hbm>> -> memref<1x1x56x56xf32, #tpu.memory_space<hbm>>
          %dma_start3A_319 = tpu.memref_squeeze %dma_start3A_318 : memref<1x1x56x56xf32, #tpu.memory_space<hbm>> -> memref<56x56xf32, #tpu.memory_space<hbm>>
          tpu.enqueue_dma source(%dma_start3A_319 : memref<56x56xf32, #tpu.memory_space<hbm>>) target(%dma_start3A_315 : memref<56x56xf32, #tpu.memory_space<vmem>>) target_semaphore(%arg9 : memref<!tpu.dma_semaphore, #tpu.memory_space<semaphore_mem>>)
        } else {
        }
      } else {
      }
      %sub3A_168 = arith.constant 1 : i32
      %sub3A_169 = arith.subi %mul3A_130, %sub3A_168 : i32
      %mul3A_170 = arith.constant 6 : i32
      %mul3A_171 = arith.muli %sub3A_169, %mul3A_170 : i32
      %add3A_172 = arith.addi %mul3A_32, %mul3A_171 : i32
      %convert_element_type3A_173 = arith.extui %scan3A_128 : i1 to i32
      %cond3A_174 = arith.constant 0 : i32
      %cond3A_175 = arith.cmpi ne, %convert_element_type3A_173, %cond3A_174 : i32
      scf.if %cond3A_175 {
        %add3A_231 = arith.addi %mul3A_36, %add3A_172 : i32
        %dma_start3A = arith.constant 0 : i32
        %dma_start3A_232 = arith.constant 0 : i32
        %dma_start3A_233 = tpu.memref_slice %arg5[%add3A_231, %dma_start3A, %dma_start3A_232] : memref<6144x56x56xf32, #tpu.memory_space<hbm>> -> memref<6x56x56xf32, #tpu.memory_space<hbm>>
        %dma_start3A_234 = arith.constant 0 : i32
        %dma_start3A_235 = arith.constant 0 : i32
        %dma_start3A_236 = tpu.memref_slice %arg5[%add3A_231, %dma_start3A_234, %dma_start3A_235] : memref<6144x56x56xf32, #tpu.memory_space<hbm>> -> memref<6x56x56xf32, #tpu.memory_space<hbm>>
        tpu.enqueue_dma source(%arg8 : memref<6x56x56xf32, #tpu.memory_space<vmem>>) target(%dma_start3A_236 : memref<6x56x56xf32, #tpu.memory_space<hbm>>) target_semaphore(%arg12 : memref<!tpu.dma_semaphore, #tpu.memory_space<semaphore_mem>>)
      } else {
      }
      %not3A_176 = arith.constant true
      %not3A_177 = arith.xori %scan3A_128, %not3A_176 : i1
      %convert_element_type3A_178 = arith.extui %not3A_177 : i1 to i32
      %cond3A_179 = arith.constant 0 : i32
      %cond3A_180 = arith.cmpi ne, %convert_element_type3A_178, %cond3A_179 : i32
      scf.if %cond3A_180 {
        %dma_wait3A_231 = arith.constant 0 : i32
        %dma_wait3A_232 = arith.constant 0 : i32
        %dma_wait3A_233 = arith.constant 0 : i32
        %dma_wait3A_234 = arith.constant 0 : i32
        %dma_wait3A_235 = tpu.memref_slice %arg7[%dma_wait3A_231, %dma_wait3A_232, %dma_wait3A_233, %dma_wait3A_234] : memref<2x6x56x56xf32, #tpu.memory_space<vmem>> -> memref<1x6x56x56xf32, #tpu.memory_space<vmem>>
        %dma_wait3A_236 = tpu.memref_squeeze %dma_wait3A_235 : memref<1x6x56x56xf32, #tpu.memory_space<vmem>> -> memref<6x56x56xf32, #tpu.memory_space<vmem>>
        %dma_wait3A_237 = arith.constant 0 : i32
        %dma_wait3A_238 = arith.constant 0 : i32
        %dma_wait3A_239 = arith.constant 0 : i32
        %dma_wait3A_240 = tpu.memref_slice %arg2[%dma_wait3A_237, %dma_wait3A_238, %dma_wait3A_239] : memref<3072x56x56xf32, #tpu.memory_space<hbm>> -> memref<6x56x56xf32, #tpu.memory_space<hbm>>
        %dma_wait3A_241 = arith.constant 0 : i32
        %dma_wait3A_242 = arith.constant 0 : i32
        %dma_wait3A_243 = arith.constant 0 : i32
        %dma_wait3A_244 = tpu.memref_slice %arg7[%dma_wait3A_231, %dma_wait3A_241, %dma_wait3A_242, %dma_wait3A_243] : memref<2x6x56x56xf32, #tpu.memory_space<vmem>> -> memref<1x6x56x56xf32, #tpu.memory_space<vmem>>
        %dma_wait3A_245 = tpu.memref_squeeze %dma_wait3A_244 : memref<1x6x56x56xf32, #tpu.memory_space<vmem>> -> memref<6x56x56xf32, #tpu.memory_space<vmem>>
        %dma_wait3A_246 = arith.constant 0 : i32
        %dma_wait3A_247 = arith.constant 0 : i32
        %dma_wait3A_248 = arith.constant 0 : i32
        %dma_wait3A_249 = tpu.memref_slice %arg2[%dma_wait3A_246, %dma_wait3A_247, %dma_wait3A_248] : memref<3072x56x56xf32, #tpu.memory_space<hbm>> -> memref<6x56x56xf32, #tpu.memory_space<hbm>>
        tpu.wait_dma2 semaphore(%arg10 : memref<!tpu.dma_semaphore, #tpu.memory_space<semaphore_mem>>) src(%dma_wait3A_249 : memref<6x56x56xf32, #tpu.memory_space<hbm>>) dst(%dma_wait3A_245 : memref<6x56x56xf32, #tpu.memory_space<vmem>>)
        %add3A_250 = arith.addi %mul3A_36, %add3A_172 : i32
        %dma_start3A = arith.constant 1 : i32
        %dma_start3A_251 = arith.constant 0 : i32
        %dma_start3A_252 = arith.constant 0 : i32
        %dma_start3A_253 = arith.constant 0 : i32
        %dma_start3A_254 = tpu.memref_slice %arg7[%dma_start3A, %dma_start3A_251, %dma_start3A_252, %dma_start3A_253] : memref<2x6x56x56xf32, #tpu.memory_space<vmem>> -> memref<1x6x56x56xf32, #tpu.memory_space<vmem>>
        %dma_start3A_255 = tpu.memref_squeeze %dma_start3A_254 : memref<1x6x56x56xf32, #tpu.memory_space<vmem>> -> memref<6x56x56xf32, #tpu.memory_space<vmem>>
        %dma_start3A_256 = arith.constant 0 : i32
        %dma_start3A_257 = arith.constant 0 : i32
        %dma_start3A_258 = tpu.memref_slice %arg5[%add3A_250, %dma_start3A_256, %dma_start3A_257] : memref<6144x56x56xf32, #tpu.memory_space<hbm>> -> memref<6x56x56xf32, #tpu.memory_space<hbm>>
        %dma_start3A_259 = arith.constant 0 : i32
        %dma_start3A_260 = arith.constant 0 : i32
        %dma_start3A_261 = tpu.memref_slice %arg5[%add3A_250, %dma_start3A_259, %dma_start3A_260] : memref<6144x56x56xf32, #tpu.memory_space<hbm>> -> memref<6x56x56xf32, #tpu.memory_space<hbm>>
        %dma_start3A_262 = arith.constant 0 : i32
        %dma_start3A_263 = arith.constant 0 : i32
        %dma_start3A_264 = arith.constant 0 : i32
        %dma_start3A_265 = tpu.memref_slice %arg7[%dma_start3A, %dma_start3A_262, %dma_start3A_263, %dma_start3A_264] : memref<2x6x56x56xf32, #tpu.memory_space<vmem>> -> memref<1x6x56x56xf32, #tpu.memory_space<vmem>>
        %dma_start3A_266 = tpu.memref_squeeze %dma_start3A_265 : memref<1x6x56x56xf32, #tpu.memory_space<vmem>> -> memref<6x56x56xf32, #tpu.memory_space<vmem>>
        tpu.enqueue_dma source(%dma_start3A_266 : memref<6x56x56xf32, #tpu.memory_space<vmem>>) target(%dma_start3A_261 : memref<6x56x56xf32, #tpu.memory_space<hbm>>) target_semaphore(%arg12 : memref<!tpu.dma_semaphore, #tpu.memory_space<semaphore_mem>>)
      } else {
      }
      %dma_wait3A_181 = arith.constant 0 : i32
      %dma_wait3A_182 = arith.constant 0 : i32
      %dma_wait3A_183 = arith.constant 0 : i32
      %dma_wait3A_184 = arith.constant 0 : i32
      %dma_wait3A_185 = tpu.memref_slice %arg7[%dma_wait3A_181, %dma_wait3A_182, %dma_wait3A_183, %dma_wait3A_184] : memref<2x6x56x56xf32, #tpu.memory_space<vmem>> -> memref<1x6x56x56xf32, #tpu.memory_space<vmem>>
      %dma_wait3A_186 = tpu.memref_squeeze %dma_wait3A_185 : memref<1x6x56x56xf32, #tpu.memory_space<vmem>> -> memref<6x56x56xf32, #tpu.memory_space<vmem>>
      %dma_wait3A_187 = arith.constant 0 : i32
      %dma_wait3A_188 = arith.constant 0 : i32
      %dma_wait3A_189 = arith.constant 0 : i32
      %dma_wait3A_190 = tpu.memref_slice %arg2[%dma_wait3A_187, %dma_wait3A_188, %dma_wait3A_189] : memref<3072x56x56xf32, #tpu.memory_space<hbm>> -> memref<6x56x56xf32, #tpu.memory_space<hbm>>
      %dma_wait3A_191 = arith.constant 0 : i32
      %dma_wait3A_192 = arith.constant 0 : i32
      %dma_wait3A_193 = arith.constant 0 : i32
      %dma_wait3A_194 = tpu.memref_slice %arg7[%dma_wait3A_181, %dma_wait3A_191, %dma_wait3A_192, %dma_wait3A_193] : memref<2x6x56x56xf32, #tpu.memory_space<vmem>> -> memref<1x6x56x56xf32, #tpu.memory_space<vmem>>
      %dma_wait3A_195 = tpu.memref_squeeze %dma_wait3A_194 : memref<1x6x56x56xf32, #tpu.memory_space<vmem>> -> memref<6x56x56xf32, #tpu.memory_space<vmem>>
      %dma_wait3A_196 = arith.constant 0 : i32
      %dma_wait3A_197 = arith.constant 0 : i32
      %dma_wait3A_198 = arith.constant 0 : i32
      %dma_wait3A_199 = tpu.memref_slice %arg2[%dma_wait3A_196, %dma_wait3A_197, %dma_wait3A_198] : memref<3072x56x56xf32, #tpu.memory_space<hbm>> -> memref<6x56x56xf32, #tpu.memory_space<hbm>>
      tpu.wait_dma2 semaphore(%arg12 : memref<!tpu.dma_semaphore, #tpu.memory_space<semaphore_mem>>) src(%dma_wait3A_199 : memref<6x56x56xf32, #tpu.memory_space<hbm>>) dst(%dma_wait3A_195 : memref<6x56x56xf32, #tpu.memory_space<vmem>>)
      %add3A_200 = arith.constant 1 : i32
      %add3A_201 = arith.addi %mul3A_130, %add3A_200 : i32
      %mul3A_202 = arith.constant 6 : i32
      %mul3A_203 = arith.muli %add3A_201, %mul3A_202 : i32
      %get3A_204 = arith.index_cast %mul3A_203 : i32 to index
      %get3A_205 = tpu.vector_load %arg6[%get3A_204] {strides = array<i32>} : memref<208xi32, #tpu.memory_space<vmem>>, vector<16xi32>,
      %lt3A_206 = arith.constant 192 : i32
      %lt3A_207 = vector.broadcast %lt3A_206 : i32 to vector<16xi32>
      %lt3A_208 = arith.cmpi slt, %get3A_205, %lt3A_207 : vector<16xi32>
      %and3A_209 = arith.andi %lt3A_208, %lt3A_39 : vector<16xi1>
      %all_reduce_population_count3A_210 = tpu.all_reduce %and3A_209 {dim = 0 : i64, kind = #tpu.reduction_kind<sum>} : vector<16xi1> -> vector<16xi32>
      %slice3A_211 = vector.extract_strided_slice %all_reduce_population_count3A_210 {offsets = [0], sizes = [1], strides = [1]} : vector<16xi32> to vector<1xi32>
      %squeeze3A_212 = vector.extract %slice3A_211[0] : i32 from vector<1xi32>
      %eq3A_213 = arith.constant 0 : i32
      %eq3A_214 = arith.cmpi eq, %squeeze3A_212, %eq3A_213 : i32
      %not3A_215 = arith.constant true
      %not3A_216 = arith.xori %eq3A_214, %not3A_215 : i1
      %convert_element_type3A_217 = arith.extui %not3A_216 : i1 to i32
      %cond3A_218 = arith.constant 0 : i32
      %cond3A_219 = arith.cmpi ne, %convert_element_type3A_217, %cond3A_218 : i32
      scf.if %cond3A_219 {
        %slice3A_231 = vector.extract_strided_slice %get3A_205 {offsets = [0], sizes = [1], strides = [1]} : vector<16xi32> to vector<1xi32>
        %squeeze3A_232 = vector.extract %slice3A_231[0] : i32 from vector<1xi32>
        %lt3A_233 = arith.constant 192 : i32
        %lt3A_234 = arith.cmpi slt, %squeeze3A_232, %lt3A_233 : i32
        %convert_element_type3A_235 = arith.extui %lt3A_234 : i1 to i32
        %cond3A_236 = arith.constant 0 : i32
        %cond3A_237 = arith.cmpi ne, %convert_element_type3A_235, %cond3A_236 : i32
        scf.if %cond3A_237 {
          %add3A_302 = arith.addi %mul3A_34, %squeeze3A_232 : i32
          %dma_start3A = arith.constant 1 : i32
          %dma_start3A_303 = arith.constant 0 : i32
          %dma_start3A_304 = arith.constant 0 : i32
          %dma_start3A_305 = arith.constant 0 : i32
          %dma_start3A_306 = tpu.memref_slice %arg7[%dma_start3A, %dma_start3A_303, %dma_start3A_304, %dma_start3A_305] : memref<2x6x56x56xf32, #tpu.memory_space<vmem>> -> memref<1x1x56x56xf32, #tpu.memory_space<vmem>>
          %dma_start3A_307 = tpu.memref_squeeze %dma_start3A_306 : memref<1x1x56x56xf32, #tpu.memory_space<vmem>> -> memref<56x56xf32, #tpu.memory_space<vmem>>
          %dma_start3A_308 = arith.constant 0 : i32
          %dma_start3A_309 = arith.constant 0 : i32
          %dma_start3A_310 = tpu.memref_slice %arg2[%add3A_302, %dma_start3A_308, %dma_start3A_309] : memref<3072x56x56xf32, #tpu.memory_space<hbm>> -> memref<1x56x56xf32, #tpu.memory_space<hbm>>
          %dma_start3A_311 = tpu.memref_squeeze %dma_start3A_310 : memref<1x56x56xf32, #tpu.memory_space<hbm>> -> memref<56x56xf32, #tpu.memory_space<hbm>>
          %dma_start3A_312 = arith.constant 0 : i32
          %dma_start3A_313 = arith.constant 0 : i32
          %dma_start3A_314 = tpu.memref_slice %arg7[%dma_start3A, %dma_start3A_303, %dma_start3A_312, %dma_start3A_313] : memref<2x6x56x56xf32, #tpu.memory_space<vmem>> -> memref<1x1x56x56xf32, #tpu.memory_space<vmem>>
          %dma_start3A_315 = tpu.memref_squeeze %dma_start3A_314 : memref<1x1x56x56xf32, #tpu.memory_space<vmem>> -> memref<56x56xf32, #tpu.memory_space<vmem>>
          %dma_start3A_316 = arith.constant 0 : i32
          %dma_start3A_317 = arith.constant 0 : i32
          %dma_start3A_318 = tpu.memref_slice %arg2[%add3A_302, %dma_start3A_316, %dma_start3A_317] : memref<3072x56x56xf32, #tpu.memory_space<hbm>> -> memref<1x56x56xf32, #tpu.memory_space<hbm>>
          %dma_start3A_319 = tpu.memref_squeeze %dma_start3A_318 : memref<1x56x56xf32, #tpu.memory_space<hbm>> -> memref<56x56xf32, #tpu.memory_space<hbm>>
          tpu.enqueue_dma source(%dma_start3A_319 : memref<56x56xf32, #tpu.memory_space<hbm>>) target(%dma_start3A_315 : memref<56x56xf32, #tpu.memory_space<vmem>>) target_semaphore(%arg10 : memref<!tpu.dma_semaphore, #tpu.memory_space<semaphore_mem>>)
        } else {
        }
        %ge3A = arith.constant 192 : i32
        %ge3A_238 = arith.cmpi sge, %squeeze3A_232, %ge3A : i32
        %convert_element_type3A_239 = arith.extui %ge3A_238 : i1 to i32
        %cond3A_240 = arith.constant 0 : i32
        %cond3A_241 = arith.cmpi ne, %convert_element_type3A_239, %cond3A_240 : i32
        scf.if %cond3A_241 {
          %dma_start3A = arith.constant 0 : i32
          %dma_start3A_302 = arith.constant 1 : i32
          %dma_start3A_303 = arith.constant 0 : i32
          %dma_start3A_304 = arith.constant 0 : i32
          %dma_start3A_305 = arith.constant 0 : i32
          %dma_start3A_306 = tpu.memref_slice %arg7[%dma_start3A_302, %dma_start3A_303, %dma_start3A_304, %dma_start3A_305] : memref<2x6x56x56xf32, #tpu.memory_space<vmem>> -> memref<1x1x56x56xf32, #tpu.memory_space<vmem>>
          %dma_start3A_307 = tpu.memref_squeeze %dma_start3A_306 : memref<1x1x56x56xf32, #tpu.memory_space<vmem>> -> memref<56x56xf32, #tpu.memory_space<vmem>>
          %dma_start3A_308 = arith.constant 0 : i32
          %dma_start3A_309 = arith.constant 0 : i32
          %dma_start3A_310 = tpu.memref_slice %arg4[%add3A, %dma_start3A, %dma_start3A_308, %dma_start3A_309] : memref<32x6x56x56xf32, #tpu.memory_space<hbm>> -> memref<1x1x56x56xf32, #tpu.memory_space<hbm>>
          %dma_start3A_311 = tpu.memref_squeeze %dma_start3A_310 : memref<1x1x56x56xf32, #tpu.memory_space<hbm>> -> memref<56x56xf32, #tpu.memory_space<hbm>>
          %dma_start3A_312 = arith.constant 0 : i32
          %dma_start3A_313 = arith.constant 0 : i32
          %dma_start3A_314 = tpu.memref_slice %arg7[%dma_start3A_302, %dma_start3A_303, %dma_start3A_312, %dma_start3A_313] : memref<2x6x56x56xf32, #tpu.memory_space<vmem>> -> memref<1x1x56x56xf32, #tpu.memory_space<vmem>>
          %dma_start3A_315 = tpu.memref_squeeze %dma_start3A_314 : memref<1x1x56x56xf32, #tpu.memory_space<vmem>> -> memref<56x56xf32, #tpu.memory_space<vmem>>
          %dma_start3A_316 = arith.constant 0 : i32
          %dma_start3A_317 = arith.constant 0 : i32
          %dma_start3A_318 = tpu.memref_slice %arg4[%add3A, %dma_start3A, %dma_start3A_316, %dma_start3A_317] : memref<32x6x56x56xf32, #tpu.memory_space<hbm>> -> memref<1x1x56x56xf32, #tpu.memory_space<hbm>>
          %dma_start3A_319 = tpu.memref_squeeze %dma_start3A_318 : memref<1x1x56x56xf32, #tpu.memory_space<hbm>> -> memref<56x56xf32, #tpu.memory_space<hbm>>
          tpu.enqueue_dma source(%dma_start3A_319 : memref<56x56xf32, #tpu.memory_space<hbm>>) target(%dma_start3A_315 : memref<56x56xf32, #tpu.memory_space<vmem>>) target_semaphore(%arg10 : memref<!tpu.dma_semaphore, #tpu.memory_space<semaphore_mem>>)
        } else {
        }
        %slice3A_242 = vector.extract_strided_slice %get3A_205 {offsets = [1], sizes = [1], strides = [1]} : vector<16xi32> to vector<1xi32>
        %squeeze3A_243 = vector.extract %slice3A_242[0] : i32 from vector<1xi32>
        %lt3A_244 = arith.constant 192 : i32
        %lt3A_245 = arith.cmpi slt, %squeeze3A_243, %lt3A_244 : i32
        %convert_element_type3A_246 = arith.extui %lt3A_245 : i1 to i32
        %cond3A_247 = arith.constant 0 : i32
        %cond3A_248 = arith.cmpi ne, %convert_element_type3A_246, %cond3A_247 : i32
        scf.if %cond3A_248 {
          %add3A_302 = arith.addi %mul3A_34, %squeeze3A_243 : i32
          %dma_start3A = arith.constant 1 : i32
          %dma_start3A_303 = arith.constant 1 : i32
          %dma_start3A_304 = arith.constant 0 : i32
          %dma_start3A_305 = arith.constant 0 : i32
          %dma_start3A_306 = tpu.memref_slice %arg7[%dma_start3A, %dma_start3A_303, %dma_start3A_304, %dma_start3A_305] : memref<2x6x56x56xf32, #tpu.memory_space<vmem>> -> memref<1x1x56x56xf32, #tpu.memory_space<vmem>>
          %dma_start3A_307 = tpu.memref_squeeze %dma_start3A_306 : memref<1x1x56x56xf32, #tpu.memory_space<vmem>> -> memref<56x56xf32, #tpu.memory_space<vmem>>
          %dma_start3A_308 = arith.constant 0 : i32
          %dma_start3A_309 = arith.constant 0 : i32
          %dma_start3A_310 = tpu.memref_slice %arg2[%add3A_302, %dma_start3A_308, %dma_start3A_309] : memref<3072x56x56xf32, #tpu.memory_space<hbm>> -> memref<1x56x56xf32, #tpu.memory_space<hbm>>
          %dma_start3A_311 = tpu.memref_squeeze %dma_start3A_310 : memref<1x56x56xf32, #tpu.memory_space<hbm>> -> memref<56x56xf32, #tpu.memory_space<hbm>>
          %dma_start3A_312 = arith.constant 0 : i32
          %dma_start3A_313 = arith.constant 0 : i32
          %dma_start3A_314 = tpu.memref_slice %arg7[%dma_start3A, %dma_start3A_303, %dma_start3A_312, %dma_start3A_313] : memref<2x6x56x56xf32, #tpu.memory_space<vmem>> -> memref<1x1x56x56xf32, #tpu.memory_space<vmem>>
          %dma_start3A_315 = tpu.memref_squeeze %dma_start3A_314 : memref<1x1x56x56xf32, #tpu.memory_space<vmem>> -> memref<56x56xf32, #tpu.memory_space<vmem>>
          %dma_start3A_316 = arith.constant 0 : i32
          %dma_start3A_317 = arith.constant 0 : i32
          %dma_start3A_318 = tpu.memref_slice %arg2[%add3A_302, %dma_start3A_316, %dma_start3A_317] : memref<3072x56x56xf32, #tpu.memory_space<hbm>> -> memref<1x56x56xf32, #tpu.memory_space<hbm>>
          %dma_start3A_319 = tpu.memref_squeeze %dma_start3A_318 : memref<1x56x56xf32, #tpu.memory_space<hbm>> -> memref<56x56xf32, #tpu.memory_space<hbm>>
          tpu.enqueue_dma source(%dma_start3A_319 : memref<56x56xf32, #tpu.memory_space<hbm>>) target(%dma_start3A_315 : memref<56x56xf32, #tpu.memory_space<vmem>>) target_semaphore(%arg10 : memref<!tpu.dma_semaphore, #tpu.memory_space<semaphore_mem>>)
        } else {
        }
        %ge3A_249 = arith.constant 192 : i32
        %ge3A_250 = arith.cmpi sge, %squeeze3A_243, %ge3A_249 : i32
        %convert_element_type3A_251 = arith.extui %ge3A_250 : i1 to i32
        %cond3A_252 = arith.constant 0 : i32
        %cond3A_253 = arith.cmpi ne, %convert_element_type3A_251, %cond3A_252 : i32
        scf.if %cond3A_253 {
          %dma_start3A = arith.constant 1 : i32
          %dma_start3A_302 = arith.constant 1 : i32
          %dma_start3A_303 = arith.constant 1 : i32
          %dma_start3A_304 = arith.constant 0 : i32
          %dma_start3A_305 = arith.constant 0 : i32
          %dma_start3A_306 = tpu.memref_slice %arg7[%dma_start3A_302, %dma_start3A_303, %dma_start3A_304, %dma_start3A_305] : memref<2x6x56x56xf32, #tpu.memory_space<vmem>> -> memref<1x1x56x56xf32, #tpu.memory_space<vmem>>
          %dma_start3A_307 = tpu.memref_squeeze %dma_start3A_306 : memref<1x1x56x56xf32, #tpu.memory_space<vmem>> -> memref<56x56xf32, #tpu.memory_space<vmem>>
          %dma_start3A_308 = arith.constant 0 : i32
          %dma_start3A_309 = arith.constant 0 : i32
          %dma_start3A_310 = tpu.memref_slice %arg4[%add3A, %dma_start3A, %dma_start3A_308, %dma_start3A_309] : memref<32x6x56x56xf32, #tpu.memory_space<hbm>> -> memref<1x1x56x56xf32, #tpu.memory_space<hbm>>
          %dma_start3A_311 = tpu.memref_squeeze %dma_start3A_310 : memref<1x1x56x56xf32, #tpu.memory_space<hbm>> -> memref<56x56xf32, #tpu.memory_space<hbm>>
          %dma_start3A_312 = arith.constant 0 : i32
          %dma_start3A_313 = arith.constant 0 : i32
          %dma_start3A_314 = tpu.memref_slice %arg7[%dma_start3A_302, %dma_start3A_303, %dma_start3A_312, %dma_start3A_313] : memref<2x6x56x56xf32, #tpu.memory_space<vmem>> -> memref<1x1x56x56xf32, #tpu.memory_space<vmem>>
          %dma_start3A_315 = tpu.memref_squeeze %dma_start3A_314 : memref<1x1x56x56xf32, #tpu.memory_space<vmem>> -> memref<56x56xf32, #tpu.memory_space<vmem>>
          %dma_start3A_316 = arith.constant 0 : i32
          %dma_start3A_317 = arith.constant 0 : i32
          %dma_start3A_318 = tpu.memref_slice %arg4[%add3A, %dma_start3A, %dma_start3A_316, %dma_start3A_317] : memref<32x6x56x56xf32, #tpu.memory_space<hbm>> -> memref<1x1x56x56xf32, #tpu.memory_space<hbm>>
          %dma_start3A_319 = tpu.memref_squeeze %dma_start3A_318 : memref<1x1x56x56xf32, #tpu.memory_space<hbm>> -> memref<56x56xf32, #tpu.memory_space<hbm>>
          tpu.enqueue_dma source(%dma_start3A_319 : memref<56x56xf32, #tpu.memory_space<hbm>>) target(%dma_start3A_315 : memref<56x56xf32, #tpu.memory_space<vmem>>) target_semaphore(%arg10 : memref<!tpu.dma_semaphore, #tpu.memory_space<semaphore_mem>>)
        } else {
        }
        %slice3A_254 = vector.extract_strided_slice %get3A_205 {offsets = [2], sizes = [1], strides = [1]} : vector<16xi32> to vector<1xi32>
        %squeeze3A_255 = vector.extract %slice3A_254[0] : i32 from vector<1xi32>
        %lt3A_256 = arith.constant 192 : i32
        %lt3A_257 = arith.cmpi slt, %squeeze3A_255, %lt3A_256 : i32
        %convert_element_type3A_258 = arith.extui %lt3A_257 : i1 to i32
        %cond3A_259 = arith.constant 0 : i32
        %cond3A_260 = arith.cmpi ne, %convert_element_type3A_258, %cond3A_259 : i32
        scf.if %cond3A_260 {
          %add3A_302 = arith.addi %mul3A_34, %squeeze3A_255 : i32
          %dma_start3A = arith.constant 1 : i32
          %dma_start3A_303 = arith.constant 2 : i32
          %dma_start3A_304 = arith.constant 0 : i32
          %dma_start3A_305 = arith.constant 0 : i32
          %dma_start3A_306 = tpu.memref_slice %arg7[%dma_start3A, %dma_start3A_303, %dma_start3A_304, %dma_start3A_305] : memref<2x6x56x56xf32, #tpu.memory_space<vmem>> -> memref<1x1x56x56xf32, #tpu.memory_space<vmem>>
          %dma_start3A_307 = tpu.memref_squeeze %dma_start3A_306 : memref<1x1x56x56xf32, #tpu.memory_space<vmem>> -> memref<56x56xf32, #tpu.memory_space<vmem>>
          %dma_start3A_308 = arith.constant 0 : i32
          %dma_start3A_309 = arith.constant 0 : i32
          %dma_start3A_310 = tpu.memref_slice %arg2[%add3A_302, %dma_start3A_308, %dma_start3A_309] : memref<3072x56x56xf32, #tpu.memory_space<hbm>> -> memref<1x56x56xf32, #tpu.memory_space<hbm>>
          %dma_start3A_311 = tpu.memref_squeeze %dma_start3A_310 : memref<1x56x56xf32, #tpu.memory_space<hbm>> -> memref<56x56xf32, #tpu.memory_space<hbm>>
          %dma_start3A_312 = arith.constant 0 : i32
          %dma_start3A_313 = arith.constant 0 : i32
          %dma_start3A_314 = tpu.memref_slice %arg7[%dma_start3A, %dma_start3A_303, %dma_start3A_312, %dma_start3A_313] : memref<2x6x56x56xf32, #tpu.memory_space<vmem>> -> memref<1x1x56x56xf32, #tpu.memory_space<vmem>>
          %dma_start3A_315 = tpu.memref_squeeze %dma_start3A_314 : memref<1x1x56x56xf32, #tpu.memory_space<vmem>> -> memref<56x56xf32, #tpu.memory_space<vmem>>
          %dma_start3A_316 = arith.constant 0 : i32
          %dma_start3A_317 = arith.constant 0 : i32
          %dma_start3A_318 = tpu.memref_slice %arg2[%add3A_302, %dma_start3A_316, %dma_start3A_317] : memref<3072x56x56xf32, #tpu.memory_space<hbm>> -> memref<1x56x56xf32, #tpu.memory_space<hbm>>
          %dma_start3A_319 = tpu.memref_squeeze %dma_start3A_318 : memref<1x56x56xf32, #tpu.memory_space<hbm>> -> memref<56x56xf32, #tpu.memory_space<hbm>>
          tpu.enqueue_dma source(%dma_start3A_319 : memref<56x56xf32, #tpu.memory_space<hbm>>) target(%dma_start3A_315 : memref<56x56xf32, #tpu.memory_space<vmem>>) target_semaphore(%arg10 : memref<!tpu.dma_semaphore, #tpu.memory_space<semaphore_mem>>)
        } else {
        }
        %ge3A_261 = arith.constant 192 : i32
        %ge3A_262 = arith.cmpi sge, %squeeze3A_255, %ge3A_261 : i32
        %convert_element_type3A_263 = arith.extui %ge3A_262 : i1 to i32
        %cond3A_264 = arith.constant 0 : i32
        %cond3A_265 = arith.cmpi ne, %convert_element_type3A_263, %cond3A_264 : i32
        scf.if %cond3A_265 {
          %dma_start3A = arith.constant 2 : i32
          %dma_start3A_302 = arith.constant 1 : i32
          %dma_start3A_303 = arith.constant 2 : i32
          %dma_start3A_304 = arith.constant 0 : i32
          %dma_start3A_305 = arith.constant 0 : i32
          %dma_start3A_306 = tpu.memref_slice %arg7[%dma_start3A_302, %dma_start3A_303, %dma_start3A_304, %dma_start3A_305] : memref<2x6x56x56xf32, #tpu.memory_space<vmem>> -> memref<1x1x56x56xf32, #tpu.memory_space<vmem>>
          %dma_start3A_307 = tpu.memref_squeeze %dma_start3A_306 : memref<1x1x56x56xf32, #tpu.memory_space<vmem>> -> memref<56x56xf32, #tpu.memory_space<vmem>>
          %dma_start3A_308 = arith.constant 0 : i32
          %dma_start3A_309 = arith.constant 0 : i32
          %dma_start3A_310 = tpu.memref_slice %arg4[%add3A, %dma_start3A, %dma_start3A_308, %dma_start3A_309] : memref<32x6x56x56xf32, #tpu.memory_space<hbm>> -> memref<1x1x56x56xf32, #tpu.memory_space<hbm>>
          %dma_start3A_311 = tpu.memref_squeeze %dma_start3A_310 : memref<1x1x56x56xf32, #tpu.memory_space<hbm>> -> memref<56x56xf32, #tpu.memory_space<hbm>>
          %dma_start3A_312 = arith.constant 0 : i32
          %dma_start3A_313 = arith.constant 0 : i32
          %dma_start3A_314 = tpu.memref_slice %arg7[%dma_start3A_302, %dma_start3A_303, %dma_start3A_312, %dma_start3A_313] : memref<2x6x56x56xf32, #tpu.memory_space<vmem>> -> memref<1x1x56x56xf32, #tpu.memory_space<vmem>>
          %dma_start3A_315 = tpu.memref_squeeze %dma_start3A_314 : memref<1x1x56x56xf32, #tpu.memory_space<vmem>> -> memref<56x56xf32, #tpu.memory_space<vmem>>
          %dma_start3A_316 = arith.constant 0 : i32
          %dma_start3A_317 = arith.constant 0 : i32
          %dma_start3A_318 = tpu.memref_slice %arg4[%add3A, %dma_start3A, %dma_start3A_316, %dma_start3A_317] : memref<32x6x56x56xf32, #tpu.memory_space<hbm>> -> memref<1x1x56x56xf32, #tpu.memory_space<hbm>>
          %dma_start3A_319 = tpu.memref_squeeze %dma_start3A_318 : memref<1x1x56x56xf32, #tpu.memory_space<hbm>> -> memref<56x56xf32, #tpu.memory_space<hbm>>
          tpu.enqueue_dma source(%dma_start3A_319 : memref<56x56xf32, #tpu.memory_space<hbm>>) target(%dma_start3A_315 : memref<56x56xf32, #tpu.memory_space<vmem>>) target_semaphore(%arg10 : memref<!tpu.dma_semaphore, #tpu.memory_space<semaphore_mem>>)
        } else {
        }
        %slice3A_266 = vector.extract_strided_slice %get3A_205 {offsets = [3], sizes = [1], strides = [1]} : vector<16xi32> to vector<1xi32>
        %squeeze3A_267 = vector.extract %slice3A_266[0] : i32 from vector<1xi32>
        %lt3A_268 = arith.constant 192 : i32
        %lt3A_269 = arith.cmpi slt, %squeeze3A_267, %lt3A_268 : i32
        %convert_element_type3A_270 = arith.extui %lt3A_269 : i1 to i32
        %cond3A_271 = arith.constant 0 : i32
        %cond3A_272 = arith.cmpi ne, %convert_element_type3A_270, %cond3A_271 : i32
        scf.if %cond3A_272 {
          %add3A_302 = arith.addi %mul3A_34, %squeeze3A_267 : i32
          %dma_start3A = arith.constant 1 : i32
          %dma_start3A_303 = arith.constant 3 : i32
          %dma_start3A_304 = arith.constant 0 : i32
          %dma_start3A_305 = arith.constant 0 : i32
          %dma_start3A_306 = tpu.memref_slice %arg7[%dma_start3A, %dma_start3A_303, %dma_start3A_304, %dma_start3A_305] : memref<2x6x56x56xf32, #tpu.memory_space<vmem>> -> memref<1x1x56x56xf32, #tpu.memory_space<vmem>>
          %dma_start3A_307 = tpu.memref_squeeze %dma_start3A_306 : memref<1x1x56x56xf32, #tpu.memory_space<vmem>> -> memref<56x56xf32, #tpu.memory_space<vmem>>
          %dma_start3A_308 = arith.constant 0 : i32
          %dma_start3A_309 = arith.constant 0 : i32
          %dma_start3A_310 = tpu.memref_slice %arg2[%add3A_302, %dma_start3A_308, %dma_start3A_309] : memref<3072x56x56xf32, #tpu.memory_space<hbm>> -> memref<1x56x56xf32, #tpu.memory_space<hbm>>
          %dma_start3A_311 = tpu.memref_squeeze %dma_start3A_310 : memref<1x56x56xf32, #tpu.memory_space<hbm>> -> memref<56x56xf32, #tpu.memory_space<hbm>>
          %dma_start3A_312 = arith.constant 0 : i32
          %dma_start3A_313 = arith.constant 0 : i32
          %dma_start3A_314 = tpu.memref_slice %arg7[%dma_start3A, %dma_start3A_303, %dma_start3A_312, %dma_start3A_313] : memref<2x6x56x56xf32, #tpu.memory_space<vmem>> -> memref<1x1x56x56xf32, #tpu.memory_space<vmem>>
          %dma_start3A_315 = tpu.memref_squeeze %dma_start3A_314 : memref<1x1x56x56xf32, #tpu.memory_space<vmem>> -> memref<56x56xf32, #tpu.memory_space<vmem>>
          %dma_start3A_316 = arith.constant 0 : i32
          %dma_start3A_317 = arith.constant 0 : i32
          %dma_start3A_318 = tpu.memref_slice %arg2[%add3A_302, %dma_start3A_316, %dma_start3A_317] : memref<3072x56x56xf32, #tpu.memory_space<hbm>> -> memref<1x56x56xf32, #tpu.memory_space<hbm>>
          %dma_start3A_319 = tpu.memref_squeeze %dma_start3A_318 : memref<1x56x56xf32, #tpu.memory_space<hbm>> -> memref<56x56xf32, #tpu.memory_space<hbm>>
          tpu.enqueue_dma source(%dma_start3A_319 : memref<56x56xf32, #tpu.memory_space<hbm>>) target(%dma_start3A_315 : memref<56x56xf32, #tpu.memory_space<vmem>>) target_semaphore(%arg10 : memref<!tpu.dma_semaphore, #tpu.memory_space<semaphore_mem>>)
        } else {
        }
        %ge3A_273 = arith.constant 192 : i32
        %ge3A_274 = arith.cmpi sge, %squeeze3A_267, %ge3A_273 : i32
        %convert_element_type3A_275 = arith.extui %ge3A_274 : i1 to i32
        %cond3A_276 = arith.constant 0 : i32
        %cond3A_277 = arith.cmpi ne, %convert_element_type3A_275, %cond3A_276 : i32
        scf.if %cond3A_277 {
          %dma_start3A = arith.constant 3 : i32
          %dma_start3A_302 = arith.constant 1 : i32
          %dma_start3A_303 = arith.constant 3 : i32
          %dma_start3A_304 = arith.constant 0 : i32
          %dma_start3A_305 = arith.constant 0 : i32
          %dma_start3A_306 = tpu.memref_slice %arg7[%dma_start3A_302, %dma_start3A_303, %dma_start3A_304, %dma_start3A_305] : memref<2x6x56x56xf32, #tpu.memory_space<vmem>> -> memref<1x1x56x56xf32, #tpu.memory_space<vmem>>
          %dma_start3A_307 = tpu.memref_squeeze %dma_start3A_306 : memref<1x1x56x56xf32, #tpu.memory_space<vmem>> -> memref<56x56xf32, #tpu.memory_space<vmem>>
          %dma_start3A_308 = arith.constant 0 : i32
          %dma_start3A_309 = arith.constant 0 : i32
          %dma_start3A_310 = tpu.memref_slice %arg4[%add3A, %dma_start3A, %dma_start3A_308, %dma_start3A_309] : memref<32x6x56x56xf32, #tpu.memory_space<hbm>> -> memref<1x1x56x56xf32, #tpu.memory_space<hbm>>
          %dma_start3A_311 = tpu.memref_squeeze %dma_start3A_310 : memref<1x1x56x56xf32, #tpu.memory_space<hbm>> -> memref<56x56xf32, #tpu.memory_space<hbm>>
          %dma_start3A_312 = arith.constant 0 : i32
          %dma_start3A_313 = arith.constant 0 : i32
          %dma_start3A_314 = tpu.memref_slice %arg7[%dma_start3A_302, %dma_start3A_303, %dma_start3A_312, %dma_start3A_313] : memref<2x6x56x56xf32, #tpu.memory_space<vmem>> -> memref<1x1x56x56xf32, #tpu.memory_space<vmem>>
          %dma_start3A_315 = tpu.memref_squeeze %dma_start3A_314 : memref<1x1x56x56xf32, #tpu.memory_space<vmem>> -> memref<56x56xf32, #tpu.memory_space<vmem>>
          %dma_start3A_316 = arith.constant 0 : i32
          %dma_start3A_317 = arith.constant 0 : i32
          %dma_start3A_318 = tpu.memref_slice %arg4[%add3A, %dma_start3A, %dma_start3A_316, %dma_start3A_317] : memref<32x6x56x56xf32, #tpu.memory_space<hbm>> -> memref<1x1x56x56xf32, #tpu.memory_space<hbm>>
          %dma_start3A_319 = tpu.memref_squeeze %dma_start3A_318 : memref<1x1x56x56xf32, #tpu.memory_space<hbm>> -> memref<56x56xf32, #tpu.memory_space<hbm>>
          tpu.enqueue_dma source(%dma_start3A_319 : memref<56x56xf32, #tpu.memory_space<hbm>>) target(%dma_start3A_315 : memref<56x56xf32, #tpu.memory_space<vmem>>) target_semaphore(%arg10 : memref<!tpu.dma_semaphore, #tpu.memory_space<semaphore_mem>>)
        } else {
        }
        %slice3A_278 = vector.extract_strided_slice %get3A_205 {offsets = [4], sizes = [1], strides = [1]} : vector<16xi32> to vector<1xi32>
        %squeeze3A_279 = vector.extract %slice3A_278[0] : i32 from vector<1xi32>
        %lt3A_280 = arith.constant 192 : i32
        %lt3A_281 = arith.cmpi slt, %squeeze3A_279, %lt3A_280 : i32
        %convert_element_type3A_282 = arith.extui %lt3A_281 : i1 to i32
        %cond3A_283 = arith.constant 0 : i32
        %cond3A_284 = arith.cmpi ne, %convert_element_type3A_282, %cond3A_283 : i32
        scf.if %cond3A_284 {
          %add3A_302 = arith.addi %mul3A_34, %squeeze3A_279 : i32
          %dma_start3A = arith.constant 1 : i32
          %dma_start3A_303 = arith.constant 4 : i32
          %dma_start3A_304 = arith.constant 0 : i32
          %dma_start3A_305 = arith.constant 0 : i32
          %dma_start3A_306 = tpu.memref_slice %arg7[%dma_start3A, %dma_start3A_303, %dma_start3A_304, %dma_start3A_305] : memref<2x6x56x56xf32, #tpu.memory_space<vmem>> -> memref<1x1x56x56xf32, #tpu.memory_space<vmem>>
          %dma_start3A_307 = tpu.memref_squeeze %dma_start3A_306 : memref<1x1x56x56xf32, #tpu.memory_space<vmem>> -> memref<56x56xf32, #tpu.memory_space<vmem>>
          %dma_start3A_308 = arith.constant 0 : i32
          %dma_start3A_309 = arith.constant 0 : i32
          %dma_start3A_310 = tpu.memref_slice %arg2[%add3A_302, %dma_start3A_308, %dma_start3A_309] : memref<3072x56x56xf32, #tpu.memory_space<hbm>> -> memref<1x56x56xf32, #tpu.memory_space<hbm>>
          %dma_start3A_311 = tpu.memref_squeeze %dma_start3A_310 : memref<1x56x56xf32, #tpu.memory_space<hbm>> -> memref<56x56xf32, #tpu.memory_space<hbm>>
          %dma_start3A_312 = arith.constant 0 : i32
          %dma_start3A_313 = arith.constant 0 : i32
          %dma_start3A_314 = tpu.memref_slice %arg7[%dma_start3A, %dma_start3A_303, %dma_start3A_312, %dma_start3A_313] : memref<2x6x56x56xf32, #tpu.memory_space<vmem>> -> memref<1x1x56x56xf32, #tpu.memory_space<vmem>>
          %dma_start3A_315 = tpu.memref_squeeze %dma_start3A_314 : memref<1x1x56x56xf32, #tpu.memory_space<vmem>> -> memref<56x56xf32, #tpu.memory_space<vmem>>
          %dma_start3A_316 = arith.constant 0 : i32
          %dma_start3A_317 = arith.constant 0 : i32
          %dma_start3A_318 = tpu.memref_slice %arg2[%add3A_302, %dma_start3A_316, %dma_start3A_317] : memref<3072x56x56xf32, #tpu.memory_space<hbm>> -> memref<1x56x56xf32, #tpu.memory_space<hbm>>
          %dma_start3A_319 = tpu.memref_squeeze %dma_start3A_318 : memref<1x56x56xf32, #tpu.memory_space<hbm>> -> memref<56x56xf32, #tpu.memory_space<hbm>>
          tpu.enqueue_dma source(%dma_start3A_319 : memref<56x56xf32, #tpu.memory_space<hbm>>) target(%dma_start3A_315 : memref<56x56xf32, #tpu.memory_space<vmem>>) target_semaphore(%arg10 : memref<!tpu.dma_semaphore, #tpu.memory_space<semaphore_mem>>)
        } else {
        }
        %ge3A_285 = arith.constant 192 : i32
        %ge3A_286 = arith.cmpi sge, %squeeze3A_279, %ge3A_285 : i32
        %convert_element_type3A_287 = arith.extui %ge3A_286 : i1 to i32
        %cond3A_288 = arith.constant 0 : i32
        %cond3A_289 = arith.cmpi ne, %convert_element_type3A_287, %cond3A_288 : i32
        scf.if %cond3A_289 {
          %dma_start3A = arith.constant 4 : i32
          %dma_start3A_302 = arith.constant 1 : i32
          %dma_start3A_303 = arith.constant 4 : i32
          %dma_start3A_304 = arith.constant 0 : i32
          %dma_start3A_305 = arith.constant 0 : i32
          %dma_start3A_306 = tpu.memref_slice %arg7[%dma_start3A_302, %dma_start3A_303, %dma_start3A_304, %dma_start3A_305] : memref<2x6x56x56xf32, #tpu.memory_space<vmem>> -> memref<1x1x56x56xf32, #tpu.memory_space<vmem>>
          %dma_start3A_307 = tpu.memref_squeeze %dma_start3A_306 : memref<1x1x56x56xf32, #tpu.memory_space<vmem>> -> memref<56x56xf32, #tpu.memory_space<vmem>>
          %dma_start3A_308 = arith.constant 0 : i32
          %dma_start3A_309 = arith.constant 0 : i32
          %dma_start3A_310 = tpu.memref_slice %arg4[%add3A, %dma_start3A, %dma_start3A_308, %dma_start3A_309] : memref<32x6x56x56xf32, #tpu.memory_space<hbm>> -> memref<1x1x56x56xf32, #tpu.memory_space<hbm>>
          %dma_start3A_311 = tpu.memref_squeeze %dma_start3A_310 : memref<1x1x56x56xf32, #tpu.memory_space<hbm>> -> memref<56x56xf32, #tpu.memory_space<hbm>>
          %dma_start3A_312 = arith.constant 0 : i32
          %dma_start3A_313 = arith.constant 0 : i32
          %dma_start3A_314 = tpu.memref_slice %arg7[%dma_start3A_302, %dma_start3A_303, %dma_start3A_312, %dma_start3A_313] : memref<2x6x56x56xf32, #tpu.memory_space<vmem>> -> memref<1x1x56x56xf32, #tpu.memory_space<vmem>>
          %dma_start3A_315 = tpu.memref_squeeze %dma_start3A_314 : memref<1x1x56x56xf32, #tpu.memory_space<vmem>> -> memref<56x56xf32, #tpu.memory_space<vmem>>
          %dma_start3A_316 = arith.constant 0 : i32
          %dma_start3A_317 = arith.constant 0 : i32
          %dma_start3A_318 = tpu.memref_slice %arg4[%add3A, %dma_start3A, %dma_start3A_316, %dma_start3A_317] : memref<32x6x56x56xf32, #tpu.memory_space<hbm>> -> memref<1x1x56x56xf32, #tpu.memory_space<hbm>>
          %dma_start3A_319 = tpu.memref_squeeze %dma_start3A_318 : memref<1x1x56x56xf32, #tpu.memory_space<hbm>> -> memref<56x56xf32, #tpu.memory_space<hbm>>
          tpu.enqueue_dma source(%dma_start3A_319 : memref<56x56xf32, #tpu.memory_space<hbm>>) target(%dma_start3A_315 : memref<56x56xf32, #tpu.memory_space<vmem>>) target_semaphore(%arg10 : memref<!tpu.dma_semaphore, #tpu.memory_space<semaphore_mem>>)
        } else {
        }
        %slice3A_290 = vector.extract_strided_slice %get3A_205 {offsets = [5], sizes = [1], strides = [1]} : vector<16xi32> to vector<1xi32>
        %squeeze3A_291 = vector.extract %slice3A_290[0] : i32 from vector<1xi32>
        %lt3A_292 = arith.constant 192 : i32
        %lt3A_293 = arith.cmpi slt, %squeeze3A_291, %lt3A_292 : i32
        %convert_element_type3A_294 = arith.extui %lt3A_293 : i1 to i32
        %cond3A_295 = arith.constant 0 : i32
        %cond3A_296 = arith.cmpi ne, %convert_element_type3A_294, %cond3A_295 : i32
        scf.if %cond3A_296 {
          %add3A_302 = arith.addi %mul3A_34, %squeeze3A_291 : i32
          %dma_start3A = arith.constant 1 : i32
          %dma_start3A_303 = arith.constant 5 : i32
          %dma_start3A_304 = arith.constant 0 : i32
          %dma_start3A_305 = arith.constant 0 : i32
          %dma_start3A_306 = tpu.memref_slice %arg7[%dma_start3A, %dma_start3A_303, %dma_start3A_304, %dma_start3A_305] : memref<2x6x56x56xf32, #tpu.memory_space<vmem>> -> memref<1x1x56x56xf32, #tpu.memory_space<vmem>>
          %dma_start3A_307 = tpu.memref_squeeze %dma_start3A_306 : memref<1x1x56x56xf32, #tpu.memory_space<vmem>> -> memref<56x56xf32, #tpu.memory_space<vmem>>
          %dma_start3A_308 = arith.constant 0 : i32
          %dma_start3A_309 = arith.constant 0 : i32
          %dma_start3A_310 = tpu.memref_slice %arg2[%add3A_302, %dma_start3A_308, %dma_start3A_309] : memref<3072x56x56xf32, #tpu.memory_space<hbm>> -> memref<1x56x56xf32, #tpu.memory_space<hbm>>
          %dma_start3A_311 = tpu.memref_squeeze %dma_start3A_310 : memref<1x56x56xf32, #tpu.memory_space<hbm>> -> memref<56x56xf32, #tpu.memory_space<hbm>>
          %dma_start3A_312 = arith.constant 0 : i32
          %dma_start3A_313 = arith.constant 0 : i32
          %dma_start3A_314 = tpu.memref_slice %arg7[%dma_start3A, %dma_start3A_303, %dma_start3A_312, %dma_start3A_313] : memref<2x6x56x56xf32, #tpu.memory_space<vmem>> -> memref<1x1x56x56xf32, #tpu.memory_space<vmem>>
          %dma_start3A_315 = tpu.memref_squeeze %dma_start3A_314 : memref<1x1x56x56xf32, #tpu.memory_space<vmem>> -> memref<56x56xf32, #tpu.memory_space<vmem>>
          %dma_start3A_316 = arith.constant 0 : i32
          %dma_start3A_317 = arith.constant 0 : i32
          %dma_start3A_318 = tpu.memref_slice %arg2[%add3A_302, %dma_start3A_316, %dma_start3A_317] : memref<3072x56x56xf32, #tpu.memory_space<hbm>> -> memref<1x56x56xf32, #tpu.memory_space<hbm>>
          %dma_start3A_319 = tpu.memref_squeeze %dma_start3A_318 : memref<1x56x56xf32, #tpu.memory_space<hbm>> -> memref<56x56xf32, #tpu.memory_space<hbm>>
          tpu.enqueue_dma source(%dma_start3A_319 : memref<56x56xf32, #tpu.memory_space<hbm>>) target(%dma_start3A_315 : memref<56x56xf32, #tpu.memory_space<vmem>>) target_semaphore(%arg10 : memref<!tpu.dma_semaphore, #tpu.memory_space<semaphore_mem>>)
        } else {
        }
        %ge3A_297 = arith.constant 192 : i32
        %ge3A_298 = arith.cmpi sge, %squeeze3A_291, %ge3A_297 : i32
        %convert_element_type3A_299 = arith.extui %ge3A_298 : i1 to i32
        %cond3A_300 = arith.constant 0 : i32
        %cond3A_301 = arith.cmpi ne, %convert_element_type3A_299, %cond3A_300 : i32
        scf.if %cond3A_301 {
          %dma_start3A = arith.constant 5 : i32
          %dma_start3A_302 = arith.constant 1 : i32
          %dma_start3A_303 = arith.constant 5 : i32
          %dma_start3A_304 = arith.constant 0 : i32
          %dma_start3A_305 = arith.constant 0 : i32
          %dma_start3A_306 = tpu.memref_slice %arg7[%dma_start3A_302, %dma_start3A_303, %dma_start3A_304, %dma_start3A_305] : memref<2x6x56x56xf32, #tpu.memory_space<vmem>> -> memref<1x1x56x56xf32, #tpu.memory_space<vmem>>
          %dma_start3A_307 = tpu.memref_squeeze %dma_start3A_306 : memref<1x1x56x56xf32, #tpu.memory_space<vmem>> -> memref<56x56xf32, #tpu.memory_space<vmem>>
          %dma_start3A_308 = arith.constant 0 : i32
          %dma_start3A_309 = arith.constant 0 : i32
          %dma_start3A_310 = tpu.memref_slice %arg4[%add3A, %dma_start3A, %dma_start3A_308, %dma_start3A_309] : memref<32x6x56x56xf32, #tpu.memory_space<hbm>> -> memref<1x1x56x56xf32, #tpu.memory_space<hbm>>
          %dma_start3A_311 = tpu.memref_squeeze %dma_start3A_310 : memref<1x1x56x56xf32, #tpu.memory_space<hbm>> -> memref<56x56xf32, #tpu.memory_space<hbm>>
          %dma_start3A_312 = arith.constant 0 : i32
          %dma_start3A_313 = arith.constant 0 : i32
          %dma_start3A_314 = tpu.memref_slice %arg7[%dma_start3A_302, %dma_start3A_303, %dma_start3A_312, %dma_start3A_313] : memref<2x6x56x56xf32, #tpu.memory_space<vmem>> -> memref<1x1x56x56xf32, #tpu.memory_space<vmem>>
          %dma_start3A_315 = tpu.memref_squeeze %dma_start3A_314 : memref<1x1x56x56xf32, #tpu.memory_space<vmem>> -> memref<56x56xf32, #tpu.memory_space<vmem>>
          %dma_start3A_316 = arith.constant 0 : i32
          %dma_start3A_317 = arith.constant 0 : i32
          %dma_start3A_318 = tpu.memref_slice %arg4[%add3A, %dma_start3A, %dma_start3A_316, %dma_start3A_317] : memref<32x6x56x56xf32, #tpu.memory_space<hbm>> -> memref<1x1x56x56xf32, #tpu.memory_space<hbm>>
          %dma_start3A_319 = tpu.memref_squeeze %dma_start3A_318 : memref<1x1x56x56xf32, #tpu.memory_space<hbm>> -> memref<56x56xf32, #tpu.memory_space<hbm>>
          tpu.enqueue_dma source(%dma_start3A_319 : memref<56x56xf32, #tpu.memory_space<hbm>>) target(%dma_start3A_315 : memref<56x56xf32, #tpu.memory_space<vmem>>) target_semaphore(%arg10 : memref<!tpu.dma_semaphore, #tpu.memory_space<semaphore_mem>>)
        } else {
        }
      } else {
      }
      %mul3A_220 = arith.constant 6 : i32
      %mul3A_221 = arith.muli %mul3A_130, %mul3A_220 : i32
      %add3A_222 = arith.addi %mul3A_32, %mul3A_221 : i32
      %convert_element_type3A_223 = arith.extui %eq3A_162 : i1 to i32
      %cond3A_224 = arith.constant 0 : i32
      %cond3A_225 = arith.cmpi ne, %convert_element_type3A_223, %cond3A_224 : i32
      scf.if %cond3A_225 {
        %add3A_231 = arith.addi %mul3A_36, %add3A_222 : i32
        %dma_start3A = arith.constant 0 : i32
        %dma_start3A_232 = arith.constant 0 : i32
        %dma_start3A_233 = tpu.memref_slice %arg5[%add3A_231, %dma_start3A, %dma_start3A_232] : memref<6144x56x56xf32, #tpu.memory_space<hbm>> -> memref<6x56x56xf32, #tpu.memory_space<hbm>>
        %dma_start3A_234 = arith.constant 0 : i32
        %dma_start3A_235 = arith.constant 0 : i32
        %dma_start3A_236 = tpu.memref_slice %arg5[%add3A_231, %dma_start3A_234, %dma_start3A_235] : memref<6144x56x56xf32, #tpu.memory_space<hbm>> -> memref<6x56x56xf32, #tpu.memory_space<hbm>>
        tpu.enqueue_dma source(%arg8 : memref<6x56x56xf32, #tpu.memory_space<vmem>>) target(%dma_start3A_236 : memref<6x56x56xf32, #tpu.memory_space<hbm>>) target_semaphore(%arg11 : memref<!tpu.dma_semaphore, #tpu.memory_space<semaphore_mem>>)
      } else {
      }
      %not3A_226 = arith.constant true
      %not3A_227 = arith.xori %eq3A_162, %not3A_226 : i1
      %convert_element_type3A_228 = arith.extui %not3A_227 : i1 to i32
      %cond3A_229 = arith.constant 0 : i32
      %cond3A_230 = arith.cmpi ne, %convert_element_type3A_228, %cond3A_229 : i32
      scf.if %cond3A_230 {
        %dma_wait3A_231 = arith.constant 0 : i32
        %dma_wait3A_232 = arith.constant 0 : i32
        %dma_wait3A_233 = arith.constant 0 : i32
        %dma_wait3A_234 = arith.constant 0 : i32
        %dma_wait3A_235 = tpu.memref_slice %arg7[%dma_wait3A_231, %dma_wait3A_232, %dma_wait3A_233, %dma_wait3A_234] : memref<2x6x56x56xf32, #tpu.memory_space<vmem>> -> memref<1x6x56x56xf32, #tpu.memory_space<vmem>>
        %dma_wait3A_236 = tpu.memref_squeeze %dma_wait3A_235 : memref<1x6x56x56xf32, #tpu.memory_space<vmem>> -> memref<6x56x56xf32, #tpu.memory_space<vmem>>
        %dma_wait3A_237 = arith.constant 0 : i32
        %dma_wait3A_238 = arith.constant 0 : i32
        %dma_wait3A_239 = arith.constant 0 : i32
        %dma_wait3A_240 = tpu.memref_slice %arg2[%dma_wait3A_237, %dma_wait3A_238, %dma_wait3A_239] : memref<3072x56x56xf32, #tpu.memory_space<hbm>> -> memref<6x56x56xf32, #tpu.memory_space<hbm>>
        %dma_wait3A_241 = arith.constant 0 : i32
        %dma_wait3A_242 = arith.constant 0 : i32
        %dma_wait3A_243 = arith.constant 0 : i32
        %dma_wait3A_244 = tpu.memref_slice %arg7[%dma_wait3A_231, %dma_wait3A_241, %dma_wait3A_242, %dma_wait3A_243] : memref<2x6x56x56xf32, #tpu.memory_space<vmem>> -> memref<1x6x56x56xf32, #tpu.memory_space<vmem>>
        %dma_wait3A_245 = tpu.memref_squeeze %dma_wait3A_244 : memref<1x6x56x56xf32, #tpu.memory_space<vmem>> -> memref<6x56x56xf32, #tpu.memory_space<vmem>>
        %dma_wait3A_246 = arith.constant 0 : i32
        %dma_wait3A_247 = arith.constant 0 : i32
        %dma_wait3A_248 = arith.constant 0 : i32
        %dma_wait3A_249 = tpu.memref_slice %arg2[%dma_wait3A_246, %dma_wait3A_247, %dma_wait3A_248] : memref<3072x56x56xf32, #tpu.memory_space<hbm>> -> memref<6x56x56xf32, #tpu.memory_space<hbm>>
        tpu.wait_dma2 semaphore(%arg9 : memref<!tpu.dma_semaphore, #tpu.memory_space<semaphore_mem>>) src(%dma_wait3A_249 : memref<6x56x56xf32, #tpu.memory_space<hbm>>) dst(%dma_wait3A_245 : memref<6x56x56xf32, #tpu.memory_space<vmem>>)
        %add3A_250 = arith.addi %mul3A_36, %add3A_222 : i32
        %dma_start3A = arith.constant 0 : i32
        %dma_start3A_251 = arith.constant 0 : i32
        %dma_start3A_252 = arith.constant 0 : i32
        %dma_start3A_253 = arith.constant 0 : i32
        %dma_start3A_254 = tpu.memref_slice %arg7[%dma_start3A, %dma_start3A_251, %dma_start3A_252, %dma_start3A_253] : memref<2x6x56x56xf32, #tpu.memory_space<vmem>> -> memref<1x6x56x56xf32, #tpu.memory_space<vmem>>
        %dma_start3A_255 = tpu.memref_squeeze %dma_start3A_254 : memref<1x6x56x56xf32, #tpu.memory_space<vmem>> -> memref<6x56x56xf32, #tpu.memory_space<vmem>>
        %dma_start3A_256 = arith.constant 0 : i32
        %dma_start3A_257 = arith.constant 0 : i32
        %dma_start3A_258 = tpu.memref_slice %arg5[%add3A_250, %dma_start3A_256, %dma_start3A_257] : memref<6144x56x56xf32, #tpu.memory_space<hbm>> -> memref<6x56x56xf32, #tpu.memory_space<hbm>>
        %dma_start3A_259 = arith.constant 0 : i32
        %dma_start3A_260 = arith.constant 0 : i32
        %dma_start3A_261 = tpu.memref_slice %arg5[%add3A_250, %dma_start3A_259, %dma_start3A_260] : memref<6144x56x56xf32, #tpu.memory_space<hbm>> -> memref<6x56x56xf32, #tpu.memory_space<hbm>>
        %dma_start3A_262 = arith.constant 0 : i32
        %dma_start3A_263 = arith.constant 0 : i32
        %dma_start3A_264 = arith.constant 0 : i32
        %dma_start3A_265 = tpu.memref_slice %arg7[%dma_start3A, %dma_start3A_262, %dma_start3A_263, %dma_start3A_264] : memref<2x6x56x56xf32, #tpu.memory_space<vmem>> -> memref<1x6x56x56xf32, #tpu.memory_space<vmem>>
        %dma_start3A_266 = tpu.memref_squeeze %dma_start3A_265 : memref<1x6x56x56xf32, #tpu.memory_space<vmem>> -> memref<6x56x56xf32, #tpu.memory_space<vmem>>
        tpu.enqueue_dma source(%dma_start3A_266 : memref<6x56x56xf32, #tpu.memory_space<vmem>>) target(%dma_start3A_261 : memref<6x56x56xf32, #tpu.memory_space<hbm>>) target_semaphore(%arg11 : memref<!tpu.dma_semaphore, #tpu.memory_space<semaphore_mem>>)
      } else {
      }
      scf.yield %eq3A_214 : i1
    }
    %scan3A_79 = arith.constant 15 : i32
    %add3A_80 = arith.constant 186 : i32
    %add3A_81 = arith.addi %mul3A_32, %add3A_80 : i32
    %convert_element_type3A_82 = arith.extui %scan3A_78 : i1 to i32
    %cond3A_83 = arith.constant 0 : i32
    %cond3A_84 = arith.cmpi ne, %convert_element_type3A_82, %cond3A_83 : i32
    scf.if %cond3A_84 {
      %add3A_127 = arith.addi %mul3A_36, %add3A_81 : i32
      %dma_start3A = arith.constant 0 : i32
      %dma_start3A_128 = arith.constant 0 : i32
      %dma_start3A_129 = tpu.memref_slice %arg5[%add3A_127, %dma_start3A, %dma_start3A_128] : memref<6144x56x56xf32, #tpu.memory_space<hbm>> -> memref<6x56x56xf32, #tpu.memory_space<hbm>>
      %dma_start3A_130 = arith.constant 0 : i32
      %dma_start3A_131 = arith.constant 0 : i32
      %dma_start3A_132 = tpu.memref_slice %arg5[%add3A_127, %dma_start3A_130, %dma_start3A_131] : memref<6144x56x56xf32, #tpu.memory_space<hbm>> -> memref<6x56x56xf32, #tpu.memory_space<hbm>>
      tpu.enqueue_dma source(%arg8 : memref<6x56x56xf32, #tpu.memory_space<vmem>>) target(%dma_start3A_132 : memref<6x56x56xf32, #tpu.memory_space<hbm>>) target_semaphore(%arg12 : memref<!tpu.dma_semaphore, #tpu.memory_space<semaphore_mem>>)
    } else {
    }
    %not3A_85 = arith.constant true
    %not3A_86 = arith.xori %scan3A_78, %not3A_85 : i1
    %convert_element_type3A_87 = arith.extui %not3A_86 : i1 to i32
    %cond3A_88 = arith.constant 0 : i32
    %cond3A_89 = arith.cmpi ne, %convert_element_type3A_87, %cond3A_88 : i32
    scf.if %cond3A_89 {
      %dma_wait3A_127 = arith.constant 0 : i32
      %dma_wait3A_128 = arith.constant 0 : i32
      %dma_wait3A_129 = arith.constant 0 : i32
      %dma_wait3A_130 = arith.constant 0 : i32
      %dma_wait3A_131 = tpu.memref_slice %arg7[%dma_wait3A_127, %dma_wait3A_128, %dma_wait3A_129, %dma_wait3A_130] : memref<2x6x56x56xf32, #tpu.memory_space<vmem>> -> memref<1x6x56x56xf32, #tpu.memory_space<vmem>>
      %dma_wait3A_132 = tpu.memref_squeeze %dma_wait3A_131 : memref<1x6x56x56xf32, #tpu.memory_space<vmem>> -> memref<6x56x56xf32, #tpu.memory_space<vmem>>
      %dma_wait3A_133 = arith.constant 0 : i32
      %dma_wait3A_134 = arith.constant 0 : i32
      %dma_wait3A_135 = arith.constant 0 : i32
      %dma_wait3A_136 = tpu.memref_slice %arg2[%dma_wait3A_133, %dma_wait3A_134, %dma_wait3A_135] : memref<3072x56x56xf32, #tpu.memory_space<hbm>> -> memref<6x56x56xf32, #tpu.memory_space<hbm>>
      %dma_wait3A_137 = arith.constant 0 : i32
      %dma_wait3A_138 = arith.constant 0 : i32
      %dma_wait3A_139 = arith.constant 0 : i32
      %dma_wait3A_140 = tpu.memref_slice %arg7[%dma_wait3A_127, %dma_wait3A_137, %dma_wait3A_138, %dma_wait3A_139] : memref<2x6x56x56xf32, #tpu.memory_space<vmem>> -> memref<1x6x56x56xf32, #tpu.memory_space<vmem>>
      %dma_wait3A_141 = tpu.memref_squeeze %dma_wait3A_140 : memref<1x6x56x56xf32, #tpu.memory_space<vmem>> -> memref<6x56x56xf32, #tpu.memory_space<vmem>>
      %dma_wait3A_142 = arith.constant 0 : i32
      %dma_wait3A_143 = arith.constant 0 : i32
      %dma_wait3A_144 = arith.constant 0 : i32
      %dma_wait3A_145 = tpu.memref_slice %arg2[%dma_wait3A_142, %dma_wait3A_143, %dma_wait3A_144] : memref<3072x56x56xf32, #tpu.memory_space<hbm>> -> memref<6x56x56xf32, #tpu.memory_space<hbm>>
      tpu.wait_dma2 semaphore(%arg10 : memref<!tpu.dma_semaphore, #tpu.memory_space<semaphore_mem>>) src(%dma_wait3A_145 : memref<6x56x56xf32, #tpu.memory_space<hbm>>) dst(%dma_wait3A_141 : memref<6x56x56xf32, #tpu.memory_space<vmem>>)
      %add3A_146 = arith.addi %mul3A_36, %add3A_81 : i32
      %dma_start3A = arith.constant 1 : i32
      %dma_start3A_147 = arith.constant 0 : i32
      %dma_start3A_148 = arith.constant 0 : i32
      %dma_start3A_149 = arith.constant 0 : i32
      %dma_start3A_150 = tpu.memref_slice %arg7[%dma_start3A, %dma_start3A_147, %dma_start3A_148, %dma_start3A_149] : memref<2x6x56x56xf32, #tpu.memory_space<vmem>> -> memref<1x6x56x56xf32, #tpu.memory_space<vmem>>
      %dma_start3A_151 = tpu.memref_squeeze %dma_start3A_150 : memref<1x6x56x56xf32, #tpu.memory_space<vmem>> -> memref<6x56x56xf32, #tpu.memory_space<vmem>>
      %dma_start3A_152 = arith.constant 0 : i32
      %dma_start3A_153 = arith.constant 0 : i32
      %dma_start3A_154 = tpu.memref_slice %arg5[%add3A_146, %dma_start3A_152, %dma_start3A_153] : memref<6144x56x56xf32, #tpu.memory_space<hbm>> -> memref<6x56x56xf32, #tpu.memory_space<hbm>>
      %dma_start3A_155 = arith.constant 0 : i32
      %dma_start3A_156 = arith.constant 0 : i32
      %dma_start3A_157 = tpu.memref_slice %arg5[%add3A_146, %dma_start3A_155, %dma_start3A_156] : memref<6144x56x56xf32, #tpu.memory_space<hbm>> -> memref<6x56x56xf32, #tpu.memory_space<hbm>>
      %dma_start3A_158 = arith.constant 0 : i32
      %dma_start3A_159 = arith.constant 0 : i32
      %dma_start3A_160 = arith.constant 0 : i32
      %dma_start3A_161 = tpu.memref_slice %arg7[%dma_start3A, %dma_start3A_158, %dma_start3A_159, %dma_start3A_160] : memref<2x6x56x56xf32, #tpu.memory_space<vmem>> -> memref<1x6x56x56xf32, #tpu.memory_space<vmem>>
      %dma_start3A_162 = tpu.memref_squeeze %dma_start3A_161 : memref<1x6x56x56xf32, #tpu.memory_space<vmem>> -> memref<6x56x56xf32, #tpu.memory_space<vmem>>
      tpu.enqueue_dma source(%dma_start3A_162 : memref<6x56x56xf32, #tpu.memory_space<vmem>>) target(%dma_start3A_157 : memref<6x56x56xf32, #tpu.memory_space<hbm>>) target_semaphore(%arg12 : memref<!tpu.dma_semaphore, #tpu.memory_space<semaphore_mem>>)
    } else {
    }
    %dma_wait3A = arith.constant 0 : i32
    %dma_wait3A_90 = arith.constant 0 : i32
    %dma_wait3A_91 = arith.constant 0 : i32
    %dma_wait3A_92 = arith.constant 0 : i32
    %dma_wait3A_93 = tpu.memref_slice %arg7[%dma_wait3A, %dma_wait3A_90, %dma_wait3A_91, %dma_wait3A_92] : memref<2x6x56x56xf32, #tpu.memory_space<vmem>> -> memref<1x6x56x56xf32, #tpu.memory_space<vmem>>
    %dma_wait3A_94 = tpu.memref_squeeze %dma_wait3A_93 : memref<1x6x56x56xf32, #tpu.memory_space<vmem>> -> memref<6x56x56xf32, #tpu.memory_space<vmem>>
    %dma_wait3A_95 = arith.constant 0 : i32
    %dma_wait3A_96 = arith.constant 0 : i32
    %dma_wait3A_97 = arith.constant 0 : i32
    %dma_wait3A_98 = tpu.memref_slice %arg2[%dma_wait3A_95, %dma_wait3A_96, %dma_wait3A_97] : memref<3072x56x56xf32, #tpu.memory_space<hbm>> -> memref<6x56x56xf32, #tpu.memory_space<hbm>>
    %dma_wait3A_99 = arith.constant 0 : i32
    %dma_wait3A_100 = arith.constant 0 : i32
    %dma_wait3A_101 = arith.constant 0 : i32
    %dma_wait3A_102 = tpu.memref_slice %arg7[%dma_wait3A, %dma_wait3A_99, %dma_wait3A_100, %dma_wait3A_101] : memref<2x6x56x56xf32, #tpu.memory_space<vmem>> -> memref<1x6x56x56xf32, #tpu.memory_space<vmem>>
    %dma_wait3A_103 = tpu.memref_squeeze %dma_wait3A_102 : memref<1x6x56x56xf32, #tpu.memory_space<vmem>> -> memref<6x56x56xf32, #tpu.memory_space<vmem>>
    %dma_wait3A_104 = arith.constant 0 : i32
    %dma_wait3A_105 = arith.constant 0 : i32
    %dma_wait3A_106 = arith.constant 0 : i32
    %dma_wait3A_107 = tpu.memref_slice %arg2[%dma_wait3A_104, %dma_wait3A_105, %dma_wait3A_106] : memref<3072x56x56xf32, #tpu.memory_space<hbm>> -> memref<6x56x56xf32, #tpu.memory_space<hbm>>
    tpu.wait_dma2 semaphore(%arg11 : memref<!tpu.dma_semaphore, #tpu.memory_space<semaphore_mem>>) src(%dma_wait3A_107 : memref<6x56x56xf32, #tpu.memory_space<hbm>>) dst(%dma_wait3A_103 : memref<6x56x56xf32, #tpu.memory_space<vmem>>)
    %dma_wait3A_108 = arith.constant 0 : i32
    %dma_wait3A_109 = arith.constant 0 : i32
    %dma_wait3A_110 = arith.constant 0 : i32
    %dma_wait3A_111 = arith.constant 0 : i32
    %dma_wait3A_112 = tpu.memref_slice %arg7[%dma_wait3A_108, %dma_wait3A_109, %dma_wait3A_110, %dma_wait3A_111] : memref<2x6x56x56xf32, #tpu.memory_space<vmem>> -> memref<1x6x56x56xf32, #tpu.memory_space<vmem>>
    %dma_wait3A_113 = tpu.memref_squeeze %dma_wait3A_112 : memref<1x6x56x56xf32, #tpu.memory_space<vmem>> -> memref<6x56x56xf32, #tpu.memory_space<vmem>>
    %dma_wait3A_114 = arith.constant 0 : i32
    %dma_wait3A_115 = arith.constant 0 : i32
    %dma_wait3A_116 = arith.constant 0 : i32
    %dma_wait3A_117 = tpu.memref_slice %arg2[%dma_wait3A_114, %dma_wait3A_115, %dma_wait3A_116] : memref<3072x56x56xf32, #tpu.memory_space<hbm>> -> memref<6x56x56xf32, #tpu.memory_space<hbm>>
    %dma_wait3A_118 = arith.constant 0 : i32
    %dma_wait3A_119 = arith.constant 0 : i32
    %dma_wait3A_120 = arith.constant 0 : i32
    %dma_wait3A_121 = tpu.memref_slice %arg7[%dma_wait3A_108, %dma_wait3A_118, %dma_wait3A_119, %dma_wait3A_120] : memref<2x6x56x56xf32, #tpu.memory_space<vmem>> -> memref<1x6x56x56xf32, #tpu.memory_space<vmem>>
    %dma_wait3A_122 = tpu.memref_squeeze %dma_wait3A_121 : memref<1x6x56x56xf32, #tpu.memory_space<vmem>> -> memref<6x56x56xf32, #tpu.memory_space<vmem>>
    %dma_wait3A_123 = arith.constant 0 : i32
    %dma_wait3A_124 = arith.constant 0 : i32
    %dma_wait3A_125 = arith.constant 0 : i32
    %dma_wait3A_126 = tpu.memref_slice %arg2[%dma_wait3A_123, %dma_wait3A_124, %dma_wait3A_125] : memref<3072x56x56xf32, #tpu.memory_space<hbm>> -> memref<6x56x56xf32, #tpu.memory_space<hbm>>
    tpu.wait_dma2 semaphore(%arg12 : memref<!tpu.dma_semaphore, #tpu.memory_space<semaphore_mem>>) src(%dma_wait3A_126 : memref<6x56x56xf32, #tpu.memory_space<hbm>>) dst(%dma_wait3A_122 : memref<6x56x56xf32, #tpu.memory_space<vmem>>)
    return
  }
}

</mosaic_0001>

<sc_bundles>
// kernel: kernel.3.cloned.1.call-start
scs
__scs_entry_jumppad:
0x0: {  	(pc) =	sbr.rel $0x88, $3  }
0x1: {  	(tag) =	ssettag $0x0;
	lr =	simm.s32 $0x1  }
0x2: {  	[smem:$0x3F9F] =	sst lr;
	_ =	strace $0xD0000000  }
0x3: {  	_ = 	snop  }
0x4: {  	_ = 	snop  }
0x5: {  	_ = 	snop  }
0x6: {  	_ = 	snop  }
0x7: {  	_ = 	snop  }
__scs_overlays_trampoline_lowered:
0x8: {  	[smem:$0x3FAE] =	sst s0  }
0x9: {  	[smem:$0x3FAF] =	sst s1  }
0xa: {  	[smem:$0x3FB0] =	sst s2  }
0xb: {  	[smem:$0x3FB1] =	sst s3  }
0xc: {  	[smem:$0x3FB2] =	sst s4  }
0xd: {  	[smem:$0x3FB3] =	sst s5  }
0xe: {  	[smem:$0x3FB4] =	sst s6  }
0xf: {  	[smem:$0x3FB5] =	sst s7  }
0x10: {  	[smem:$0x3FB6] =	sst s8  }
0x11: {  	[smem:$0x3FB7] =	sst s9;
	s0 =	simm.s32 @!p0 $0x0  }
0x12: {  	s1 =	sld [smem:$0x3F9D];
	s0 =	simm.s32 @p0 $0x1  }
0x13: {  	[smem:$0x3FB8] =	sst s0;
	s0 =	simm.s32 @!p1 $0x0  }
0x14: {  	s2 =	sld [smem:$0x3F9C];
	s0 =	simm.s32 @p1 $0x1  }
0x15: {  	[smem:$0x3FB9] =	sst s0;
	s0 =	simm.s32 @!p2 $0x0  }
0x16: {  	s3 =	sld [smem:$0x3FDB];
	s0 =	simm.s32 @p2 $0x1  }
0x17: {  	s4 =	simm.s32 $0x1BF5;
	[smem:$0x3FBB] =	sst s0  }
0x18: {  	s0 =	sld [smem:$0x3F9E];
	_ =	swait.ge [sflag:s4], $0x0  }
0x19: {  	s7 =	sld [smem:$0x3F9F]  }
0x1a: {  	s8 =	sadd.s32 $0xFFFFE003, lr  }
0x1b: {  	s9 =	sadd.s32 $0xFFFFFEF7, lr;
	s5 =	simm.s32 $0xFFFFFFFF;
	p2 =	slt.u32 s8, $0xFFFFF086  }
0x1c: {  	p1 =	slt.u32 s9, $0xF7A;
	s5 =	simm.s32 @!p2 $0x0  }
0x1d: {  	s5 =	simm.s32 @p1 $0x1;
	p0 =	seq.s32 s7, s2  }
0x1e: {  	s7 =	smul.u32 @!p0 $0xF7A, s2;
	p2 =	seq.s32 @!p0 s5, $0x0  }
0x1f: {  	s9 =	smul.u32 $0xF7A, s1;
	s8 =	simm.s32 @!p0 $0x1BF5;
	p2 =	por !p2, p0  }
0x20: {  	[sflag:s8] =	ssyncset.s32 @!p0 $0xFFFFF086;
	s6 =	sadd.s32 @!p0 s3, s7;
	s7 =	simm.s32 @!p0 $0x108  }
0x21: {  	s3 =	sadd.s32 s3, s9;
	s6 =	sadd.s32 @!p0 $0x88, s6;
	s7 =	simm.s32 @p2 $0x1082  }
0x22: {  	[simem:s7], [sflag:s8] =	dma.local @!p0 [hbm:s6], $0xF7A  }
0x23: {  	s9 =	sor.u32 $0xD0000000, s2;
	s6 =	simm.s32 $0x108;
	_ =	swait.ge @!p0 [sflag:s8], $0x0  }
0x24: {  	s3 =	sadd.s32 $0x88, s3;
	s6 =	simm.s32 @!p1 $0x1082;
	[sflag:s4] =	ssyncset.s32 $0xFFFFF086  }
0x25: {  	[simem:s6], [sflag:s4] =	dma.local [hbm:s3], $0xF7A  }
0x26: {  	[smem:$0x3F9F] =	sst s1;
	(tag) =	ssettag s2;
	_ =	strace s9  }
0x27: {  	s1 =	sld [smem:$0x3FAF]  }
0x28: {  	s2 =	sld [smem:$0x3FB0]  }
0x29: {  	s4 =	sld [smem:$0x3FB2]  }
0x2a: {  	p0 =	seq.s32 s5, $0x0;
	s5 =	sld [smem:$0x3FB3]  }
0x2b: {  	s6 =	sld [smem:$0x3FB4]  }
0x2c: {  	s7 =	sld [smem:$0x3FB5]  }
0x2d: {  	s3 =	simm.s32 $0x108;
	s8 =	sld [smem:$0x3FB6]  }
0x2e: {  	s3 =	simm.s32 @!p0 $0x1082;
	s9 =	sld [smem:$0x3FB7]  }
0x2f: {  	lr =	sadd.s32 s0, s3;
	s0 =	sld [smem:$0x3FAE]  }
0x30: {  	s3 =	sld [smem:$0x3FB1]  }
0x31: {  	[smem:$0x3FBA] =	sst s10  }
0x32: {  	s10 =	sld [smem:$0x3FB8];
	_ =	sdelay $0x3  }
0x33: {  	p0 =	seq.s32 s10, $0x1;
	s10 =	sld [smem:$0x3FBA];
	_ =	sdelay $0x3  }
0x34: {  	[smem:$0x3FBA] =	sst s10  }
0x35: {  	s10 =	sld [smem:$0x3FB9];
	_ =	sdelay $0x3  }
0x36: {  	p1 =	seq.s32 s10, $0x1;
	s10 =	sld [smem:$0x3FBA];
	_ =	sdelay $0x3  }
0x37: {  	[smem:$0x3FBA] =	sst s10  }
0x38: {  	s10 =	sld [smem:$0x3FBB]  }
0x39: {  	_ = 	snop;
	(pc) =	sbr.ind lr, $3  }
0x3a: {  	_ = 	snop  }
0x3b: {  	_ = 	snop  }
0x3c: {  	p2 =	seq.s32 s10, $0x1;
	s10 =	sld [smem:$0x3FBA]  }
0x3d: {  	_ =	shalt  }
0x3e: {  	_ =	shalt  }
0x3f: {  	_ =	shalt  }
0x40: {  	_ =	shalt  }
0x41: {  	_ =	shalt  }
0x42: {  	_ =	shalt  }
0x43: {  	_ =	shalt  }
0x44: {  	_ =	shalt  }
0x45: {  	_ =	shalt  }
0x46: {  	_ =	shalt  }
0x47: {  	_ =	shalt  }
0x48: {  	_ =	shalt  }
0x49: {  	_ =	shalt  }
0x4a: {  	_ =	shalt  }
0x4b: {  	_ =	shalt  }
0x4c: {  	_ =	shalt  }
0x4d: {  	_ =	shalt  }
0x4e: {  	_ =	shalt  }
0x4f: {  	_ =	shalt  }
0x50: {  	_ =	shalt  }
0x51: {  	_ =	shalt  }
0x52: {  	_ =	shalt  }
0x53: {  	_ =	shalt  }
0x54: {  	_ =	shalt  }
0x55: {  	_ =	shalt  }
0x56: {  	_ =	shalt  }
0x57: {  	_ =	shalt  }
0x58: {  	_ =	shalt  }
0x59: {  	_ =	shalt  }
0x5a: {  	_ =	shalt  }
0x5b: {  	_ =	shalt  }
0x5c: {  	_ =	shalt  }
0x5d: {  	_ =	shalt  }
0x5e: {  	_ =	shalt  }
0x5f: {  	_ =	shalt  }
0x60: {  	_ =	shalt  }
0x61: {  	_ =	shalt  }
0x62: {  	_ =	shalt  }
0x63: {  	_ =	shalt  }
0x64: {  	_ =	shalt  }
0x65: {  	_ =	shalt  }
0x66: {  	_ =	shalt  }
0x67: {  	_ =	shalt  }
0x68: {  	_ =	shalt  }
0x69: {  	_ =	shalt  }
0x6a: {  	_ =	shalt  }
0x6b: {  	_ =	shalt  }
0x6c: {  	_ =	shalt  }
0x6d: {  	_ =	shalt  }
0x6e: {  	_ =	shalt  }
0x6f: {  	_ =	shalt  }
0x70: {  	_ =	shalt  }
0x71: {  	_ =	shalt  }
0x72: {  	_ =	shalt  }
0x73: {  	_ =	shalt  }
0x74: {  	_ =	shalt  }
0x75: {  	_ =	shalt  }
0x76: {  	_ =	shalt  }
0x77: {  	_ =	shalt  }
0x78: {  	_ =	shalt  }
0x79: {  	_ =	shalt  }
0x7a: {  	_ =	shalt  }
0x7b: {  	_ =	shalt  }
0x7c: {  	_ =	shalt  }
0x7d: {  	_ =	shalt  }
0x7e: {  	_ =	shalt  }
0x7f: {  	_ =	shalt  }
0x80: {  	_ =	shalt  }
0x81: {  	_ =	shalt  }
0x82: {  	_ =	shalt  }
0x83: {  	_ =	shalt  }
0x84: {  	_ =	shalt  }
0x85: {  	_ =	shalt  }
0x86: {  	_ =	shalt  }
0x87: {  	_ =	shalt  }
.Lfunc_end0:
.L_simem_size_0:
called_computation.1_lowered:
.L_overlay_start_0:
0x88: {  	s2 =	sld [smem:$0x3FD9]  }
0x89: {  	s3 =	sld [smem:$0x3FFE];
	_ =	sdelay $0x1  }
0x8a: {  	s1 =	srdreg.scid  }
0x8b: {  	s0 =	sand.u32 $0x1, s1  }
0x8c: {  	s17 =	sshll.u32 s0, $0xA;
	s2 =	sadd.s32 s3, s2  }
0x8d: {  	s2 =	sadd.s32 s2, s17  }
0x8e: {  	[smem:$0x3FC6] =	sst s2  }
0x8f: {  	_ = 	snop  }
0x90: {  	s2 =	sld [smem:$0x3FC8]  }
0x91: {  	s18 =	sld [smem:$0x3FD0];
	(tm) =	ssettm $0x1  }
0x92: {  	s4 =	sld [smem:$0x3FFB];
	_ =	sdelay $0x3  }
0x93: {  	_ =	strace s4  }
0x94: {  	s4 =	sld [smem:$0x3FFC];
	_ =	sdelay $0x3  }
0x95: {  	_ =	strace s4  }
0x96: {  	s4 =	sld [smem:$0x3FFD];
	_ =	sdelay $0x3  }
0x97: {  	_ =	strace s4  }
0x98: {  	_ =	strace $0x8FFFFFFF  }
0x99: {  	s19 =	sld [smem:$0x3FDB];
	_ =	sdelay $0x1  }
0x9a: {  	s5 =	simm.s32 $_scs_section_size  }
0x9b: {  	s6 =	simm.s32 $_size__tile_overlayer_lowered;
	s7 =	simm.s32 $_tile_overlayer_lowered  }
0x9c: {  	s22 =	simm.s32 $0x1BFF;
	s21 =	sshll.u32 s7, $0x1;
	s4 =	sadd.s32 s5, s19  }
0x9d: {  	s8 =	simm.s32 $0x0;
	s20 =	sshll.u32 s6, $0x1;
	s6 =	sadd.s32 s21, s4  }
0x9e: {  	[timem:s8], [sflag:s22] =	dma.local [hbm:s6], s20  }
0x9f: {  	_ =	swait.ge [sflag:s22], s20  }
0xa0: {  	s5 =	ssub.s32 $0x0, s20;
	[sflag:s22] =	ssyncset.done $0x0  }
0xa1: {  	[sflag:s22] =	ssyncadd.s32 s5;
	_ =	sdelay $0x1  }
0xa2: {  	s23 =	simm.s32 $0x1B8B  }
0xa3: {  	_ =	swait.ge [sflag:s23], $0x1  }
0xa4: {  	[sflag:s23] =	ssyncset.done $0x0  }
0xa5: {  	s25 =	simm.s32 $0x1B8E;
	s24 =	sld [smem:$0x3FFE];
	[sflag:s23] =	ssyncadd.s32 $0xFFFFFFFF  }
0xa6: {  	s26 =	simm.s32 $execute0_lowered;
	[smem:$0x3FD2] =	sst s25  }
0xa7: {  	s6 =	sshll.u32 s26, $0x1;
	_ =	strace $0x80000046;
	[dreg:$0x1] =	wrdreg $0xFFFFFFFF  }
0xa8: {  	s28 =	simm.s32 $_size_execute0_lowered;
	s4 =	sadd.s32 s4, s6;
	[dreg:$0x0] =	wrdreg $0x0  }
0xa9: {  	s6 =	sshll.u32 s28, $0x1;
	[dreg:$0x2] =	wrdreg s4  }
0xaa: {  	[dreg:$0x3] =	wrdreg s6  }
0xab: {  	[dreg:$0x4] =	wrdreg $0xC0  }
0xac: {  	_ =	task [dreg:s8], $0x5FFFF  }
0xad: {  	[dreg:$0x1] =	wrdreg $0xFFFFFFFF  }
0xae: {  	[dreg:$0x0] =	wrdreg $0x60  }
0xaf: {  	[dreg:$0x2] =	wrdreg s24  }
0xb0: {  	[dreg:$0x3] =	wrdreg s2  }
0xb1: {  	[dreg:$0x4] =	wrdreg s18  }
0xb2: {  	[dreg:$0x5] =	wrdreg $0x9  }
0xb3: {  	_ =	task.clear_ibuf [dreg:s8], $0x6FFFF;
	_ =	strace $0x90000046  }
0xb4: {  	s29 =	simm.s32 $0x9;
	_ =	strace $0x80000048  }
0xb5: {  	_ =	swait.ge [sflag:s29], $0x1  }
0xb6: {  	[sflag:s29] =	ssyncadd.s32 $0xFFFFFFFF  }
0xb7: {  	_ =	strace $0x90000048  }
0xb8: {  	_ =	sfence  }
0xb9: {  	s30 =	sld [smem:$0x0];
	_ =	sdelay $0x2  }
0xba: {  	s31 =	sshll.u32 s1, $0xD;
	s1 =	sshrl.u32 s1, $0x2  }
0xbb: {  	s3 =	sand.u32 $0x4000, s31;
	s1 =	sadd.s32 s1, s30  }
0xbc: {  	s0 =	sor.u32 s3, s0;
	s1 =	sshll.u32 s1, $0x11  }
0xbd: {  	s0 =	sor.u32 s1, s0  }
0xbe: {  	s0 =	sadd.s32 $0x8F2B, s0  }
0xbf: {  	[sflag:s0] =	ssyncadd.remote.s32 $0x1  }
0xc0: {  	_ =	sfence.sel $0xFFFF  }
0xc1: {  	[dreg:$0x0] =	wrdreg $0xFFFFFFFF;
	(pc) =	sbr.abs _section_cstart, $3  }
0xc2: {  	[dreg:$0x1] =	wrdreg $0xFFFFFFFF  }
0xc3: {  	_ =	task.clear_ibuf [dreg:s8], $0x2FFFF;
	_ =	strace $0x9FFFFFFF  }
0xc4: {  	(tm) =	ssettm $0x7FFFFFFF  }
0xc5: {  	_ =	shalt  }
tec
execute0_lowered:
.L_overlay_start_1:
0x0: {  	(tag) =	ssettag $0x1  }
0x1: {  	s4 =	rddreg [dreg:$0x0]  }
0x2: {  	s6 =	rddreg [dreg:$0x1]  }
0x3: {  	s7 =	rddreg [dreg:$0x2];
	s1 =	srdreg.scid  }
0x4: {  	s2 =	simm.s32 $0x0;
	s0 =	stileid.u32;
	s9 =	simm.s32 $0x1  }
0x5: {  	s13 =	simm.s32 $0xC0;
	s19 =	simm.s32 $0x4;
	s5 =	sand.u32 $0x1, s1  }
0x6: {  	[smem:$0x7FF] =	sst s2;
	s24 =	sand.u32 $0x1, s0;
	s3 =	sshll.u32 s5, $0x4  }
0x7: {  	_ =	strace $0x80000047;
	p1 =	seq.s32 s24, $0x1;
	s8 =	sor.u32 s0, s3  }
0x8: {  	s5 =	ssub.s32 $0x2, s5;
	s3 =	sadd.s32 $0x800, s4;
	p0 =	seq.s32 s8, $0x0  }
0x9: {  	s4 =	sadd.s32 $0x2A0800, s4;
	s10 =	sshrl.u32 s5, $0x1;
	p0 =	por !p0, !p1  }
0xa: {  	s13 =	simm.s32 @!p1 $0x0;
	s11 =	sshrl.u32 s8, $0x1;
	p0 =	por !p0, !p0  }
0xb: {  	s8 =	smul.u32 $0xA800, s8;
	s26 =	sshrl.u32 s13, $0x3;
	s9 =	simm.s32 @!p0 $0x0  }
0xc: {  	s25 =	ssub.s32 s5, s10;
	s28 =	sadd.s32 s6, s26;
	s12 =	ssub.s32 s11, s9  }
0xd: {  	s0 =	smax.u32 s25, $0x1;
	[dreg:$0x5] =	wrdreg s28;
	s9 =	smul.u32 $0x180, s12  }
0xe: {  	s18 =	smul.u32 $0x1C00, s13;
	s8 =	sshrl.u32 s8, $0x3;
	[dreg:$0x8] =	wrdreg s0  }
0xf: {  	s20 =	sadd.s32 s7, s8;
	s16 =	smul.u32 $0x2A0000, s12;
	s29 =	sadd.s32 s13, s9  }
0x10: {  	s8 =	sadd.s32 $0x380, s20;
	s10 =	sadd.s32 $0xA80, s20;
	s14 =	smul.u32 $0x1C00, s29  }
0x11: {  	s11 =	sadd.s32 $0xE00, s20;
	s5 =	smul.u32 $0xC0, s12;
	s12 =	sadd.s32 $0x1180, s20  }
0x12: {  	s16 =	sadd.s32 s18, s16;
	s17 =	sshrl.u32 s14, $0x3;
	s14 =	sadd.s32 $0x145800, s14  }
0x13: {  	[dreg:$0x4] =	wrdreg s16;
	s30 =	sadd.s32 s4, s17;
	s14 =	sshrl.u32 s14, $0x3  }
0x14: {  	s9 =	sadd.s32 $0x700, s20;
	[dreg:$0x6] =	wrdreg s30;
	s31 =	sadd.s32 s4, s14  }
0x15: {  	vm0 =	vmmov $0x3f;
	s18 =	simm.s32 $0x3;
	s16 =	simm.s32 $0x0;
	[dreg:$0x7] =	wrdreg s31  }
.LBB2_1:
0x16: {  	s0 =	rddreg [dreg:$0x5];
	s13 =	simm.s32 $0x5  }
0x17: {  	[tilespmem:s2], [sflag:$0x5] =	stream.linear.gather [hbm4b:s0+s2], $0xC0, $0x38;
	[tilespmem:$0x1F900] =	vst v63  }
0x18: {  	_ =	swait.ge [sflag:s13], $0xC0  }
0x19: {  	[sflag:s13] =	ssyncset.done $0x0  }
0x1a: {  	s1 =	simm.s32 $0x15100;
	[sflag:s13] =	ssyncadd.s32 $0xFFFFFF40  }
0x1b: {  	[tilespmem:s1], [sflag:$0x5] =	stream.linear.gather [hbm4b:s20+s2], $0xA800, $0x38;
	[tilespmem:$0x1F900] =	vst v63  }
0x1c: {  	_ =	swait.ge [sflag:s13], $0xA800  }
0x1d: {  	[sflag:s13] =	ssyncset.done $0x0  }
0x1e: {  	[sflag:s13] =	ssyncadd.s32 $0xFFFF5800  }
0x1f: {  	v0 =	vld [tilespmem:$0x0];
	_ =	sdelay $0x4  }
0x20: {  	vm1 =	vlt.s32 v0, $0xC0  }
0x21: {  	vm1 =	vmand vm1, vm0  }
0x22: {  	v1 =	vmpcnt.ones.xlane vm1;
	_ =	sdelay $0x1  }
0x23: {  	(v2sf) =	vpush v1, $0x0;
	_ =	sdelay $0xe  }
0x24: {  	s21 =	spop (v2sf)  }
0x25: {  	p0 =	seq.s32 s21, $0x0  }
0x26: {  	(v2sf) =	vpush @!p0 v0, $0x0;
	_ =	sdelay $0x6  }
0x27: {  	(v2sf) =	vpush @!p0 v0, $0x1;
	_ =	sdelay $0x3  }
0x28: {  	(v2sf) =	vpush @!p0 v0, $0x2;
	_ =	sdelay $0x3  }
0x29: {  	s21 =	spop @!p0 (v2sf);
	(v2sf) =	vpush @!p0 v0, $0x3;
	_ =	sdelay $0x1  }
0x2a: {  	p1 =	sgt.s32 @!p0 s21, $0xBF  }
0x2b: {  	p2 =	por p1, p0  }
0x2c: {  	(v2sf) =	vpush @!p0 v0, $0x4;
	s21 =	sadd.s32 @!p2 s5, s21  }
0x2d: {  	s21 =	smul.u32 @!p2 $0x1C00, s21  }
0x2e: {  	s22 =	smov.u32 s20  }
0x2f: {  	s25 =	simm.s32 @!p0 $0x0;
	s23 =	spop @!p0 (v2sf);
	s21 =	sshrl.u32 @!p2 s21, $0x3  }
0x30: {  	p1 =	por !p1, p0;
	s24 =	sadd.s32 @!p0 s5, s23;
	(v2sf) =	vpush @!p0 v0, $0x5;
	s21 =	sadd.s32 @!p2 s3, s21  }
0x31: {  	s24 =	smul.u32 @!p0 $0x1C00, s24;
	s22 =	smov.u32 @p1 s21;
	s21 =	simm.s32 @!p0 $0x100  }
0x32: {  	[tilespmem:s21], [sflag:$0x1] =	stream.linear.gather @!p0 [hbm4b:s22+s25], $0x1C00, $0x38;
	[tilespmem:$0x1F900] =	vst v63  }
0x33: {  	p1 =	slt.s32 @!p0 s23, $0xC0;
	s23 =	spop @!p0 (v2sf);
	s22 =	sshrl.u32 @!p0 s24, $0x3  }
0x34: {  	p1 =	por !p1, p0;
	s24 =	sadd.s32 @!p0 s5, s23;
	s22 =	sadd.s32 @!p0 s3, s22  }
0x35: {  	s26 =	simm.s32 @!p0 $0x1D00;
	s24 =	smul.u32 @!p0 $0x1C00, s24;
	s22 =	smov.u32 @p1 s8  }
0x36: {  	[tilespmem:s26], [sflag:$0x1] =	stream.linear.gather @!p0 [hbm4b:s22+s25], $0x1C00, $0x38;
	[tilespmem:$0x1F900] =	vst v63  }
0x37: {  	p1 =	slt.s32 @!p0 s23, $0xC0;
	s22 =	sshrl.u32 @!p0 s24, $0x3;
	s23 =	spop @!p0 (v2sf)  }
0x38: {  	p1 =	por !p1, p0;
	s22 =	sadd.s32 @!p0 s3, s22;
	s24 =	sadd.s32 @!p0 s5, s23  }
0x39: {  	s26 =	simm.s32 @!p0 $0x3900;
	s22 =	smov.u32 @p1 s9;
	s24 =	smul.u32 @!p0 $0x1C00, s24  }
0x3a: {  	[tilespmem:s26], [sflag:$0x1] =	stream.linear.gather @!p0 [hbm4b:s22+s25], $0x1C00, $0x38;
	[tilespmem:$0x1F900] =	vst v63  }
0x3b: {  	p1 =	slt.s32 @!p0 s23, $0xC0;
	s23 =	spop @!p0 (v2sf);
	s22 =	sshrl.u32 @!p0 s24, $0x3  }
0x3c: {  	p1 =	por !p1, p0;
	s24 =	sadd.s32 @!p0 s5, s23;
	s22 =	sadd.s32 @!p0 s3, s22  }
0x3d: {  	s26 =	simm.s32 @!p0 $0x5500;
	s24 =	smul.u32 @!p0 $0x1C00, s24;
	s22 =	smov.u32 @p1 s10  }
0x3e: {  	[tilespmem:s26], [sflag:$0x1] =	stream.linear.gather @!p0 [hbm4b:s22+s25], $0x1C00, $0x38;
	[tilespmem:$0x1F900] =	vst v63  }
0x3f: {  	p1 =	slt.s32 @!p0 s23, $0xC0;
	s23 =	spop @!p0 (v2sf);
	s22 =	sshrl.u32 @!p0 s24, $0x3  }
0x40: {  	p1 =	por !p1, p0;
	s24 =	sadd.s32 @!p0 s5, s23;
	s22 =	sadd.s32 @!p0 s3, s22  }
0x41: {  	s26 =	simm.s32 @!p0 $0x7100;
	s24 =	smul.u32 @!p0 $0x1C00, s24;
	s22 =	smov.u32 @p1 s11  }
0x42: {  	[tilespmem:s26], [sflag:$0x1] =	stream.linear.gather @!p0 [hbm4b:s22+s25], $0x1C00, $0x38;
	[tilespmem:$0x1F900] =	vst v63  }
0x43: {  	p1 =	slt.s32 @!p0 s23, $0xC0;
	s22 =	sshrl.u32 @!p0 s24, $0x3  }
0x44: {  	p1 =	por !p1, p0;
	s22 =	sadd.s32 @!p0 s3, s22  }
0x45: {  	s23 =	simm.s32 @!p0 $0x8D00;
	s22 =	smov.u32 @p1 s12  }
0x46: {  	[tilespmem:s23], [sflag:$0x1] =	stream.linear.gather @!p0 [hbm4b:s22+s25], $0x1C00, $0x38;
	[tilespmem:$0x1F900] =	vst v63  }
0x47: {  	v0 =	vld [tilespmem:$0x6];
	_ =	sdelay $0x4  }
0x48: {  	vm1 =	vlt.s32 v0, $0xC0  }
0x49: {  	vm1 =	vmand vm1, vm0  }
0x4a: {  	v61 =	vmpcnt.ones.xlane vm1;
	_ =	sdelay $0x1  }
0x4b: {  	(v2sf) =	vpush v61, $0x0;
	_ =	sdelay $0xe  }
0x4c: {  	s14 =	spop (v2sf)  }
0x4d: {  	p1 =	seq.s32 s14, $0x0  }
0x4e: {  	(v2sf) =	vpush @!p1 v0, $0x0;
	_ =	sdelay $0x6  }
0x4f: {  	(v2sf) =	vpush @!p1 v0, $0x1;
	_ =	sdelay $0x3  }
0x50: {  	(v2sf) =	vpush @!p1 v0, $0x2;
	_ =	sdelay $0x3  }
0x51: {  	s22 =	spop @!p1 (v2sf);
	(v2sf) =	vpush @!p1 v0, $0x3;
	_ =	sdelay $0x1  }
0x52: {  	p2 =	sgt.s32 @!p1 s22, $0xBF  }
0x53: {  	p3 =	por p2, p1  }
0x54: {  	(v2sf) =	vpush @!p1 v0, $0x4;
	s22 =	sadd.s32 @!p3 s5, s22  }
0x55: {  	s22 =	smul.u32 @!p3 $0x1C00, s22  }
0x56: {  	s23 =	smov.u32 s20  }
0x57: {  	s26 =	simm.s32 @!p1 $0x0;
	s24 =	spop @!p1 (v2sf);
	s22 =	sshrl.u32 @!p3 s22, $0x3  }
0x58: {  	p2 =	por !p2, p1;
	s25 =	sadd.s32 @!p1 s5, s24;
	(v2sf) =	vpush @!p1 v0, $0x5;
	s22 =	sadd.s32 @!p3 s3, s22  }
0x59: {  	s25 =	smul.u32 @!p1 $0x1C00, s25;
	s23 =	smov.u32 @p2 s22;
	s22 =	simm.s32 @!p1 $0xA900  }
0x5a: {  	[tilespmem:s22], [sflag:$0x2] =	stream.linear.gather @!p1 [hbm4b:s23+s26], $0x1C00, $0x38;
	[tilespmem:$0x1F900] =	vst v63  }
0x5b: {  	p2 =	slt.s32 @!p1 s24, $0xC0;
	s24 =	spop @!p1 (v2sf);
	s23 =	sshrl.u32 @!p1 s25, $0x3  }
0x5c: {  	p2 =	por !p2, p1;
	s25 =	sadd.s32 @!p1 s5, s24;
	s23 =	sadd.s32 @!p1 s3, s23  }
0x5d: {  	s28 =	simm.s32 @!p1 $0xC500;
	s25 =	smul.u32 @!p1 $0x1C00, s25;
	s23 =	smov.u32 @p2 s8  }
0x5e: {  	[tilespmem:s28], [sflag:$0x2] =	stream.linear.gather @!p1 [hbm4b:s23+s26], $0x1C00, $0x38;
	[tilespmem:$0x1F900] =	vst v63  }
0x5f: {  	p2 =	slt.s32 @!p1 s24, $0xC0;
	s23 =	sshrl.u32 @!p1 s25, $0x3;
	s24 =	spop @!p1 (v2sf)  }
0x60: {  	p2 =	por !p2, p1;
	s23 =	sadd.s32 @!p1 s3, s23;
	s25 =	sadd.s32 @!p1 s5, s24  }
0x61: {  	s28 =	simm.s32 @!p1 $0xE100;
	s23 =	smov.u32 @p2 s9;
	s25 =	smul.u32 @!p1 $0x1C00, s25  }
0x62: {  	[tilespmem:s28], [sflag:$0x2] =	stream.linear.gather @!p1 [hbm4b:s23+s26], $0x1C00, $0x38;
	[tilespmem:$0x1F900] =	vst v63  }
0x63: {  	p2 =	slt.s32 @!p1 s24, $0xC0;
	s24 =	spop @!p1 (v2sf);
	s23 =	sshrl.u32 @!p1 s25, $0x3  }
0x64: {  	p2 =	por !p2, p1;
	s25 =	sadd.s32 @!p1 s5, s24;
	s23 =	sadd.s32 @!p1 s3, s23  }
0x65: {  	s28 =	simm.s32 @!p1 $0xFD00;
	s25 =	smul.u32 @!p1 $0x1C00, s25;
	s23 =	smov.u32 @p2 s10  }
0x66: {  	[tilespmem:s28], [sflag:$0x2] =	stream.linear.gather @!p1 [hbm4b:s23+s26], $0x1C00, $0x38;
	[tilespmem:$0x1F900] =	vst v63  }
0x67: {  	p2 =	slt.s32 @!p1 s24, $0xC0;
	s24 =	spop @!p1 (v2sf);
	s23 =	sshrl.u32 @!p1 s25, $0x3  }
0x68: {  	p2 =	por !p2, p1;
	s25 =	sadd.s32 @!p1 s5, s24;
	s23 =	sadd.s32 @!p1 s3, s23  }
0x69: {  	s28 =	simm.s32 @!p1 $0x11900;
	s25 =	smul.u32 @!p1 $0x1C00, s25;
	s23 =	smov.u32 @p2 s11  }
0x6a: {  	[tilespmem:s28], [sflag:$0x2] =	stream.linear.gather @!p1 [hbm4b:s23+s26], $0x1C00, $0x38;
	[tilespmem:$0x1F900] =	vst v63  }
0x6b: {  	p2 =	slt.s32 @!p1 s24, $0xC0;
	s23 =	sshrl.u32 @!p1 s25, $0x3  }
0x6c: {  	p2 =	por !p2, p1;
	s23 =	sadd.s32 @!p1 s3, s23  }
0x6d: {  	s24 =	simm.s32 @!p1 $0x13500;
	s23 =	smov.u32 @p2 s12  }
0x6e: {  	[tilespmem:s24], [sflag:$0x2] =	stream.linear.gather @!p1 [hbm4b:s23+s26], $0x1C00, $0x38;
	[tilespmem:$0x1F900] =	vst v63  }
0x6f: {  	s23 =	simm.s32 @!p0 $0x1  }
0x70: {  	_ =	swait.ge @!p0 [sflag:s23], $0xA800  }
0x71: {  	[sflag:s23] =	ssyncset.done @!p0 $0x0  }
0x72: {  	s21 =	simm.s32 @p0 $0x15100;
	s15 =	rddreg [dreg:$0x6];
	[sflag:s23] =	ssyncadd.s32 @!p0 $0xFFFF5800  }
0x73: {  	[hbm4b:s15+s2] =	stream.linear.scatter [tilespmem:s21], [sflag:$0x3], $0xA800, $0x38;
	[tilespmem:$0x1F900] =	vst v63  }
0x74: {  	_ =	swait.ge [sflag:s18], $0xA800  }
0x75: {  	[sflag:s18] =	ssyncset.done $0x0  }
0x76: {  	s17 =	simm.s32 $0xC;
	[sflag:s18] =	ssyncadd.s32 $0xFFFF5800  }
0x77: {  	v0 =	vld [tilespmem:s17+$0x0];
	_ =	sdelay $0x4  }
0x78: {  	vm1 =	vlt.s32 v0, $0xC0  }
0x79: {  	vm1 =	vmand vm1, vm0  }
0x7a: {  	v62 =	vmpcnt.ones.xlane vm1;
	_ =	sdelay $0x1  }
0x7b: {  	(v2sf) =	vpush v62, $0x0;
	_ =	sdelay $0xe  }
0x7c: {  	s24 =	spop (v2sf)  }
0x7d: {  	p0 =	seq.s32 s24, $0x0  }
0x7e: {  	(v2sf) =	vpush @!p0 v0, $0x5  }
0x7f: {  	(v2sf) =	vpush @!p0 v0, $0x0;
	_ =	sdelay $0x1  }
0x80: {  	(v2sf) =	vpush @!p0 v0, $0x3  }
0x81: {  	(v2sf) =	vpush @!p0 v0, $0x1;
	_ =	sdelay $0x2  }
0x82: {  	(v2sf) =	vpush @!p0 v0, $0x4;
	_ =	sdelay $0x1  }
0x83: {  	(v2sf) =	vpush @!p0 v0, $0x2;
	_ =	sdelay $0x5  }
0x84: {  	s24 =	spop @!p0 (v2sf)  }
0x85: {  	s21 =	spop @!p0 (v2sf)  }
0x86: {  	p2 =	sgt.s32 @!p0 s21, $0xBF  }
0x87: {  	s25 =	spop @!p0 (v2sf);
	p3 =	por p2, p0  }
0x88: {  	s28 =	spop @!p0 (v2sf);
	s21 =	sadd.s32 @!p3 s5, s21  }
0x89: {  	p4 =	slt.s32 @!p0 s28, $0xC0;
	s28 =	sadd.s32 @!p0 s5, s28;
	s21 =	smul.u32 @!p3 $0x1C00, s21  }
0x8a: {  	s31 =	smov.u32 s20;
	s26 =	simm.s32 @!p0 $0x0;
	s28 =	smul.u32 @!p0 $0x1C00, s28  }
0x8b: {  	p2 =	por !p2, p0;
	s29 =	spop @!p0 (v2sf);
	s21 =	sshrl.u32 @!p3 s21, $0x3  }
0x8c: {  	s28 =	sshrl.u32 @!p0 s28, $0x3;
	s30 =	sadd.s32 @!p3 s3, s21;
	s21 =	simm.s32 @!p0 $0x100  }
0x8d: {  	p3 =	por !p4, p0;
	s31 =	smov.u32 @p2 s30;
	s30 =	spop @!p0 (v2sf)  }
0x8e: {  	s28 =	sadd.s32 @!p0 s3, s28;
	p2 =	slt.s32 @!p0 s30, $0xC0;
	s30 =	sadd.s32 @!p0 s5, s30  }
0x8f: {  	[tilespmem:s21], [sflag:$0x1] =	stream.linear.gather @!p0 [hbm4b:s31+s26], $0x1C00, $0x38;
	[tilespmem:$0x1F900] =	vst v63  }
0x90: {  	s28 =	smov.u32 @p3 s8;
	s31 =	simm.s32 @!p0 $0x1D00;
	s30 =	smul.u32 @!p0 $0x1C00, s30  }
0x91: {  	[tilespmem:s31], [sflag:$0x1] =	stream.linear.gather @!p0 [hbm4b:s28+s26], $0x1C00, $0x38;
	[tilespmem:$0x1F900] =	vst v63  }
0x92: {  	s28 =	sadd.s32 @!p0 s5, s25  }
0x93: {  	s30 =	sshrl.u32 @!p0 s30, $0x3;
	s28 =	smul.u32 @!p0 $0x1C00, s28  }
0x94: {  	p2 =	por !p2, p0;
	s31 =	simm.s32 @!p0 $0x3900;
	s30 =	sadd.s32 @!p0 s3, s30  }
0x95: {  	s30 =	smov.u32 @p2 s9;
	p2 =	slt.s32 @!p0 s25, $0xC0;
	s25 =	sshrl.u32 @!p0 s28, $0x3  }
0x96: {  	[tilespmem:s31], [sflag:$0x1] =	stream.linear.gather @!p0 [hbm4b:s30+s26], $0x1C00, $0x38;
	[tilespmem:$0x1F900] =	vst v63  }
0x97: {  	p2 =	por !p2, p0;
	s25 =	sadd.s32 @!p0 s3, s25  }
0x98: {  	s28 =	simm.s32 @!p0 $0x5500;
	s25 =	smov.u32 @p2 s10  }
0x99: {  	[tilespmem:s28], [sflag:$0x1] =	stream.linear.gather @!p0 [hbm4b:s25+s26], $0x1C00, $0x38;
	[tilespmem:$0x1F900] =	vst v63  }
0x9a: {  	s25 =	sadd.s32 @!p0 s5, s29  }
0x9b: {  	s28 =	sadd.s32 @!p0 s5, s24;
	s25 =	smul.u32 @!p0 $0x1C00, s25  }
0x9c: {  	p3 =	slt.s32 @!p0 s24, $0xC0;
	s28 =	smul.u32 @!p0 $0x1C00, s28  }
0x9d: {  	p3 =	por !p3, p0;
	p2 =	slt.s32 @!p0 s29, $0xC0;
	s24 =	sshrl.u32 @!p0 s25, $0x3  }
0x9e: {  	p2 =	por !p2, p0;
	s25 =	sshrl.u32 @!p0 s28, $0x3;
	s24 =	sadd.s32 @!p0 s3, s24  }
0x9f: {  	s28 =	simm.s32 @!p0 $0x7100;
	s25 =	sadd.s32 @!p0 s3, s25;
	s24 =	smov.u32 @p2 s11  }
0xa0: {  	[tilespmem:s28], [sflag:$0x1] =	stream.linear.gather @!p0 [hbm4b:s24+s26], $0x1C00, $0x38;
	[tilespmem:$0x1F900] =	vst v63  }
0xa1: {  	s25 =	smov.u32 @p3 s12;
	s24 =	simm.s32 @!p0 $0x8D00;
	s28 =	simm.s32 @!p1 $0x2  }
0xa2: {  	[tilespmem:s24], [sflag:$0x1] =	stream.linear.gather @!p0 [hbm4b:s25+s26], $0x1C00, $0x38;
	[tilespmem:$0x1F900] =	vst v63  }
0xa3: {  	_ =	swait.ge @!p1 [sflag:s28], $0xA800  }
0xa4: {  	s25 =	rddreg [dreg:$0x4]  }
0xa5: {  	s24 =	sadd.s32 $0xFFEC5000, s25  }
0xa6: {  	s26 =	sadd.s32 $0x145800, s24  }
0xa7: {  	[sflag:s28] =	ssyncset.done @!p1 $0x0;
	s25 =	sshrl.u32 s26, $0x3  }
0xa8: {  	s22 =	simm.s32 @p1 $0x15100;
	[sflag:s28] =	ssyncadd.s32 @!p1 $0xFFFF5800;
	s25 =	sadd.s32 s4, s25  }
0xa9: {  	[hbm4b:s25+s2] =	stream.linear.scatter [tilespmem:s22], [sflag:$0x4], $0xA800, $0x38;
	[tilespmem:$0x1F900] =	vst v63  }
0xaa: {  	_ =	swait.ge [sflag:s19], $0xA800  }
0xab: {  	[sflag:s19] =	ssyncset.done $0x0  }
0xac: {  	[sflag:s19] =	ssyncadd.s32 $0xFFFF5800  }
0xad: {  	v0 =	vld [tilespmem:s17+$0x6];
	_ =	sdelay $0x4  }
0xae: {  	vm1 =	vlt.s32 v0, $0xC0  }
0xaf: {  	vm1 =	vmand vm1, vm0  }
0xb0: {  	v63 =	vmpcnt.ones.xlane vm1;
	_ =	sdelay $0x1  }
0xb1: {  	(v2sf) =	vpush v63, $0x0;
	_ =	sdelay $0xe  }
0xb2: {  	s30 =	spop (v2sf)  }
0xb3: {  	p1 =	seq.s32 s30, $0x0  }
0xb4: {  	(v2sf) =	vpush @!p1 v0, $0x4  }
0xb5: {  	(v2sf) =	vpush @!p1 v0, $0x0  }
0xb6: {  	(v2sf) =	vpush @!p1 v0, $0x1  }
0xb7: {  	s23 =	simm.s32 $0x18;
	s31 =	sadd.s32 $0x150000, s24;
	(v2sf) =	vpush @!p1 v0, $0x2  }
0xb8: {  	s21 =	simm.s32 @p0 $0x15100;
	s22 =	simm.s32 $0xFFEDA000;
	s25 =	sshrl.u32 s31, $0x3;
	(v2sf) =	vpush @!p1 v0, $0x3  }
0xb9: {  	s29 =	simm.s32 @!p1 $0xC500;
	s28 =	simm.s32 @!p1 $0xE100;
	s26 =	simm.s32 @!p1 $0xFD00;
	(v2sf) =	vpush @!p1 v0, $0x5  }
.LBB2_2:
0xba: {  	_ =	sdelay $0x8  }
0xbb: {  	s31 =	spop @!p1 (v2sf)  }
0xbc: {  	p2 =	slt.s32 @!p1 s31, $0xC0  }
0xbd: {  	s0 =	simm.s32 @!p2 $0x0  }
0xbe: {  	s30 =	simm.s32 @!p1 $0x0;
	s24 =	simm.s32 @!p1 $0xA900;
	s0 =	simm.s32 @p2 $0x1  }
0xbf: {  	s7 =	smov.u32 s20;
	[smem:$0x7FC] =	sst s0;
	s0 =	spop @!p1 (v2sf)  }
0xc0: {  	s31 =	sadd.s32 @!p1 s5, s31;
	p3 =	sgt.s32 @!p1 s0, $0xBF;
	s1 =	spop @!p1 (v2sf)  }
0xc1: {  	s31 =	smul.u32 @!p1 $0x1C00, s31;
	p5 =	por p3, p1;
	s6 =	spop @!p1 (v2sf)  }
0xc2: {  	p6 =	por !p3, p1;
	p3 =	slt.s32 @!p1 s1, $0xC0;
	s0 =	sadd.s32 @!p5 s5, s0  }
0xc3: {  	p2 =	slt.s32 @!p1 s6, $0xC0;
	s6 =	sadd.s32 @!p1 s5, s6;
	s0 =	smul.u32 @!p5 $0x1C00, s0  }
0xc4: {  	s17 =	sadd.s32 @!p1 s5, s1;
	p4 =	por !p3, p1;
	s1 =	smul.u32 @!p1 $0x1C00, s6  }
0xc5: {  	p3 =	por !p2, p1;
	s6 =	smul.u32 @!p1 $0x1C00, s17;
	s17 =	spop @!p1 (v2sf)  }
0xc6: {  	s13 =	sadd.s32 @!p1 s5, s17;
	p2 =	slt.s32 @!p1 s17, $0xC0;
	s0 =	sshrl.u32 @!p5 s0, $0x3  }
0xc7: {  	s1 =	sshrl.u32 @!p1 s1, $0x3;
	s6 =	sshrl.u32 @!p1 s6, $0x3;
	s0 =	sadd.s32 @!p5 s3, s0  }
0xc8: {  	p2 =	por !p2, p1;
	s6 =	sadd.s32 @!p1 s3, s6;
	s7 =	smov.u32 @p6 s0  }
0xc9: {  	s0 =	sadd.s32 @!p1 s3, s1;
	s1 =	smul.u32 @!p1 $0x1C00, s13;
	s13 =	sshrl.u32 @!p1 s31, $0x3  }
0xca: {  	[tilespmem:s24], [sflag:$0x2] =	stream.linear.gather @!p1 [hbm4b:s7+s30], $0x1C00, $0x38;
	[tilespmem:$0x1F900] =	vst v63  }
0xcb: {  	s31 =	spop @!p1 (v2sf);
	s6 =	smov.u32 @p4 s8;
	s7 =	sadd.s32 @!p1 s3, s13  }
0xcc: {  	s13 =	sadd.s32 @!p1 s5, s31;
	s0 =	smov.u32 @p3 s9;
	s1 =	sshrl.u32 @!p1 s1, $0x3  }
0xcd: {  	[tilespmem:s29], [sflag:$0x2] =	stream.linear.gather @!p1 [hbm4b:s6+s30], $0x1C00, $0x38;
	[tilespmem:$0x1F900] =	vst v63  }
0xce: {  	s1 =	sadd.s32 @!p1 s3, s1;
	s6 =	smul.u32 @!p1 $0x1C00, s13;
	s13 =	sld [smem:$0x7FC]  }
0xcf: {  	[tilespmem:s28], [sflag:$0x2] =	stream.linear.gather @!p1 [hbm4b:s0+s30], $0x1C00, $0x38;
	[tilespmem:$0x1F900] =	vst v63  }
0xd0: {  	s1 =	smov.u32 @p2 s10;
	p2 =	slt.s32 @!p1 s31, $0xC0;
	s0 =	sshrl.u32 @!p1 s6, $0x3  }
0xd1: {  	p2 =	por !p2, p1;
	s6 =	simm.s32 @!p0 $0x1;
	p6 =	seq.s32 s13, $0x1  }
0xd2: {  	[tilespmem:s26], [sflag:$0x2] =	stream.linear.gather @!p1 [hbm4b:s1+s30], $0x1C00, $0x38;
	[tilespmem:$0x1F900] =	vst v63  }
0xd3: {  	s0 =	sadd.s32 @!p1 s3, s0;
	p3 =	por !p6, p1;
	s1 =	simm.s32 @!p1 $0x11900  }
0xd4: {  	s26 =	smov.u32 s22;
	s22 =	sadd.s32 $0x15000, s22;
	s7 =	smov.u32 @p3 s11  }
0xd5: {  	[tilespmem:s1], [sflag:$0x2] =	stream.linear.gather @!p1 [hbm4b:s7+s30], $0x1C00, $0x38;
	[tilespmem:$0x1F900] =	vst v63  }
0xd6: {  	s0 =	smov.u32 @p2 s12;
	p2 =	sne.s32 s22, $0x0;
	s1 =	simm.s32 @!p1 $0x13500  }
0xd7: {  	[tilespmem:s1], [sflag:$0x2] =	stream.linear.gather @!p1 [hbm4b:s0+s30], $0x1C00, $0x38;
	[tilespmem:$0x1F900] =	vst v63  }
0xd8: {  	s0 =	simm.s32 @!p2 $0x0;
	_ =	swait.ge @!p0 [sflag:s6], $0xA800  }
0xd9: {  	s0 =	simm.s32 @p2 $0x1;
	[sflag:s6] =	ssyncset.done @!p0 $0x0  }
0xda: {  	s14 =	sadd.s32 s4, s25;
	[smem:$0x7FD] =	sst s0;
	[sflag:s6] =	ssyncadd.s32 @!p0 $0xFFFF5800  }
0xdb: {  	[hbm4b:s14+s2] =	stream.linear.scatter [tilespmem:s21], [sflag:$0x3], $0xA800, $0x38;
	[tilespmem:$0x1F900] =	vst v63  }
0xdc: {  	_ =	swait.ge [sflag:s18], $0xA800  }
0xdd: {  	[sflag:s18] =	ssyncset.done $0x0  }
0xde: {  	[sflag:s18] =	ssyncadd.s32 $0xFFFF5800  }
0xdf: {  	v0 =	vld [tilespmem:s23+$0x0];
	_ =	sdelay $0x4  }
0xe0: {  	vm1 =	vlt.s32 v0, $0xC0  }
0xe1: {  	vm1 =	vmand vm1, vm0  }
0xe2: {  	v1 =	vmpcnt.ones.xlane vm1;
	_ =	sdelay $0x1  }
0xe3: {  	(v2sf) =	vpush v1, $0x0;
	_ =	sdelay $0xe  }
0xe4: {  	s15 =	spop (v2sf)  }
0xe5: {  	p0 =	seq.s32 s15, $0x0  }
0xe6: {  	(v2sf) =	vpush @!p0 v0, $0x5  }
0xe7: {  	(v2sf) =	vpush @!p0 v0, $0x0  }
0xe8: {  	(v2sf) =	vpush @!p0 v0, $0x3;
	_ =	sdelay $0x1  }
0xe9: {  	(v2sf) =	vpush @!p0 v0, $0x1;
	_ =	sdelay $0x1  }
0xea: {  	(v2sf) =	vpush @!p0 v0, $0x4;
	_ =	sdelay $0x1  }
0xeb: {  	(v2sf) =	vpush @!p0 v0, $0x2;
	_ =	sdelay $0x4  }
0xec: {  	s15 =	smov.u32 s20  }
0xed: {  	s30 =	simm.s32 @!p0 $0x1D00;
	s29 =	simm.s32 @!p0 $0x3900;
	s28 =	simm.s32 @!p0 $0x5500  }
0xee: {  	s25 =	simm.s32 @!p0 $0x0;
	s21 =	simm.s32 @!p0 $0x100;
	s0 =	spop @!p0 (v2sf)  }
0xef: {  	p3 =	slt.s32 @!p0 s0, $0xC0;
	s0 =	sadd.s32 @!p0 s5, s0;
	s1 =	spop @!p0 (v2sf)  }
0xf0: {  	p2 =	sgt.s32 @!p0 s1, $0xBF;
	s0 =	smul.u32 @!p0 $0x1C00, s0;
	s6 =	spop @!p0 (v2sf)  }
0xf1: {  	p3 =	por !p3, p0;
	p6 =	por p2, p0;
	p5 =	por !p2, p0  }
0xf2: {  	s7 =	spop @!p0 (v2sf);
	s13 =	sadd.s32 @!p0 s5, s6;
	p4 =	slt.s32 @!p0 s6, $0xC0  }
0xf3: {  	s1 =	sadd.s32 @!p6 s5, s1;
	p2 =	slt.s32 @!p0 s7, $0xC0;
	s7 =	sadd.s32 @!p0 s5, s7  }
0xf4: {  	s6 =	spop @!p0 (v2sf);
	s13 =	smul.u32 @!p0 $0x1C00, s13;
	p4 =	por !p4, p0  }
0xf5: {  	s0 =	sshrl.u32 @!p0 s0, $0x3;
	s1 =	smul.u32 @!p6 $0x1C00, s1;
	p2 =	por !p2, p0  }
0xf6: {  	s7 =	smul.u32 @!p0 $0x1C00, s7;
	s17 =	sadd.s32 @!p0 s5, s6;
	s31 =	spop @!p0 (v2sf)  }
0xf7: {  	s14 =	sadd.s32 @!p0 s5, s31;
	s13 =	sshrl.u32 @!p0 s13, $0x3;
	s1 =	sshrl.u32 @!p6 s1, $0x3  }
0xf8: {  	s7 =	sshrl.u32 @!p0 s7, $0x3;
	s13 =	sadd.s32 @!p0 s3, s13;
	s1 =	sadd.s32 @!p6 s3, s1  }
0xf9: {  	s15 =	smov.u32 @p5 s1;
	s1 =	sadd.s32 @!p0 s3, s7;
	s7 =	smul.u32 @!p0 $0x1C00, s14  }
0xfa: {  	[tilespmem:s21], [sflag:$0x1] =	stream.linear.gather @!p0 [hbm4b:s15+s25], $0x1C00, $0x38;
	[tilespmem:$0x1F900] =	vst v63  }
0xfb: {  	s1 =	smov.u32 @p2 s8;
	p2 =	slt.s32 @!p0 s31, $0xC0;
	s7 =	sshrl.u32 @!p0 s7, $0x3  }
0xfc: {  	s14 =	smul.u32 @!p0 $0x1C00, s17;
	p2 =	por !p2, p0;
	s7 =	sadd.s32 @!p0 s3, s7  }
0xfd: {  	[tilespmem:s30], [sflag:$0x1] =	stream.linear.gather @!p0 [hbm4b:s1+s25], $0x1C00, $0x38;
	[tilespmem:$0x1F900] =	vst v63  }
0xfe: {  	s1 =	sshrl.u32 @!p0 s14, $0x3;
	s7 =	smov.u32 @p2 s9;
	p2 =	slt.s32 @!p0 s6, $0xC0  }
0xff: {  	[tilespmem:s29], [sflag:$0x1] =	stream.linear.gather @!p0 [hbm4b:s7+s25], $0x1C00, $0x38;
	[tilespmem:$0x1F900] =	vst v63  }
0x100: {  	s13 =	smov.u32 @p4 s10;
	s1 =	sadd.s32 @!p0 s3, s1;
	p2 =	por !p2, p0  }
0x101: {  	[tilespmem:s28], [sflag:$0x1] =	stream.linear.gather @!p0 [hbm4b:s13+s25], $0x1C00, $0x38;
	[tilespmem:$0x1F900] =	vst v63  }
0x102: {  	s0 =	sadd.s32 @!p0 s3, s0;
	s6 =	simm.s32 @!p0 $0x7100;
	s1 =	smov.u32 @p2 s11  }
0x103: {  	[tilespmem:s6], [sflag:$0x1] =	stream.linear.gather @!p0 [hbm4b:s1+s25], $0x1C00, $0x38;
	[tilespmem:$0x1F900] =	vst v63  }
0x104: {  	s0 =	smov.u32 @p3 s12;
	s1 =	simm.s32 @!p0 $0x8D00;
	s6 =	simm.s32 @!p1 $0x2  }
0x105: {  	[tilespmem:s1], [sflag:$0x1] =	stream.linear.gather @!p0 [hbm4b:s0+s25], $0x1C00, $0x38;
	[tilespmem:$0x1F900] =	vst v63  }
0x106: {  	_ =	swait.ge @!p1 [sflag:s6], $0xA800  }
0x107: {  	s17 =	rddreg [dreg:$0x4]  }
0x108: {  	s0 =	sadd.s32 s26, s17  }
0x109: {  	s25 =	sadd.s32 $0x145800, s0  }
0x10a: {  	[sflag:s6] =	ssyncset.done @!p1 $0x0;
	s1 =	sshrl.u32 s25, $0x3  }
0x10b: {  	s24 =	simm.s32 @p1 $0x15100;
	[sflag:s6] =	ssyncadd.s32 @!p1 $0xFFFF5800;
	s26 =	sadd.s32 s4, s1  }
0x10c: {  	[hbm4b:s26+s2] =	stream.linear.scatter [tilespmem:s24], [sflag:$0x4], $0xA800, $0x38;
	[tilespmem:$0x1F900] =	vst v63  }
0x10d: {  	_ =	swait.ge [sflag:s19], $0xA800  }
0x10e: {  	[sflag:s19] =	ssyncset.done $0x0  }
0x10f: {  	[sflag:s19] =	ssyncadd.s32 $0xFFFF5800  }
0x110: {  	v0 =	vld [tilespmem:s23+$0x6];
	_ =	sdelay $0x4  }
0x111: {  	vm1 =	vlt.s32 v0, $0xC0  }
0x112: {  	vm1 =	vmand vm1, vm0  }
0x113: {  	v63 =	vmpcnt.ones.xlane vm1;
	_ =	sdelay $0x1  }
0x114: {  	(v2sf) =	vpush v63, $0x0;
	_ =	sdelay $0xd  }
0x115: {  	s31 =	sld [smem:$0x7FD]  }
0x116: {  	s30 =	spop (v2sf)  }
0x117: {  	p1 =	seq.s32 s30, $0x0  }
0x118: {  	p2 =	seq.s32 s31, $0x1;
	(v2sf) =	vpush @!p1 v0, $0x4  }
.Ltmp0:
0x119: {  	(v2sf) =	vpush @!p1 v0, $0x0;
	(pc) =	sbr.rel @p2 .LBB2_2-.Ltmp0, $4  }
0x11a: {  	(v2sf) =	vpush @!p1 v0, $0x1  }
0x11b: {  	s0 =	sadd.s32 $0x150000, s0;
	(v2sf) =	vpush @!p1 v0, $0x2  }
0x11c: {  	s21 =	simm.s32 @p0 $0x15100;
	s25 =	sshrl.u32 s0, $0x3;
	s23 =	sadd.s32 $0xC, s23;
	(v2sf) =	vpush @!p1 v0, $0x3  }
0x11d: {  	s29 =	simm.s32 @!p1 $0xC500;
	s28 =	simm.s32 @!p1 $0xE100;
	s26 =	simm.s32 @!p1 $0xFD00;
	(v2sf) =	vpush @!p1 v0, $0x5  }
0x11e: {  	_ =	sdelay $0x8  }
0x11f: {  	s0 =	spop @!p1 (v2sf)  }
0x120: {  	s1 =	spop @!p1 (v2sf)  }
0x121: {  	p2 =	sgt.s32 @!p1 s1, $0xBF  }
0x122: {  	p3 =	por p2, p1  }
0x123: {  	s1 =	sadd.s32 @!p3 s5, s1  }
0x124: {  	s6 =	spop @!p1 (v2sf);
	s1 =	smul.u32 @!p3 $0x1C00, s1  }
0x125: {  	s7 =	simm.s32 @!p1 $0x0;
	s14 =	simm.s32 @!p1 $0xA900;
	s13 =	sadd.s32 @!p1 s5, s6  }
0x126: {  	p2 =	por !p2, p1;
	s13 =	smul.u32 @!p1 $0x1C00, s13;
	s1 =	sshrl.u32 @!p3 s1, $0x3  }
0x127: {  	p4 =	slt.s32 @!p1 s6, $0xC0;
	s6 =	smov.u32 s20;
	s1 =	sadd.s32 @!p3 s3, s1  }
0x128: {  	s13 =	sshrl.u32 @!p1 s13, $0x3;
	s6 =	smov.u32 @p2 s1;
	s1 =	spop @!p1 (v2sf)  }
0x129: {  	[tilespmem:s14], [sflag:$0x2] =	stream.linear.gather @!p1 [hbm4b:s6+s7], $0x1C00, $0x38;
	[tilespmem:$0x1F900] =	vst v63  }
0x12a: {  	s13 =	sadd.s32 @!p1 s3, s13;
	p2 =	por !p4, p1;
	s6 =	sadd.s32 @!p1 s5, s1  }
0x12b: {  	s13 =	smov.u32 @p2 s8;
	s6 =	smul.u32 @!p1 $0x1C00, s6  }
0x12c: {  	[tilespmem:s29], [sflag:$0x2] =	stream.linear.gather @!p1 [hbm4b:s13+s7], $0x1C00, $0x38;
	[tilespmem:$0x1F900] =	vst v63  }
0x12d: {  	p2 =	slt.s32 @!p1 s1, $0xC0;
	s1 =	sshrl.u32 @!p1 s6, $0x3  }
0x12e: {  	p2 =	por !p2, p1;
	s1 =	sadd.s32 @!p1 s3, s1  }
0x12f: {  	s6 =	spop @!p1 (v2sf);
	s1 =	smov.u32 @p2 s9  }
0x130: {  	[tilespmem:s28], [sflag:$0x2] =	stream.linear.gather @!p1 [hbm4b:s1+s7], $0x1C00, $0x38;
	[tilespmem:$0x1F900] =	vst v63  }
0x131: {  	s1 =	sadd.s32 @!p1 s5, s6  }
0x132: {  	s1 =	smul.u32 @!p1 $0x1C00, s1  }
0x133: {  	s13 =	sadd.s32 @!p1 s5, s0  }
0x134: {  	p2 =	slt.s32 @!p1 s6, $0xC0;
	s6 =	smul.u32 @!p1 $0x1C00, s13;
	s1 =	sshrl.u32 @!p1 s1, $0x3  }
0x135: {  	p3 =	slt.s32 @!p1 s0, $0xC0;
	p2 =	por !p2, p1;
	s0 =	sadd.s32 @!p1 s3, s1  }
0x136: {  	s1 =	sshrl.u32 @!p1 s6, $0x3;
	s6 =	spop @!p1 (v2sf);
	s0 =	smov.u32 @p2 s10  }
0x137: {  	[tilespmem:s26], [sflag:$0x2] =	stream.linear.gather @!p1 [hbm4b:s0+s7], $0x1C00, $0x38;
	[tilespmem:$0x1F900] =	vst v63  }
0x138: {  	p2 =	por !p3, p1;
	s0 =	sadd.s32 @!p1 s3, s1;
	s1 =	sadd.s32 @!p1 s5, s6  }
0x139: {  	s13 =	simm.s32 @!p1 $0x11900;
	s1 =	smul.u32 @!p1 $0x1C00, s1;
	s0 =	smov.u32 @p2 s11  }
0x13a: {  	[tilespmem:s13], [sflag:$0x2] =	stream.linear.gather @!p1 [hbm4b:s0+s7], $0x1C00, $0x38;
	[tilespmem:$0x1F900] =	vst v63  }
0x13b: {  	p2 =	slt.s32 @!p1 s6, $0xC0;
	s0 =	sshrl.u32 @!p1 s1, $0x3  }
0x13c: {  	p2 =	por !p2, p1;
	s0 =	sadd.s32 @!p1 s3, s0  }
0x13d: {  	s1 =	simm.s32 @!p1 $0x13500;
	s0 =	smov.u32 @p2 s12  }
0x13e: {  	[tilespmem:s1], [sflag:$0x2] =	stream.linear.gather @!p1 [hbm4b:s0+s7], $0x1C00, $0x38;
	[tilespmem:$0x1F900] =	vst v63  }
0x13f: {  	s0 =	simm.s32 @!p0 $0x1  }
0x140: {  	_ =	swait.ge @!p0 [sflag:s0], $0xA800  }
0x141: {  	[sflag:s0] =	ssyncset.done @!p0 $0x0  }
0x142: {  	s29 =	sadd.s32 s4, s25;
	[sflag:s0] =	ssyncadd.s32 @!p0 $0xFFFF5800;
	s0 =	simm.s32 @!p1 $0x2  }
0x143: {  	[hbm4b:s29+s2] =	stream.linear.scatter [tilespmem:s21], [sflag:$0x3], $0xA800, $0x38;
	[tilespmem:$0x1F900] =	vst v63  }
0x144: {  	_ =	swait.ge @!p1 [sflag:s0], $0xA800  }
0x145: {  	[sflag:s0] =	ssyncset.done @!p1 $0x0  }
0x146: {  	s14 =	simm.s32 @p1 $0x15100;
	s30 =	rddreg [dreg:$0x7];
	[sflag:s0] =	ssyncadd.s32 @!p1 $0xFFFF5800  }
0x147: {  	[hbm4b:s30+s2] =	stream.linear.scatter [tilespmem:s14], [sflag:$0x4], $0xA800, $0x38;
	[tilespmem:$0x1F900] =	vst v63  }
0x148: {  	_ =	swait.ge [sflag:s18], $0xA800  }
0x149: {  	[sflag:s18] =	ssyncset.done $0x0  }
0x14a: {  	[sflag:s18] =	ssyncadd.s32 $0xFFFF5800  }
0x14b: {  	_ =	swait.ge [sflag:s19], $0xA800  }
0x14c: {  	s16 =	sadd.s32 $0x1, s16;
	s31 =	rddreg [dreg:$0x8]  }
0x14d: {  	p0 =	sne.s32 s16, s31  }
.Ltmp1:
0x14e: {  	_ = 	snop;
	(pc) =	sbr.rel @p0 .LBB2_1-.Ltmp1, $3  }
0x14f: {  	_ =	sdelay $0x1  }
0x150: {  	[sflag:s19] =	ssyncset.done $0x0  }
0x151: {  	[sflag:s19] =	ssyncadd.s32 $0xFFFF5800  }
0x152: {  	_ =	sfence.sel $0x180000  }
0x153: {  	[bflag:$0x0] =	sbarrier.arrive $0xFFFF  }
0x154: {  	_ =	strace $0x90000047  }
0x155: {  	s0 =	stileid.u32;
	[bflag:$0x2] =	sbarrier.arrive $0xFFFF  }
0x156: {  	p0 =	sne.s32 s0, $0x0;
	s0 =	rddreg [dreg:$0x3]  }
0x157: {  	s0 =	sadd.s32 @!p0 $0x100000, s0  }
0x158: {  	[sflag:s0] =	ssyncadd.tile.s32 @!p0 $0x1;
	_ =	shalt  }
.Lfunc_end2:
_tile_overlayer_lowered:
.L_overlay_start_2:
0x159: {  	(tag) =	ssettag $0x2  }
0x15a: {  	s0 =	rddreg [dreg:$0x0];
	s2 =	stileid.u32  }
0x15b: {  	s1 =	rddreg [dreg:$0x1];
	p0 =	sne.s32 s2, $0x0  }
0x15c: {  	s3 =	rddreg [dreg:$0x2];
	[bflag:$0x3] =	sbarrier.arrive $0xFFFF;
	s2 =	simm.s32 @!p0 $0x1C05  }
0x15d: {  	[timem:s3], [sflag:s2] =	dma.local @!p0 [hbm:s0], s1  }
0x15e: {  	s0 =	simm.s32 @!p0 $0x5  }
0x15f: {  	_ =	swait.ge @!p0 [sflag:s0], s1  }
0x160: {  	s1 =	ssub.s32 @!p0 $0x0, s1;
	[sflag:s0] =	ssyncset.done @!p0 $0x0  }
0x161: {  	[sflag:s0] =	ssyncadd.s32 @!p0 s1  }
0x162: {  	[bflag:$0x3] =	sbarrier.arrive $0xFFFF  }
0x163: {  	_ =	shalt  }

// kernel: sparse-core-data-format-call.cloned.1.call-start
scs
called_computation_lowered:
.L_overlay_start_0:
0x0: {  	s2 =	sld [smem:$0x3FD9]  }
0x1: {  	s3 =	sld [smem:$0x3FFE];
	_ =	sdelay $0x1  }
0x2: {  	s1 =	srdreg.scid  }
0x3: {  	s0 =	sand.u32 $0x1, s1  }
0x4: {  	s18 =	sshll.u32 s0, $0xA;
	s2 =	sadd.s32 s3, s2  }
0x5: {  	s2 =	sadd.s32 s2, s18  }
0x6: {  	[smem:$0x3FC6] =	sst s2  }
0x7: {  	_ = 	snop  }
0x8: {  	s2 =	sld [smem:$0x3FD0];
	(tm) =	ssettm $0x1  }
0x9: {  	s19 =	sld [smem:$0x3FFB];
	_ =	sdelay $0x3  }
0xa: {  	_ =	strace s19  }
0xb: {  	s3 =	sld [smem:$0x3FFC];
	_ =	sdelay $0x3  }
0xc: {  	_ =	strace s3  }
0xd: {  	s3 =	sld [smem:$0x3FFD];
	_ =	sdelay $0x3  }
0xe: {  	_ =	strace s3  }
0xf: {  	_ =	strace $0x8FFFFFFF  }
0x10: {  	s20 =	sld [smem:$0x3FDB];
	_ =	sdelay $0x1  }
0x11: {  	s4 =	simm.s32 $_scs_section_size  }
0x12: {  	s5 =	simm.s32 $_size__tile_overlayer_lowered;
	s6 =	simm.s32 $_tile_overlayer_lowered  }
0x13: {  	s23 =	simm.s32 $0x1BFF;
	s22 =	sshll.u32 s6, $0x1;
	s3 =	sadd.s32 s4, s20  }
0x14: {  	s7 =	simm.s32 $0x0;
	s21 =	sshll.u32 s5, $0x1;
	s5 =	sadd.s32 s22, s3  }
0x15: {  	[timem:s7], [sflag:s23] =	dma.local [hbm:s5], s21  }
0x16: {  	_ =	swait.ge [sflag:s23], s21  }
0x17: {  	s4 =	ssub.s32 $0x0, s21;
	[sflag:s23] =	ssyncset.done $0x0  }
0x18: {  	[sflag:s23] =	ssyncadd.s32 s4;
	_ =	sdelay $0x1  }
0x19: {  	s24 =	simm.s32 $0x1B8B  }
0x1a: {  	_ =	swait.ge [sflag:s24], $0x1  }
0x1b: {  	[sflag:s24] =	ssyncset.done $0x0  }
0x1c: {  	s26 =	simm.s32 $0x1B8E;
	s25 =	sld [smem:$0x3FFE];
	[sflag:s24] =	ssyncadd.s32 $0xFFFFFFFF  }
0x1d: {  	s27 =	simm.s32 $execute0_lowered;
	[smem:$0x3FD2] =	sst s26  }
0x1e: {  	s5 =	sshll.u32 s27, $0x1;
	_ =	strace $0x80000049;
	[dreg:$0x1] =	wrdreg $0xFFFFFFFF  }
0x1f: {  	s28 =	simm.s32 $_size_execute0_lowered;
	s3 =	sadd.s32 s3, s5;
	[dreg:$0x0] =	wrdreg $0x0  }
0x20: {  	s5 =	sshll.u32 s28, $0x1;
	[dreg:$0x2] =	wrdreg s3  }
0x21: {  	[dreg:$0x3] =	wrdreg s5  }
0x22: {  	[dreg:$0x4] =	wrdreg $0xC0  }
0x23: {  	_ =	task [dreg:s7], $0x5FFFF  }
0x24: {  	[dreg:$0x1] =	wrdreg $0xFFFFFFFF  }
0x25: {  	[dreg:$0x0] =	wrdreg $0x60  }
0x26: {  	[dreg:$0x2] =	wrdreg s25  }
0x27: {  	[dreg:$0x3] =	wrdreg s2  }
0x28: {  	[dreg:$0x4] =	wrdreg $0x9  }
0x29: {  	_ =	task.clear_ibuf [dreg:s7], $0x5FFFF;
	_ =	strace $0x90000049  }
0x2a: {  	s29 =	simm.s32 $0x9;
	_ =	strace $0x8000004B  }
0x2b: {  	_ =	swait.ge [sflag:s29], $0x1  }
0x2c: {  	[sflag:s29] =	ssyncadd.s32 $0xFFFFFFFF  }
0x2d: {  	_ =	strace $0x9000004B  }
0x2e: {  	_ =	sfence  }
0x2f: {  	s30 =	sld [smem:$0x0];
	_ =	sdelay $0x2  }
0x30: {  	s31 =	sshll.u32 s1, $0xD;
	s1 =	sshrl.u32 s1, $0x2  }
0x31: {  	s3 =	sand.u32 $0x4000, s31;
	s1 =	sadd.s32 s1, s30  }
0x32: {  	s0 =	sor.u32 s3, s0;
	s1 =	sshll.u32 s1, $0x11  }
0x33: {  	s0 =	sor.u32 s1, s0  }
0x34: {  	s0 =	sadd.s32 $0x8F2B, s0  }
0x35: {  	[sflag:s0] =	ssyncadd.remote.s32 $0x1  }
0x36: {  	_ =	sfence.sel $0xFFFF  }
0x37: {  	[dreg:$0x0] =	wrdreg $0xFFFFFFFF;
	(pc) =	sbr.abs _section_cstart, $3  }
0x38: {  	[dreg:$0x1] =	wrdreg $0xFFFFFFFF  }
0x39: {  	_ =	task.clear_ibuf [dreg:s7], $0x2FFFF;
	_ =	strace $0x9FFFFFFF  }
0x3a: {  	(tm) =	ssettm $0x7FFFFFFF  }
0x3b: {  	_ =	shalt  }
tec
execute0_lowered:
.L_overlay_start_1:
0x0: {  	(tag) =	ssettag $0x1  }
0x1: {  	s3 =	rddreg [dreg:$0x0]  }
0x2: {  	s0 =	srdreg.scid;
	s2 =	rddreg [dreg:$0x1]  }
0x3: {  	s4 =	simm.s32 $0x1;
	s7 =	simm.s32 $0x2;
	s16 =	simm.s32 $0x0  }
0x4: {  	p0 =	por $0x0, $0x0;
	s8 =	simm.s32 $0xC00;
	s17 =	simm.s32 $0x0  }
0x5: {  	s18 =	simm.s32 $0x0;
	s9 =	simm.s32 $0x0;
	s1 =	sand.u32 $0x1, s0  }
0x6: {  	s10 =	simm.s32 $0x0;
	s11 =	simm.s32 $0x0;
	s5 =	ssub.s32 $0x38, s1  }
.Ltmp0:
0x7: {  	s13 =	simm.s32 $0x0;
	s6 =	sshrl.u32 s5, $0x1;
	(pc) =	sbr.rel .LBB1_1-.Ltmp0, $4  }
0x8: {  	s0 =	rddreg [dreg:$0x2];
	_ =	strace $0x8000004A;
	s5 =	ssub.s32 s5, s6  }
0x9: {  	s14 =	stileid.u32;
	[sflag:s4] =	ssyncpa.u1 $0x0;
	s5 =	smul.u32 $0x3, s5  }
0xa: {  	s15 =	simm.s32 $0x0;
	s12 =	smov.u32 s1;
	[sflag:s7] =	ssyncpa.u1 $0x0  }
0xb: {  	s6 =	sadd.s32 $0x2A0800, s3;
	s3 =	stileid.u32;
	s7 =	sadd.s32 $0x1, s5  }
.LBB1_4:
0xc: {  	s21 =	sshll.u32 s10, $0x3  }
0xd: {  	s22 =	sand.u32 $0x7F, s10;
	p1 =	sgt.s32 s11, $0xF;
	s25 =	smov.u32 s11  }
0xe: {  	s26 =	sshra.s32 s11, $0x1F;
	p2 =	sgt.s32 s10, $0x100;
	s27 =	smov.u32 s10  }
0xf: {  	s28 =	sshra.s32 s10, $0x1F;
	s31 =	sshra.s32 s9, $0x1F;
	s21 =	sand.u32 $0xFFFFFC00, s21  }
0x10: {  	s25 =	simm.s32 @!p1 $0xF;
	s26 =	sand.u32 s26, s11;
	s27 =	simm.s32 @!p2 $0x100  }
0x11: {  	s30 =	sand.u32 s28, s10;
	p2 =	sgt.s32 s9, $0x37;
	s28 =	smov.u32 s9  }
0x12: {  	s22 =	sor.u32 s22, s21;
	s21 =	smulhi.u32 $0xAAAAAAAB, s21;
	s25 =	ssub.s32 s25, s26  }
0x13: {  	s23 =	smulhi.u32 $0xAAAAAAAB, s22;
	s26 =	sadd.s32 $0xFFFFFFF1, s25;
	s25 =	ssub.s32 $0x10, s25  }
0x14: {  	s21 =	sshrl.u32 s21, $0x8;
	p1 =	sgt.s32 s26, $0x0;
	s25 =	smul.u32 $0x38, s25  }
0x15: {  	s26 =	ssub.s32 s27, s30;
	s23 =	sshrl.u32 s23, $0x8;
	s24 =	smulhi.u32 $0x4924925, s21  }
0x16: {  	s28 =	simm.s32 @!p2 $0x37;
	s27 =	sadd.s32 $0xFFFFFF00, s26;
	s23 =	smul.u32 $0x180, s23  }
0x17: {  	p2 =	sgt.s32 s27, $0x7F;
	s27 =	sand.u32 s31, s9;
	s31 =	smul.u32 $0x24C00, s11  }
0x18: {  	s26 =	ssub.s32 $0x180, s26;
	s25 =	simm.s32 @p1 $0x0;
	s24 =	smul.u32 $0x38, s24  }
0x19: {  	s26 =	simm.s32 @p2 $0x0;
	s29 =	ssub.s32 s28, s27;
	s27 =	smul.u32 $0xA80, s9  }
0x1a: {  	s22 =	ssub.s32 s22, s23;
	s25 =	smul.u32 s26, s25;
	s30 =	sadd.s32 $0xFFFFFFC9, s29  }
0x1b: {  	s23 =	ssub.s32 $0x38, s29;
	s21 =	ssub.s32 s21, s24;
	p1 =	sgt.s32 s30, $0x0  }
0x1c: {  	s26 =	sadd.s32 s2, s31;
	s23 =	simm.s32 @p1 $0x0;
	s21 =	smul.u32 $0x30, s21  }
0x1d: {  	[tilespmem:s20+$0x810 ss:$0x81] =	vst.msk $0xffff, v2;
	s24 =	sadd.s32 s27, s26;
	s28 =	sand.u32 $0x7, s22;
	s23 =	smul.u32 s23, s25  }
0x1e: {  	[tilespmem:s20+$0x1020 ss:$0x81] =	vst.msk $0xffff, v0;
	s22 =	sshrl.u32 s22, $0x3;
	s29 =	sshll.u32 s28, $0x12;
	s21 =	sadd.s32 s21, s24  }
0x1f: {  	[tilespmem:s20+$0x0 ss:$0x81] =	vst.msk $0xffff, v1;
	s31 =	sor.u32 $0x400, s29;
	s30 =	sand.u32 $0x3FFFFFF8, s23;
	s21 =	sadd.s32 s22, s21  }
0x20: {  	[hbm4b:s21+s31] =	stream.strided.scatter [tilespmem:s19], [sflag:$0x2], s30, s8, s31, $0x20;
	[tilespmem:$0x8080] =	vst v63  }
.LBB1_5:
0x21: {  	p1 =	slt.u32 s15, $0x2  }
0x22: {  	p2 =	sgt.s32 @!p1 s18, $0xF  }
0x23: {  	s19 =	smov.u32 s18;
	s20 =	sshra.s32 @!p1 s18, $0x1F;
	p2 =	por !p2, p1  }
0x24: {  	p3 =	sgt.s32 @!p1 s17, $0x100;
	s18 =	sand.u32 @!p1 s20, s18;
	s19 =	simm.s32 @p2 $0xF  }
0x25: {  	s21 =	smov.u32 s16;
	p3 =	por !p3, p1;
	s18 =	ssub.s32 @!p1 s19, s18  }
0x26: {  	s20 =	sshra.s32 @!p1 s17, $0x1F;
	s19 =	sadd.s32 @!p1 $0xFFFFFFF1, s18;
	s18 =	ssub.s32 @!p1 $0x10, s18  }
0x27: {  	p2 =	sgt.s32 @!p1 s19, $0x0;
	s19 =	smov.u32 s17;
	s17 =	sand.u32 @!p1 s20, s17  }
0x28: {  	s20 =	sshra.s32 @!p1 s16, $0x1F;
	s19 =	simm.s32 @p3 $0x100;
	p3 =	sgt.s32 @!p1 s16, $0x37  }
0x29: {  	s18 =	smul.u32 @!p1 $0x38, s18;
	p3 =	por !p3, p1;
	s17 =	ssub.s32 @!p1 s19, s17  }
0x2a: {  	s16 =	sand.u32 @!p1 s20, s16;
	s21 =	simm.s32 @p3 $0x37;
	s19 =	sadd.s32 @!p1 $0xFFFFFF00, s17  }
0x2b: {  	p2 =	por !p2, p1;
	s16 =	ssub.s32 @!p1 s21, s16;
	p3 =	sgt.s32 @!p1 s19, $0x7F  }
0x2c: {  	s17 =	ssub.s32 @!p1 $0x180, s17;
	s20 =	sadd.s32 @!p1 $0xFFFFFFC9, s16;
	p3 =	por !p3, p1  }
0x2d: {  	s18 =	simm.s32 @!p2 $0x0;
	s17 =	simm.s32 @!p3 $0x0;
	p3 =	sgt.s32 @!p1 s20, $0x0  }
0x2e: {  	s16 =	ssub.s32 @!p1 $0x38, s16;
	p2 =	por !p3, p1;
	s17 =	smul.u32 @!p1 s17, s18  }
0x2f: {  	s19 =	sadd.s32 $0x2, s12;
	s20 =	smov.u32 s13;
	s16 =	simm.s32 @!p2 $0x0  }
0x30: {  	p2 =	sgt.s32 s19, $0x37;
	s16 =	smul.u32 @!p1 s16, s17;
	s17 =	sadd.s32 $0x80, s13  }
0x31: {  	s20 =	smov.u32 @p2 s17  }
0x32: {  	s22 =	smov.u32 s14;
	s17 =	sadd.s32 $0x10, s14;
	p3 =	sgt.s32 s20, $0x17F  }
0x33: {  	p0 =	por !p0, !p0;
	s21 =	simm.s32 @!p1 $0x2;
	s22 =	smov.u32 @p3 s17  }
0x34: {  	s18 =	smov.u32 s11;
	s19 =	smov.u32 @p2 s1;
	p2 =	sgt.s32 s22, $0xF  }
0x35: {  	s16 =	sand.u32 @!p1 $0x3FFFFFF8, s16;
	s22 =	smov.u32 @p2 s3;
	p2 =	sne.s32 s15, s7  }
.Ltmp1:
0x36: {  	s11 =	smov.u32 s14;
	_ =	swait.ge @!p1 [sflag:s21], s16;
	(pc) =	sbr.rel @!p2 .LBB1_6-.Ltmp1, $4  }
0x37: {  	s23 =	ssub.s32 @!p1 $0x0, s16;
	s20 =	simm.s32 @p3 $0x0;
	s16 =	smov.u32 s9  }
0x38: {  	s17 =	smov.u32 s10;
	s9 =	smov.u32 s12;
	s10 =	smov.u32 s13  }
0x39: {  	s12 =	smov.u32 s19;
	[sflag:s21] =	ssyncset.done @!p1 $0x0;
	s13 =	smov.u32 s20  }
0x3a: {  	s15 =	sadd.s32 $0x1, s15;
	[sflag:s21] =	ssyncadd.s32 @!p1 s23;
	s14 =	smov.u32 s22  }
.LBB1_1:
0x3b: {  	p1 =	sge.u32 s15, s5  }
0x3c: {  	s19 =	sand.u32 @!p1 $0x1FFFFFF, s12;
	s21 =	smul.u32 @!p1 $0x54000, s14  }
0x3d: {  	s20 =	smulhi.u32 @!p1 $0x4924925, s19  }
0x3e: {  	s23 =	smul.u32 @!p1 $0x380, s13  }
0x3f: {  	s20 =	smul.u32 @!p1 $0x38, s20  }
0x40: {  	s31 =	sadd.s32 $0xFFFFFFFF, s15;
	s21 =	sadd.s32 @!p1 s6, s21  }
0x41: {  	s22 =	sxor.u32 @!p1 $0xFFFFFFFF, s15;
	s21 =	sadd.s32 @!p1 s23, s21;
	s19 =	ssub.s32 @!p1 s19, s20  }
0x42: {  	s20 =	sshll.u32 @!p1 s22, $0xD;
	s22 =	simm.s32 @!p1 $0x1C00;
	s19 =	sshll.u32 @!p1 s19, $0x4  }
0x43: {  	s20 =	sand.u32 @!p1 $0x2000, s20;
	s19 =	sadd.s32 @!p1 s19, s21;
	s21 =	simm.s32 @!p1 $0x40  }
0x44: {  	[tilespmem:s20], [sflag:$0x1] =	stream.strided.gather @!p1 [hbm4b:s19+s21], $0x2000, s22, s21, $0x38;
	[tilespmem:$0x8080] =	vst v63  }
0x45: {  	p1 =	sge.u32 s31, s5  }
.Ltmp2:
0x46: {  	_ = 	snop;
	(pc) =	sbr.rel @p1 .LBB1_5-.Ltmp2, $1  }
0x47: {  	_ =	sdelay $0x3  }
0x48: {  	s19 =	simm.s32 $0x1  }
0x49: {  	_ =	swait.ge [sflag:s4], $0x2000;
	s19 =	simm.s32 @!p0 $0x0  }
0x4a: {  	[sflag:s4] =	ssyncset.done $0x0;
	s20 =	sshll.u32 s19, $0xD  }
0x4b: {  	[sflag:s4] =	ssyncadd.s32 $0xFFFFE000;
	s23 =	sor.u32 $0x20, s20  }
0x4c: {  	s19 =	smul.u32 $0x8100, s19;
	v3 =	vld [tilespmem:s23+$0x10]  }
0x4d: {  	s30 =	sand.u32 $0x1, s15;
	v2 =	vld [tilespmem:s23+$0xFFFFFFF0]  }
0x4e: {  	s20 =	smul.u32 $0x8100, s30;
	s19 =	sshrl.u32 s19, $0x2;
	v0 =	vld [tilespmem:s23+$0x0]  }
0x4f: {  	v1 =	vld [tilespmem:s23+$0xFFFFFFE0];
	s21 =	sor.u32 $0x4000, s19  }
0x50: {  	s31 =	sshrl.u32 s20, $0x2;
	s20 =	sadd.s32 $0x0, s21  }
0x51: {  	s22 =	simm.s32 $0x4;
	s23 =	sadd.s32 $0x40, s23;
	s19 =	sor.u32 $0x4000, s31;
	[tilespmem:s20+$0x1830 ss:$0x81] =	vst.msk $0xffff, v3  }
.LBB1_3:
0x52: {  	v3 =	vld [tilespmem:s23+$0x10];
	p1 =	sne.s32 s22, $0x1FC;
	[tilespmem:s20+$0x810 ss:$0x81] =	vst.msk $0xffff, v2;
	s24 =	smov.u32 s22;
	s22 =	sadd.s32 $0x4, s22  }
.Ltmp3:
0x53: {  	v2 =	vld [tilespmem:s23+$0xFFFFFFF0];
	[tilespmem:s20+$0x1020 ss:$0x81] =	vst.msk $0xffff, v0;
	(pc) =	sbr.rel @p1 .LBB1_3-.Ltmp3, $4  }
0x54: {  	v0 =	vld [tilespmem:s23+$0x0];
	[tilespmem:s20+$0x0 ss:$0x81] =	vst.msk $0xffff, v1  }
0x55: {  	s20 =	sshra.s32 s24, $0x2;
	v1 =	vld [tilespmem:s23+$0xFFFFFFE0]  }
0x56: {  	s20 =	sadd.s32 s20, s21  }
0x57: {  	s23 =	sadd.s32 $0x40, s23;
	[tilespmem:s20+$0x1830 ss:$0x81] =	vst.msk $0xffff, v3  }
.Ltmp4:
0x58: {  	_ = 	snop;
	(pc) =	sbr.rel .LBB1_4-.Ltmp4, $1  }
0x59: {  	_ =	sdelay $0x3  }
.LBB1_6:
0x5a: {  	_ =	sfence.sel $0x180000  }
0x5b: {  	s1 =	simm.s32 $0x1;
	[bflag:$0x0] =	sbarrier.arrive $0xFFFF  }
0x5c: {  	s31 =	simm.s32 $0x2;
	[sflag:s1] =	ssyncpa.u1 $0x1  }
0x5d: {  	[sflag:s31] =	ssyncpa.u1 $0x1  }
0x5e: {  	p0 =	sne.s32 s3, $0x0;
	_ =	strace $0x9000004A  }
0x5f: {  	s0 =	sadd.s32 @!p0 $0x100000, s0;
	[bflag:$0x2] =	sbarrier.arrive $0xFFFF  }
0x60: {  	[sflag:s0] =	ssyncadd.tile.s32 @!p0 $0x1;
	_ =	shalt  }
.Lfunc_end1:
_tile_overlayer_lowered:
.L_overlay_start_2:
0x61: {  	(tag) =	ssettag $0x2  }
0x62: {  	s0 =	rddreg [dreg:$0x0];
	s2 =	stileid.u32  }
0x63: {  	s1 =	rddreg [dreg:$0x1];
	p0 =	sne.s32 s2, $0x0  }
0x64: {  	s3 =	rddreg [dreg:$0x2];
	[bflag:$0x3] =	sbarrier.arrive $0xFFFF;
	s2 =	simm.s32 @!p0 $0x1C01  }
0x65: {  	[timem:s3], [sflag:s2] =	dma.local @!p0 [hbm:s0], s1  }
0x66: {  	s0 =	simm.s32 @!p0 $0x1  }
0x67: {  	_ =	swait.ge @!p0 [sflag:s0], s1  }
0x68: {  	s1 =	ssub.s32 @!p0 $0x0, s1;
	[sflag:s0] =	ssyncset.done @!p0 $0x0  }
0x69: {  	[sflag:s0] =	ssyncadd.s32 @!p0 s1  }
0x6a: {  	[bflag:$0x3] =	sbarrier.arrive $0xFFFF  }
0x6b: {  	_ =	shalt  }

</sc_bundles>
